<compile_context>
chip_gen: v7x
topology: tpu7x:2x2x1
jax: 0.10.2.dev20260603
libtpu: 0.0.44.dev20260713+nightly
codegen_flags: <defaults>
</compile_context>

<pallas_src>
import dataclasses
import functools

import jax
import jax.numpy as jnp
from jax import lax
from jax.experimental import pallas as pl
from jax.experimental.pallas import tpu as pltpu
from jax.experimental.pallas import tpu_sc as plsc

NUM_BINS = 16
NC = 2
NS = 16
LANES = 16
NW = NC * NS
ROW = 84
NVEC = 6


def _sc_bin_pass(src2d, tar2d):
    nrows = src2d.shape[0]
    rows_per_tile = nrows // NW
    chunk_rows = 128
    nchunk = rows_per_tile // chunk_rows

    mesh = plsc.VectorSubcoreMesh(core_axis_name="c", subcore_axis_name="s")
    f32 = jnp.float32

    cp = pltpu.CompilerParams()
    if "needs_layout_passes" in pltpu.CompilerParams.__dataclass_fields__:
        cp = dataclasses.replace(cp, needs_layout_passes=False)

    acc_scratch = [pltpu.VMEM((256,), f32) for _ in range(2 * NVEC)]

    @functools.partial(
        pl.kernel,
        mesh=mesh,
        compiler_params=cp,
        out_type=[
            jax.ShapeDtypeStruct((NW, NVEC, 256), f32),
            jax.ShapeDtypeStruct((NW, NVEC, 256), f32),
            jax.ShapeDtypeStruct((NW, LANES), f32),
        ],
        scratch_types=[
            *[pltpu.VMEM((chunk_rows, ROW), f32) for _ in range(6)],
            *acc_scratch,
            pltpu.VMEM((LANES,), f32),
            pltpu.SemaphoreType.DMA,
            pltpu.SemaphoreType.DMA,
            pltpu.SemaphoreType.DMA,
        ],
    )
    def sc_kernel(src_hbm, tar_hbm, sums_out, cnts_out, maxs_out, *rest):
        pairs = [(rest[2 * j], rest[2 * j + 1]) for j in range(3)]
        rest = rest[6:]
        saccs = rest[:NVEC]
        caccs = rest[NVEC:2 * NVEC]
        mx_ref = rest[2 * NVEC]
        sems = rest[2 * NVEC + 1:2 * NVEC + 4]

        wid = lax.axis_index("s") * NC + lax.axis_index("c")
        row_base = wid * rows_per_tile

        zeros16 = jnp.zeros((LANES,), f32)
        for acc in (*saccs, *caccs):
            for j in range(256 // LANES):
                acc[pl.ds(j * LANES, LANES)] = zeros16
        mx_ref[...] = zeros16

        lane = lax.iota(jnp.int32, LANES)
        ones16 = jnp.full((LANES,), 1.0, f32)
        tailmask = lane >= (LANES - (ROW - (NVEC - 1) * LANES))
        col_off = [u * LANES for u in range(NVEC - 1)] + [ROW - LANES]

        def start(chunk_idx, sbuf, tbuf, sem):
            r0 = pl.multiple_of(row_base + chunk_idx * chunk_rows, 8)
            pltpu.make_async_copy(src_hbm.at[pl.ds(r0, chunk_rows)], sbuf, sem).start()
            pltpu.make_async_copy(tar_hbm.at[pl.ds(r0, chunk_rows)], tbuf, sem).start()

        def wait(sbuf, tbuf, sem):
            pltpu.make_async_copy(src_hbm.at[pl.ds(0, chunk_rows)], sbuf, sem).wait()
            pltpu.make_async_copy(tar_hbm.at[pl.ds(0, chunk_rows)], tbuf, sem).wait()

        def load_row(sbuf, tbuf, r):
            ts = [tbuf[r, pl.ds(c, LANES)] for c in col_off]
            ss = [sbuf[r, pl.ds(c, LANES)] for c in col_off]
            dd = [s - t for s, t in zip(ss, ts)]
            dd = [x * x for x in dd]
            tis = [t.astype(jnp.int32) for t in ts]
            sls = [lax.bitwise_or(lax.shift_left(ti, 4), lane) for ti in tis]
            ms = [*ts[:NVEC - 1], jnp.where(tailmask, ts[NVEC - 1], 0.0)]
            while len(ms) > 1:
                ms = [jnp.maximum(a, b) for a, b in zip(ms[::2], ms[1::2])] \
                    + ([ms[-1]] if len(ms) % 2 else [])
            return dd, sls, ms[0]

        def scatter_row(dd, sls):
            for u in range(NVEC - 1):
                plsc.addupdate_scatter(saccs[u], [sls[u]], dd[u])
                plsc.addupdate_scatter(caccs[u], [sls[u]], ones16)
            u = NVEC - 1
            plsc.addupdate_scatter(saccs[u], [sls[u]], dd[u], mask=tailmask)
            plsc.addupdate_scatter(caccs[u], [sls[u]], ones16, mask=tailmask)

        def process(sbuf, tbuf):
            d0, sl0, m0 = load_row(sbuf, tbuf, 0)

            def body(i, carry):
                dd, sls, mx = carry
                ndd, nsls, nm = load_row(sbuf, tbuf, i)
                scatter_row(dd, sls)
                return ndd, nsls, jnp.maximum(mx, nm)

            dd, sls, mxf = lax.fori_loop(
                1, chunk_rows, body,
                (d0, sl0, jnp.maximum(mx_ref[...], m0)))
            scatter_row(dd, sls)
            mx_ref[...] = mxf

        start(0, *pairs[0], sems[0])
        start(1, *pairs[1], sems[1])

        @pl.loop(0, nchunk, step=3)
        def _(kk):
            for j in range(3):
                nxt = (j + 2) % 3

                @pl.when(kk + j + 2 < nchunk)
                def _(j=j, nxt=nxt):
                    start(kk + j + 2, *pairs[nxt], sems[nxt])

                wait(*pairs[j], sems[j])
                process(*pairs[j])

        for u in range(NVEC):
            pltpu.sync_copy(saccs[u], sums_out.at[wid, u])
            pltpu.sync_copy(caccs[u], cnts_out.at[wid, u])
        pltpu.sync_copy(mx_ref, maxs_out.at[wid])

    return sc_kernel(src2d, tar2d)


def _epilogue(sums, cnts, maxs, lam, n_total):
    def body(s_ref, c_ref, m_ref, lam_ref, o_ref):
        s_bins = jnp.sum(jnp.sum(s_ref[...], axis=2), axis=0, keepdims=True)
        c_bins = jnp.sum(jnp.sum(c_ref[...], axis=2), axis=0, keepdims=True)
        mx = jnp.max(m_ref[...])
        nb = jnp.ceil(mx).astype(jnp.int32)
        bins = lax.broadcasted_iota(jnp.int32, (1, NUM_BINS), 1)
        last = nb - 1
        c_tail = jnp.sum(jnp.where(bins >= last, c_bins, 0.0))
        s_tail = jnp.sum(jnp.where(bins >= last, s_bins, 0.0))
        c_f = jnp.where(bins == last, c_tail, jnp.where(bins < last, c_bins, 0.0))
        s_f = jnp.where(bins == last, s_tail, jnp.where(bins < last, s_bins, 0.0))
        f_dems = c_f / n_total
        w = lam_ref[0, 0] / (f_dems + 0.01)
        w = jnp.where(bins < nb, w, 0.0)
        w = w / jnp.sum(w)
        loss = jnp.sum(w * s_f, axis=1, keepdims=True) / n_total
        o_ref[...] = loss

    return pl.pallas_call(
        body,
        out_shape=jax.ShapeDtypeStruct((1, 1), jnp.float32),
    )(sums, cnts, maxs, lam)


def kernel(src, tar, lambda_L2=1.0):
    n = src.size
    src2d = src.reshape(n // ROW, ROW)
    tar2d = tar.reshape(n // ROW, ROW)
    sums, cnts, maxs = _sc_bin_pass(src2d, tar2d)
    lam = jnp.asarray(lambda_L2, jnp.float32).reshape(1, 1)
    out = _epilogue(
        sums.reshape(-1, NUM_BINS, LANES),
        cnts.reshape(-1, NUM_BINS, LANES),
        maxs,
        lam,
        float(n),
    )
    return out[0, 0]

# --- scband reference (transcript-rebuilt; emitter-appended) ---
"""Pipeline reference for scband-pwrswt-l-6141803233717 (READ-ONLY COPY).

The authoritative reference and input builder live on the scoring server;
editing this copy changes nothing except your own understanding.
"""

import jax, jax.numpy as jnp
import numpy as np
import math


def setup_inputs(seed: int = 0) -> dict:
    key = jax.random.key(seed)
    k1, k2 = jax.random.split(key)
    src = jax.random.normal(k1, (1024, 1, 192, 84), dtype=jnp.float32) * 4.0 + 8.0
    # tar must be non-negative; scale uniform to [0, 16) so the histogram has ~16 unit-width bins
    tar = jax.random.uniform(k2, (1024, 1, 192, 84), dtype=jnp.float32) * 16.0
    return {"src": src, "tar": tar, "lambda_L2": jnp.float32(1.0)}


def reference(src, tar, lambda_L2=1.0):
    # bin_edges = arange(0, ceil(tar.max()) + 1) -> unit-width bins [i, i+1)
    n_bins = jnp.ceil(jnp.max(tar)).astype(jnp.int32)
    max_bins = 16
    # torch.histogram counts: with unit-width bins starting at 0, bin index = floor(tar)
    # (the right edge of the last bin is inclusive in torch; tar.max() < n_bins almost surely,
    #  clip handles the boundary case identically)
    bin_idx = jnp.clip(jnp.floor(tar).astype(jnp.int32), 0, n_bins - 1)
    hist = jnp.bincount(bin_idx.reshape(-1), length=max_bins).astype(jnp.float32)
    f_dems = hist / tar.size
    weights = lambda_L2 / (f_dems + 0.01)
    weights = jnp.where(jnp.arange(max_bins) < n_bins, weights, 0.0)
    weights = weights / jnp.sum(weights)
    # mask_tensor[(i <= tar) & (tar < i+1)] = weights[i]  == gather by floor(tar)
    mask_tensor = weights[bin_idx]
    diff_sq = (src - tar) ** 2
    loss = jnp.mean(mask_tensor * diff_sq)
    return loss

if __name__ == "__main__":
    import jax
    _d = setup_inputs()
    print(jax.jit(kernel)(*tuple(_d.values())))

</pallas_src>

<mosaic_0001>
#map = affine_map<(d0, d1) -> (0, 0)>
#map1 = affine_map<(d0, d1) -> (0, 0, 0)>
module attributes {stable_mosaic.version = 14 : i64} {
  func.func @sc_kernel(%arg0: i32, %arg1: i32, %arg2: memref<196608x84xf32, #tpu.memory_space<hbm>>, %arg3: memref<196608x84xf32, #tpu.memory_space<hbm>>, %arg4: memref<32x6x256xf32, #tpu.memory_space<hbm>>, %arg5: memref<32x6x256xf32, #tpu.memory_space<hbm>>, %arg6: memref<32x16xf32, #tpu.memory_space<hbm>>, %arg7: memref<128x84xf32, #tpu.memory_space<vmem>>, %arg8: memref<128x84xf32, #tpu.memory_space<vmem>>, %arg9: memref<128x84xf32, #tpu.memory_space<vmem>>, %arg10: memref<128x84xf32, #tpu.memory_space<vmem>>, %arg11: memref<128x84xf32, #tpu.memory_space<vmem>>, %arg12: memref<128x84xf32, #tpu.memory_space<vmem>>, %arg13: memref<256xf32, #tpu.memory_space<vmem>>, %arg14: memref<256xf32, #tpu.memory_space<vmem>>, %arg15: memref<256xf32, #tpu.memory_space<vmem>>, %arg16: memref<256xf32, #tpu.memory_space<vmem>>, %arg17: memref<256xf32, #tpu.memory_space<vmem>>, %arg18: memref<256xf32, #tpu.memory_space<vmem>>, %arg19: memref<256xf32, #tpu.memory_space<vmem>>, %arg20: memref<256xf32, #tpu.memory_space<vmem>>, %arg21: memref<256xf32, #tpu.memory_space<vmem>>, %arg22: memref<256xf32, #tpu.memory_space<vmem>>, %arg23: memref<256xf32, #tpu.memory_space<vmem>>, %arg24: memref<256xf32, #tpu.memory_space<vmem>>, %arg25: memref<16xf32, #tpu.memory_space<vmem>>, %arg26: memref<!tpu.dma_semaphore, #tpu.memory_space<semaphore_mem>>, %arg27: memref<!tpu.dma_semaphore, #tpu.memory_space<semaphore_mem>>, %arg28: memref<!tpu.dma_semaphore, #tpu.memory_space<semaphore_mem>>) attributes {dimension_semantics = [#tpu.dimension_semantics<core_parallel>, #tpu.dimension_semantics<subcore_parallel>], iteration_bounds = array<i64: 2, 16>, scalar_prefetch = 0 : i64, scratch_operands = 22 : i64, tpu.core_type = #tpu.core_type<sc_vector_subcore>, window_params = [{transform_indices = #map}, {transform_indices = #map}, {transform_indices = #map1}, {transform_indices = #map1}, {transform_indices = #map}]} {
    %mul3A = arith.constant 2 : i32
    %mul3A_0 = arith.muli %arg1, %mul3A : i32
    %add3A = arith.addi %mul3A_0, %arg0 : i32
    %mul3A_1 = arith.constant 6144 : i32
    %mul3A_2 = arith.muli %add3A, %mul3A_1 : i32
    %broadcast_in_dim3A = arith.constant 0.000000e+00 : f32
    %broadcast_in_dim3A_3 = vector.broadcast %broadcast_in_dim3A : f32 to vector<16xf32>
    %swap3A = arith.constant 0 : index
    %swap3A_4 = tpu.vector_load %arg13[%swap3A] {strides = array<i32>} : memref<256xf32, #tpu.memory_space<vmem>>, vector<16xf32>,
    tpu.vector_store %arg13[%swap3A], %broadcast_in_dim3A_3 {strides = array<i32>} : memref<256xf32, #tpu.memory_space<vmem>>, vector<16xf32>,
    %swap3A_5 = arith.constant 16 : index
    %swap3A_6 = tpu.vector_load %arg13[%swap3A_5] {strides = array<i32>} : memref<256xf32, #tpu.memory_space<vmem>>, vector<16xf32>,
    tpu.vector_store %arg13[%swap3A_5], %broadcast_in_dim3A_3 {strides = array<i32>} : memref<256xf32, #tpu.memory_space<vmem>>, vector<16xf32>,
    %swap3A_7 = arith.constant 32 : index
    %swap3A_8 = tpu.vector_load %arg13[%swap3A_7] {strides = array<i32>} : memref<256xf32, #tpu.memory_space<vmem>>, vector<16xf32>,
    tpu.vector_store %arg13[%swap3A_7], %broadcast_in_dim3A_3 {strides = array<i32>} : memref<256xf32, #tpu.memory_space<vmem>>, vector<16xf32>,
    %swap3A_9 = arith.constant 48 : index
    %swap3A_10 = tpu.vector_load %arg13[%swap3A_9] {strides = array<i32>} : memref<256xf32, #tpu.memory_space<vmem>>, vector<16xf32>,
    tpu.vector_store %arg13[%swap3A_9], %broadcast_in_dim3A_3 {strides = array<i32>} : memref<256xf32, #tpu.memory_space<vmem>>, vector<16xf32>,
    %swap3A_11 = arith.constant 64 : index
    %swap3A_12 = tpu.vector_load %arg13[%swap3A_11] {strides = array<i32>} : memref<256xf32, #tpu.memory_space<vmem>>, vector<16xf32>,
    tpu.vector_store %arg13[%swap3A_11], %broadcast_in_dim3A_3 {strides = array<i32>} : memref<256xf32, #tpu.memory_space<vmem>>, vector<16xf32>,
    %swap3A_13 = arith.constant 80 : index
    %swap3A_14 = tpu.vector_load %arg13[%swap3A_13] {strides = array<i32>} : memref<256xf32, #tpu.memory_space<vmem>>, vector<16xf32>,
    tpu.vector_store %arg13[%swap3A_13], %broadcast_in_dim3A_3 {strides = array<i32>} : memref<256xf32, #tpu.memory_space<vmem>>, vector<16xf32>,
    %swap3A_15 = arith.constant 96 : index
    %swap3A_16 = tpu.vector_load %arg13[%swap3A_15] {strides = array<i32>} : memref<256xf32, #tpu.memory_space<vmem>>, vector<16xf32>,
    tpu.vector_store %arg13[%swap3A_15], %broadcast_in_dim3A_3 {strides = array<i32>} : memref<256xf32, #tpu.memory_space<vmem>>, vector<16xf32>,
    %swap3A_17 = arith.constant 112 : index
    %swap3A_18 = tpu.vector_load %arg13[%swap3A_17] {strides = array<i32>} : memref<256xf32, #tpu.memory_space<vmem>>, vector<16xf32>,
    tpu.vector_store %arg13[%swap3A_17], %broadcast_in_dim3A_3 {strides = array<i32>} : memref<256xf32, #tpu.memory_space<vmem>>, vector<16xf32>,
    %swap3A_19 = arith.constant 128 : index
    %swap3A_20 = tpu.vector_load %arg13[%swap3A_19] {strides = array<i32>} : memref<256xf32, #tpu.memory_space<vmem>>, vector<16xf32>,
    tpu.vector_store %arg13[%swap3A_19], %broadcast_in_dim3A_3 {strides = array<i32>} : memref<256xf32, #tpu.memory_space<vmem>>, vector<16xf32>,
    %swap3A_21 = arith.constant 144 : index
    %swap3A_22 = tpu.vector_load %arg13[%swap3A_21] {strides = array<i32>} : memref<256xf32, #tpu.memory_space<vmem>>, vector<16xf32>,
    tpu.vector_store %arg13[%swap3A_21], %broadcast_in_dim3A_3 {strides = array<i32>} : memref<256xf32, #tpu.memory_space<vmem>>, vector<16xf32>,
    %swap3A_23 = arith.constant 160 : index
    %swap3A_24 = tpu.vector_load %arg13[%swap3A_23] {strides = array<i32>} : memref<256xf32, #tpu.memory_space<vmem>>, vector<16xf32>,
    tpu.vector_store %arg13[%swap3A_23], %broadcast_in_dim3A_3 {strides = array<i32>} : memref<256xf32, #tpu.memory_space<vmem>>, vector<16xf32>,
    %swap3A_25 = arith.constant 176 : index
    %swap3A_26 = tpu.vector_load %arg13[%swap3A_25] {strides = array<i32>} : memref<256xf32, #tpu.memory_space<vmem>>, vector<16xf32>,
    tpu.vector_store %arg13[%swap3A_25], %broadcast_in_dim3A_3 {strides = array<i32>} : memref<256xf32, #tpu.memory_space<vmem>>, vector<16xf32>,
    %swap3A_27 = arith.constant 192 : index
    %swap3A_28 = tpu.vector_load %arg13[%swap3A_27] {strides = array<i32>} : memref<256xf32, #tpu.memory_space<vmem>>, vector<16xf32>,
    tpu.vector_store %arg13[%swap3A_27], %broadcast_in_dim3A_3 {strides = array<i32>} : memref<256xf32, #tpu.memory_space<vmem>>, vector<16xf32>,
    %swap3A_29 = arith.constant 208 : index
    %swap3A_30 = tpu.vector_load %arg13[%swap3A_29] {strides = array<i32>} : memref<256xf32, #tpu.memory_space<vmem>>, vector<16xf32>,
    tpu.vector_store %arg13[%swap3A_29], %broadcast_in_dim3A_3 {strides = array<i32>} : memref<256xf32, #tpu.memory_space<vmem>>, vector<16xf32>,
    %swap3A_31 = arith.constant 224 : index
    %swap3A_32 = tpu.vector_load %arg13[%swap3A_31] {strides = array<i32>} : memref<256xf32, #tpu.memory_space<vmem>>, vector<16xf32>,
    tpu.vector_store %arg13[%swap3A_31], %broadcast_in_dim3A_3 {strides = array<i32>} : memref<256xf32, #tpu.memory_space<vmem>>, vector<16xf32>,
    %swap3A_33 = arith.constant 240 : index
    %swap3A_34 = tpu.vector_load %arg13[%swap3A_33] {strides = array<i32>} : memref<256xf32, #tpu.memory_space<vmem>>, vector<16xf32>,
    tpu.vector_store %arg13[%swap3A_33], %broadcast_in_dim3A_3 {strides = array<i32>} : memref<256xf32, #tpu.memory_space<vmem>>, vector<16xf32>,
    %swap3A_35 = arith.constant 0 : index
    %swap3A_36 = tpu.vector_load %arg14[%swap3A_35] {strides = array<i32>} : memref<256xf32, #tpu.memory_space<vmem>>, vector<16xf32>,
    tpu.vector_store %arg14[%swap3A_35], %broadcast_in_dim3A_3 {strides = array<i32>} : memref<256xf32, #tpu.memory_space<vmem>>, vector<16xf32>,
    %swap3A_37 = arith.constant 16 : index
    %swap3A_38 = tpu.vector_load %arg14[%swap3A_37] {strides = array<i32>} : memref<256xf32, #tpu.memory_space<vmem>>, vector<16xf32>,
    tpu.vector_store %arg14[%swap3A_37], %broadcast_in_dim3A_3 {strides = array<i32>} : memref<256xf32, #tpu.memory_space<vmem>>, vector<16xf32>,
    %swap3A_39 = arith.constant 32 : index
    %swap3A_40 = tpu.vector_load %arg14[%swap3A_39] {strides = array<i32>} : memref<256xf32, #tpu.memory_space<vmem>>, vector<16xf32>,
    tpu.vector_store %arg14[%swap3A_39], %broadcast_in_dim3A_3 {strides = array<i32>} : memref<256xf32, #tpu.memory_space<vmem>>, vector<16xf32>,
    %swap3A_41 = arith.constant 48 : index
    %swap3A_42 = tpu.vector_load %arg14[%swap3A_41] {strides = array<i32>} : memref<256xf32, #tpu.memory_space<vmem>>, vector<16xf32>,
    tpu.vector_store %arg14[%swap3A_41], %broadcast_in_dim3A_3 {strides = array<i32>} : memref<256xf32, #tpu.memory_space<vmem>>, vector<16xf32>,
    %swap3A_43 = arith.constant 64 : index
    %swap3A_44 = tpu.vector_load %arg14[%swap3A_43] {strides = array<i32>} : memref<256xf32, #tpu.memory_space<vmem>>, vector<16xf32>,
    tpu.vector_store %arg14[%swap3A_43], %broadcast_in_dim3A_3 {strides = array<i32>} : memref<256xf32, #tpu.memory_space<vmem>>, vector<16xf32>,
    %swap3A_45 = arith.constant 80 : index
    %swap3A_46 = tpu.vector_load %arg14[%swap3A_45] {strides = array<i32>} : memref<256xf32, #tpu.memory_space<vmem>>, vector<16xf32>,
    tpu.vector_store %arg14[%swap3A_45], %broadcast_in_dim3A_3 {strides = array<i32>} : memref<256xf32, #tpu.memory_space<vmem>>, vector<16xf32>,
    %swap3A_47 = arith.constant 96 : index
    %swap3A_48 = tpu.vector_load %arg14[%swap3A_47] {strides = array<i32>} : memref<256xf32, #tpu.memory_space<vmem>>, vector<16xf32>,
    tpu.vector_store %arg14[%swap3A_47], %broadcast_in_dim3A_3 {strides = array<i32>} : memref<256xf32, #tpu.memory_space<vmem>>, vector<16xf32>,
    %swap3A_49 = arith.constant 112 : index
    %swap3A_50 = tpu.vector_load %arg14[%swap3A_49] {strides = array<i32>} : memref<256xf32, #tpu.memory_space<vmem>>, vector<16xf32>,
    tpu.vector_store %arg14[%swap3A_49], %broadcast_in_dim3A_3 {strides = array<i32>} : memref<256xf32, #tpu.memory_space<vmem>>, vector<16xf32>,
    %swap3A_51 = arith.constant 128 : index
    %swap3A_52 = tpu.vector_load %arg14[%swap3A_51] {strides = array<i32>} : memref<256xf32, #tpu.memory_space<vmem>>, vector<16xf32>,
    tpu.vector_store %arg14[%swap3A_51], %broadcast_in_dim3A_3 {strides = array<i32>} : memref<256xf32, #tpu.memory_space<vmem>>, vector<16xf32>,
    %swap3A_53 = arith.constant 144 : index
    %swap3A_54 = tpu.vector_load %arg14[%swap3A_53] {strides = array<i32>} : memref<256xf32, #tpu.memory_space<vmem>>, vector<16xf32>,
    tpu.vector_store %arg14[%swap3A_53], %broadcast_in_dim3A_3 {strides = array<i32>} : memref<256xf32, #tpu.memory_space<vmem>>, vector<16xf32>,
    %swap3A_55 = arith.constant 160 : index
    %swap3A_56 = tpu.vector_load %arg14[%swap3A_55] {strides = array<i32>} : memref<256xf32, #tpu.memory_space<vmem>>, vector<16xf32>,
    tpu.vector_store %arg14[%swap3A_55], %broadcast_in_dim3A_3 {strides = array<i32>} : memref<256xf32, #tpu.memory_space<vmem>>, vector<16xf32>,
    %swap3A_57 = arith.constant 176 : index
    %swap3A_58 = tpu.vector_load %arg14[%swap3A_57] {strides = array<i32>} : memref<256xf32, #tpu.memory_space<vmem>>, vector<16xf32>,
    tpu.vector_store %arg14[%swap3A_57], %broadcast_in_dim3A_3 {strides = array<i32>} : memref<256xf32, #tpu.memory_space<vmem>>, vector<16xf32>,
    %swap3A_59 = arith.constant 192 : index
    %swap3A_60 = tpu.vector_load %arg14[%swap3A_59] {strides = array<i32>} : memref<256xf32, #tpu.memory_space<vmem>>, vector<16xf32>,
    tpu.vector_store %arg14[%swap3A_59], %broadcast_in_dim3A_3 {strides = array<i32>} : memref<256xf32, #tpu.memory_space<vmem>>, vector<16xf32>,
    %swap3A_61 = arith.constant 208 : index
    %swap3A_62 = tpu.vector_load %arg14[%swap3A_61] {strides = array<i32>} : memref<256xf32, #tpu.memory_space<vmem>>, vector<16xf32>,
    tpu.vector_store %arg14[%swap3A_61], %broadcast_in_dim3A_3 {strides = array<i32>} : memref<256xf32, #tpu.memory_space<vmem>>, vector<16xf32>,
    %swap3A_63 = arith.constant 224 : index
    %swap3A_64 = tpu.vector_load %arg14[%swap3A_63] {strides = array<i32>} : memref<256xf32, #tpu.memory_space<vmem>>, vector<16xf32>,
    tpu.vector_store %arg14[%swap3A_63], %broadcast_in_dim3A_3 {strides = array<i32>} : memref<256xf32, #tpu.memory_space<vmem>>, vector<16xf32>,
    %swap3A_65 = arith.constant 240 : index
    %swap3A_66 = tpu.vector_load %arg14[%swap3A_65] {strides = array<i32>} : memref<256xf32, #tpu.memory_space<vmem>>, vector<16xf32>,
    tpu.vector_store %arg14[%swap3A_65], %broadcast_in_dim3A_3 {strides = array<i32>} : memref<256xf32, #tpu.memory_space<vmem>>, vector<16xf32>,
    %swap3A_67 = arith.constant 0 : index
    %swap3A_68 = tpu.vector_load %arg15[%swap3A_67] {strides = array<i32>} : memref<256xf32, #tpu.memory_space<vmem>>, vector<16xf32>,
    tpu.vector_store %arg15[%swap3A_67], %broadcast_in_dim3A_3 {strides = array<i32>} : memref<256xf32, #tpu.memory_space<vmem>>, vector<16xf32>,
    %swap3A_69 = arith.constant 16 : index
    %swap3A_70 = tpu.vector_load %arg15[%swap3A_69] {strides = array<i32>} : memref<256xf32, #tpu.memory_space<vmem>>, vector<16xf32>,
    tpu.vector_store %arg15[%swap3A_69], %broadcast_in_dim3A_3 {strides = array<i32>} : memref<256xf32, #tpu.memory_space<vmem>>, vector<16xf32>,
    %swap3A_71 = arith.constant 32 : index
    %swap3A_72 = tpu.vector_load %arg15[%swap3A_71] {strides = array<i32>} : memref<256xf32, #tpu.memory_space<vmem>>, vector<16xf32>,
    tpu.vector_store %arg15[%swap3A_71], %broadcast_in_dim3A_3 {strides = array<i32>} : memref<256xf32, #tpu.memory_space<vmem>>, vector<16xf32>,
    %swap3A_73 = arith.constant 48 : index
    %swap3A_74 = tpu.vector_load %arg15[%swap3A_73] {strides = array<i32>} : memref<256xf32, #tpu.memory_space<vmem>>, vector<16xf32>,
    tpu.vector_store %arg15[%swap3A_73], %broadcast_in_dim3A_3 {strides = array<i32>} : memref<256xf32, #tpu.memory_space<vmem>>, vector<16xf32>,
    %swap3A_75 = arith.constant 64 : index
    %swap3A_76 = tpu.vector_load %arg15[%swap3A_75] {strides = array<i32>} : memref<256xf32, #tpu.memory_space<vmem>>, vector<16xf32>,
    tpu.vector_store %arg15[%swap3A_75], %broadcast_in_dim3A_3 {strides = array<i32>} : memref<256xf32, #tpu.memory_space<vmem>>, vector<16xf32>,
    %swap3A_77 = arith.constant 80 : index
    %swap3A_78 = tpu.vector_load %arg15[%swap3A_77] {strides = array<i32>} : memref<256xf32, #tpu.memory_space<vmem>>, vector<16xf32>,
    tpu.vector_store %arg15[%swap3A_77], %broadcast_in_dim3A_3 {strides = array<i32>} : memref<256xf32, #tpu.memory_space<vmem>>, vector<16xf32>,
    %swap3A_79 = arith.constant 96 : index
    %swap3A_80 = tpu.vector_load %arg15[%swap3A_79] {strides = array<i32>} : memref<256xf32, #tpu.memory_space<vmem>>, vector<16xf32>,
    tpu.vector_store %arg15[%swap3A_79], %broadcast_in_dim3A_3 {strides = array<i32>} : memref<256xf32, #tpu.memory_space<vmem>>, vector<16xf32>,
    %swap3A_81 = arith.constant 112 : index
    %swap3A_82 = tpu.vector_load %arg15[%swap3A_81] {strides = array<i32>} : memref<256xf32, #tpu.memory_space<vmem>>, vector<16xf32>,
    tpu.vector_store %arg15[%swap3A_81], %broadcast_in_dim3A_3 {strides = array<i32>} : memref<256xf32, #tpu.memory_space<vmem>>, vector<16xf32>,
    %swap3A_83 = arith.constant 128 : index
    %swap3A_84 = tpu.vector_load %arg15[%swap3A_83] {strides = array<i32>} : memref<256xf32, #tpu.memory_space<vmem>>, vector<16xf32>,
    tpu.vector_store %arg15[%swap3A_83], %broadcast_in_dim3A_3 {strides = array<i32>} : memref<256xf32, #tpu.memory_space<vmem>>, vector<16xf32>,
    %swap3A_85 = arith.constant 144 : index
    %swap3A_86 = tpu.vector_load %arg15[%swap3A_85] {strides = array<i32>} : memref<256xf32, #tpu.memory_space<vmem>>, vector<16xf32>,
    tpu.vector_store %arg15[%swap3A_85], %broadcast_in_dim3A_3 {strides = array<i32>} : memref<256xf32, #tpu.memory_space<vmem>>, vector<16xf32>,
    %swap3A_87 = arith.constant 160 : index
    %swap3A_88 = tpu.vector_load %arg15[%swap3A_87] {strides = array<i32>} : memref<256xf32, #tpu.memory_space<vmem>>, vector<16xf32>,
    tpu.vector_store %arg15[%swap3A_87], %broadcast_in_dim3A_3 {strides = array<i32>} : memref<256xf32, #tpu.memory_space<vmem>>, vector<16xf32>,
    %swap3A_89 = arith.constant 176 : index
    %swap3A_90 = tpu.vector_load %arg15[%swap3A_89] {strides = array<i32>} : memref<256xf32, #tpu.memory_space<vmem>>, vector<16xf32>,
    tpu.vector_store %arg15[%swap3A_89], %broadcast_in_dim3A_3 {strides = array<i32>} : memref<256xf32, #tpu.memory_space<vmem>>, vector<16xf32>,
    %swap3A_91 = arith.constant 192 : index
    %swap3A_92 = tpu.vector_load %arg15[%swap3A_91] {strides = array<i32>} : memref<256xf32, #tpu.memory_space<vmem>>, vector<16xf32>,
    tpu.vector_store %arg15[%swap3A_91], %broadcast_in_dim3A_3 {strides = array<i32>} : memref<256xf32, #tpu.memory_space<vmem>>, vector<16xf32>,
    %swap3A_93 = arith.constant 208 : index
    %swap3A_94 = tpu.vector_load %arg15[%swap3A_93] {strides = array<i32>} : memref<256xf32, #tpu.memory_space<vmem>>, vector<16xf32>,
    tpu.vector_store %arg15[%swap3A_93], %broadcast_in_dim3A_3 {strides = array<i32>} : memref<256xf32, #tpu.memory_space<vmem>>, vector<16xf32>,
    %swap3A_95 = arith.constant 224 : index
    %swap3A_96 = tpu.vector_load %arg15[%swap3A_95] {strides = array<i32>} : memref<256xf32, #tpu.memory_space<vmem>>, vector<16xf32>,
    tpu.vector_store %arg15[%swap3A_95], %broadcast_in_dim3A_3 {strides = array<i32>} : memref<256xf32, #tpu.memory_space<vmem>>, vector<16xf32>,
    %swap3A_97 = arith.constant 240 : index
    %swap3A_98 = tpu.vector_load %arg15[%swap3A_97] {strides = array<i32>} : memref<256xf32, #tpu.memory_space<vmem>>, vector<16xf32>,
    tpu.vector_store %arg15[%swap3A_97], %broadcast_in_dim3A_3 {strides = array<i32>} : memref<256xf32, #tpu.memory_space<vmem>>, vector<16xf32>,
    %swap3A_99 = arith.constant 0 : index
    %swap3A_100 = tpu.vector_load %arg16[%swap3A_99] {strides = array<i32>} : memref<256xf32, #tpu.memory_space<vmem>>, vector<16xf32>,
    tpu.vector_store %arg16[%swap3A_99], %broadcast_in_dim3A_3 {strides = array<i32>} : memref<256xf32, #tpu.memory_space<vmem>>, vector<16xf32>,
    %swap3A_101 = arith.constant 16 : index
    %swap3A_102 = tpu.vector_load %arg16[%swap3A_101] {strides = array<i32>} : memref<256xf32, #tpu.memory_space<vmem>>, vector<16xf32>,
    tpu.vector_store %arg16[%swap3A_101], %broadcast_in_dim3A_3 {strides = array<i32>} : memref<256xf32, #tpu.memory_space<vmem>>, vector<16xf32>,
    %swap3A_103 = arith.constant 32 : index
    %swap3A_104 = tpu.vector_load %arg16[%swap3A_103] {strides = array<i32>} : memref<256xf32, #tpu.memory_space<vmem>>, vector<16xf32>,
    tpu.vector_store %arg16[%swap3A_103], %broadcast_in_dim3A_3 {strides = array<i32>} : memref<256xf32, #tpu.memory_space<vmem>>, vector<16xf32>,
    %swap3A_105 = arith.constant 48 : index
    %swap3A_106 = tpu.vector_load %arg16[%swap3A_105] {strides = array<i32>} : memref<256xf32, #tpu.memory_space<vmem>>, vector<16xf32>,
    tpu.vector_store %arg16[%swap3A_105], %broadcast_in_dim3A_3 {strides = array<i32>} : memref<256xf32, #tpu.memory_space<vmem>>, vector<16xf32>,
    %swap3A_107 = arith.constant 64 : index
    %swap3A_108 = tpu.vector_load %arg16[%swap3A_107] {strides = array<i32>} : memref<256xf32, #tpu.memory_space<vmem>>, vector<16xf32>,
    tpu.vector_store %arg16[%swap3A_107], %broadcast_in_dim3A_3 {strides = array<i32>} : memref<256xf32, #tpu.memory_space<vmem>>, vector<16xf32>,
    %swap3A_109 = arith.constant 80 : index
    %swap3A_110 = tpu.vector_load %arg16[%swap3A_109] {strides = array<i32>} : memref<256xf32, #tpu.memory_space<vmem>>, vector<16xf32>,
    tpu.vector_store %arg16[%swap3A_109], %broadcast_in_dim3A_3 {strides = array<i32>} : memref<256xf32, #tpu.memory_space<vmem>>, vector<16xf32>,
    %swap3A_111 = arith.constant 96 : index
    %swap3A_112 = tpu.vector_load %arg16[%swap3A_111] {strides = array<i32>} : memref<256xf32, #tpu.memory_space<vmem>>, vector<16xf32>,
    tpu.vector_store %arg16[%swap3A_111], %broadcast_in_dim3A_3 {strides = array<i32>} : memref<256xf32, #tpu.memory_space<vmem>>, vector<16xf32>,
    %swap3A_113 = arith.constant 112 : index
    %swap3A_114 = tpu.vector_load %arg16[%swap3A_113] {strides = array<i32>} : memref<256xf32, #tpu.memory_space<vmem>>, vector<16xf32>,
    tpu.vector_store %arg16[%swap3A_113], %broadcast_in_dim3A_3 {strides = array<i32>} : memref<256xf32, #tpu.memory_space<vmem>>, vector<16xf32>,
    %swap3A_115 = arith.constant 128 : index
    %swap3A_116 = tpu.vector_load %arg16[%swap3A_115] {strides = array<i32>} : memref<256xf32, #tpu.memory_space<vmem>>, vector<16xf32>,
    tpu.vector_store %arg16[%swap3A_115], %broadcast_in_dim3A_3 {strides = array<i32>} : memref<256xf32, #tpu.memory_space<vmem>>, vector<16xf32>,
    %swap3A_117 = arith.constant 144 : index
    %swap3A_118 = tpu.vector_load %arg16[%swap3A_117] {strides = array<i32>} : memref<256xf32, #tpu.memory_space<vmem>>, vector<16xf32>,
    tpu.vector_store %arg16[%swap3A_117], %broadcast_in_dim3A_3 {strides = array<i32>} : memref<256xf32, #tpu.memory_space<vmem>>, vector<16xf32>,
    %swap3A_119 = arith.constant 160 : index
    %swap3A_120 = tpu.vector_load %arg16[%swap3A_119] {strides = array<i32>} : memref<256xf32, #tpu.memory_space<vmem>>, vector<16xf32>,
    tpu.vector_store %arg16[%swap3A_119], %broadcast_in_dim3A_3 {strides = array<i32>} : memref<256xf32, #tpu.memory_space<vmem>>, vector<16xf32>,
    %swap3A_121 = arith.constant 176 : index
    %swap3A_122 = tpu.vector_load %arg16[%swap3A_121] {strides = array<i32>} : memref<256xf32, #tpu.memory_space<vmem>>, vector<16xf32>,
    tpu.vector_store %arg16[%swap3A_121], %broadcast_in_dim3A_3 {strides = array<i32>} : memref<256xf32, #tpu.memory_space<vmem>>, vector<16xf32>,
    %swap3A_123 = arith.constant 192 : index
    %swap3A_124 = tpu.vector_load %arg16[%swap3A_123] {strides = array<i32>} : memref<256xf32, #tpu.memory_space<vmem>>, vector<16xf32>,
    tpu.vector_store %arg16[%swap3A_123], %broadcast_in_dim3A_3 {strides = array<i32>} : memref<256xf32, #tpu.memory_space<vmem>>, vector<16xf32>,
    %swap3A_125 = arith.constant 208 : index
    %swap3A_126 = tpu.vector_load %arg16[%swap3A_125] {strides = array<i32>} : memref<256xf32, #tpu.memory_space<vmem>>, vector<16xf32>,
    tpu.vector_store %arg16[%swap3A_125], %broadcast_in_dim3A_3 {strides = array<i32>} : memref<256xf32, #tpu.memory_space<vmem>>, vector<16xf32>,
    %swap3A_127 = arith.constant 224 : index
    %swap3A_128 = tpu.vector_load %arg16[%swap3A_127] {strides = array<i32>} : memref<256xf32, #tpu.memory_space<vmem>>, vector<16xf32>,
    tpu.vector_store %arg16[%swap3A_127], %broadcast_in_dim3A_3 {strides = array<i32>} : memref<256xf32, #tpu.memory_space<vmem>>, vector<16xf32>,
    %swap3A_129 = arith.constant 240 : index
    %swap3A_130 = tpu.vector_load %arg16[%swap3A_129] {strides = array<i32>} : memref<256xf32, #tpu.memory_space<vmem>>, vector<16xf32>,
    tpu.vector_store %arg16[%swap3A_129], %broadcast_in_dim3A_3 {strides = array<i32>} : memref<256xf32, #tpu.memory_space<vmem>>, vector<16xf32>,
    %swap3A_131 = arith.constant 0 : index
    %swap3A_132 = tpu.vector_load %arg17[%swap3A_131] {strides = array<i32>} : memref<256xf32, #tpu.memory_space<vmem>>, vector<16xf32>,
    tpu.vector_store %arg17[%swap3A_131], %broadcast_in_dim3A_3 {strides = array<i32>} : memref<256xf32, #tpu.memory_space<vmem>>, vector<16xf32>,
    %swap3A_133 = arith.constant 16 : index
    %swap3A_134 = tpu.vector_load %arg17[%swap3A_133] {strides = array<i32>} : memref<256xf32, #tpu.memory_space<vmem>>, vector<16xf32>,
    tpu.vector_store %arg17[%swap3A_133], %broadcast_in_dim3A_3 {strides = array<i32>} : memref<256xf32, #tpu.memory_space<vmem>>, vector<16xf32>,
    %swap3A_135 = arith.constant 32 : index
    %swap3A_136 = tpu.vector_load %arg17[%swap3A_135] {strides = array<i32>} : memref<256xf32, #tpu.memory_space<vmem>>, vector<16xf32>,
    tpu.vector_store %arg17[%swap3A_135], %broadcast_in_dim3A_3 {strides = array<i32>} : memref<256xf32, #tpu.memory_space<vmem>>, vector<16xf32>,
    %swap3A_137 = arith.constant 48 : index
    %swap3A_138 = tpu.vector_load %arg17[%swap3A_137] {strides = array<i32>} : memref<256xf32, #tpu.memory_space<vmem>>, vector<16xf32>,
    tpu.vector_store %arg17[%swap3A_137], %broadcast_in_dim3A_3 {strides = array<i32>} : memref<256xf32, #tpu.memory_space<vmem>>, vector<16xf32>,
    %swap3A_139 = arith.constant 64 : index
    %swap3A_140 = tpu.vector_load %arg17[%swap3A_139] {strides = array<i32>} : memref<256xf32, #tpu.memory_space<vmem>>, vector<16xf32>,
    tpu.vector_store %arg17[%swap3A_139], %broadcast_in_dim3A_3 {strides = array<i32>} : memref<256xf32, #tpu.memory_space<vmem>>, vector<16xf32>,
    %swap3A_141 = arith.constant 80 : index
    %swap3A_142 = tpu.vector_load %arg17[%swap3A_141] {strides = array<i32>} : memref<256xf32, #tpu.memory_space<vmem>>, vector<16xf32>,
    tpu.vector_store %arg17[%swap3A_141], %broadcast_in_dim3A_3 {strides = array<i32>} : memref<256xf32, #tpu.memory_space<vmem>>, vector<16xf32>,
    %swap3A_143 = arith.constant 96 : index
    %swap3A_144 = tpu.vector_load %arg17[%swap3A_143] {strides = array<i32>} : memref<256xf32, #tpu.memory_space<vmem>>, vector<16xf32>,
    tpu.vector_store %arg17[%swap3A_143], %broadcast_in_dim3A_3 {strides = array<i32>} : memref<256xf32, #tpu.memory_space<vmem>>, vector<16xf32>,
    %swap3A_145 = arith.constant 112 : index
    %swap3A_146 = tpu.vector_load %arg17[%swap3A_145] {strides = array<i32>} : memref<256xf32, #tpu.memory_space<vmem>>, vector<16xf32>,
    tpu.vector_store %arg17[%swap3A_145], %broadcast_in_dim3A_3 {strides = array<i32>} : memref<256xf32, #tpu.memory_space<vmem>>, vector<16xf32>,
    %swap3A_147 = arith.constant 128 : index
    %swap3A_148 = tpu.vector_load %arg17[%swap3A_147] {strides = array<i32>} : memref<256xf32, #tpu.memory_space<vmem>>, vector<16xf32>,
    tpu.vector_store %arg17[%swap3A_147], %broadcast_in_dim3A_3 {strides = array<i32>} : memref<256xf32, #tpu.memory_space<vmem>>, vector<16xf32>,
    %swap3A_149 = arith.constant 144 : index
    %swap3A_150 = tpu.vector_load %arg17[%swap3A_149] {strides = array<i32>} : memref<256xf32, #tpu.memory_space<vmem>>, vector<16xf32>,
    tpu.vector_store %arg17[%swap3A_149], %broadcast_in_dim3A_3 {strides = array<i32>} : memref<256xf32, #tpu.memory_space<vmem>>, vector<16xf32>,
    %swap3A_151 = arith.constant 160 : index
    %swap3A_152 = tpu.vector_load %arg17[%swap3A_151] {strides = array<i32>} : memref<256xf32, #tpu.memory_space<vmem>>, vector<16xf32>,
    tpu.vector_store %arg17[%swap3A_151], %broadcast_in_dim3A_3 {strides = array<i32>} : memref<256xf32, #tpu.memory_space<vmem>>, vector<16xf32>,
    %swap3A_153 = arith.constant 176 : index
    %swap3A_154 = tpu.vector_load %arg17[%swap3A_153] {strides = array<i32>} : memref<256xf32, #tpu.memory_space<vmem>>, vector<16xf32>,
    tpu.vector_store %arg17[%swap3A_153], %broadcast_in_dim3A_3 {strides = array<i32>} : memref<256xf32, #tpu.memory_space<vmem>>, vector<16xf32>,
    %swap3A_155 = arith.constant 192 : index
    %swap3A_156 = tpu.vector_load %arg17[%swap3A_155] {strides = array<i32>} : memref<256xf32, #tpu.memory_space<vmem>>, vector<16xf32>,
    tpu.vector_store %arg17[%swap3A_155], %broadcast_in_dim3A_3 {strides = array<i32>} : memref<256xf32, #tpu.memory_space<vmem>>, vector<16xf32>,
    %swap3A_157 = arith.constant 208 : index
    %swap3A_158 = tpu.vector_load %arg17[%swap3A_157] {strides = array<i32>} : memref<256xf32, #tpu.memory_space<vmem>>, vector<16xf32>,
    tpu.vector_store %arg17[%swap3A_157], %broadcast_in_dim3A_3 {strides = array<i32>} : memref<256xf32, #tpu.memory_space<vmem>>, vector<16xf32>,
    %swap3A_159 = arith.constant 224 : index
    %swap3A_160 = tpu.vector_load %arg17[%swap3A_159] {strides = array<i32>} : memref<256xf32, #tpu.memory_space<vmem>>, vector<16xf32>,
    tpu.vector_store %arg17[%swap3A_159], %broadcast_in_dim3A_3 {strides = array<i32>} : memref<256xf32, #tpu.memory_space<vmem>>, vector<16xf32>,
    %swap3A_161 = arith.constant 240 : index
    %swap3A_162 = tpu.vector_load %arg17[%swap3A_161] {strides = array<i32>} : memref<256xf32, #tpu.memory_space<vmem>>, vector<16xf32>,
    tpu.vector_store %arg17[%swap3A_161], %broadcast_in_dim3A_3 {strides = array<i32>} : memref<256xf32, #tpu.memory_space<vmem>>, vector<16xf32>,
    %swap3A_163 = arith.constant 0 : index
    %swap3A_164 = tpu.vector_load %arg18[%swap3A_163] {strides = array<i32>} : memref<256xf32, #tpu.memory_space<vmem>>, vector<16xf32>,
    tpu.vector_store %arg18[%swap3A_163], %broadcast_in_dim3A_3 {strides = array<i32>} : memref<256xf32, #tpu.memory_space<vmem>>, vector<16xf32>,
    %swap3A_165 = arith.constant 16 : index
    %swap3A_166 = tpu.vector_load %arg18[%swap3A_165] {strides = array<i32>} : memref<256xf32, #tpu.memory_space<vmem>>, vector<16xf32>,
    tpu.vector_store %arg18[%swap3A_165], %broadcast_in_dim3A_3 {strides = array<i32>} : memref<256xf32, #tpu.memory_space<vmem>>, vector<16xf32>,
    %swap3A_167 = arith.constant 32 : index
    %swap3A_168 = tpu.vector_load %arg18[%swap3A_167] {strides = array<i32>} : memref<256xf32, #tpu.memory_space<vmem>>, vector<16xf32>,
    tpu.vector_store %arg18[%swap3A_167], %broadcast_in_dim3A_3 {strides = array<i32>} : memref<256xf32, #tpu.memory_space<vmem>>, vector<16xf32>,
    %swap3A_169 = arith.constant 48 : index
    %swap3A_170 = tpu.vector_load %arg18[%swap3A_169] {strides = array<i32>} : memref<256xf32, #tpu.memory_space<vmem>>, vector<16xf32>,
    tpu.vector_store %arg18[%swap3A_169], %broadcast_in_dim3A_3 {strides = array<i32>} : memref<256xf32, #tpu.memory_space<vmem>>, vector<16xf32>,
    %swap3A_171 = arith.constant 64 : index
    %swap3A_172 = tpu.vector_load %arg18[%swap3A_171] {strides = array<i32>} : memref<256xf32, #tpu.memory_space<vmem>>, vector<16xf32>,
    tpu.vector_store %arg18[%swap3A_171], %broadcast_in_dim3A_3 {strides = array<i32>} : memref<256xf32, #tpu.memory_space<vmem>>, vector<16xf32>,
    %swap3A_173 = arith.constant 80 : index
    %swap3A_174 = tpu.vector_load %arg18[%swap3A_173] {strides = array<i32>} : memref<256xf32, #tpu.memory_space<vmem>>, vector<16xf32>,
    tpu.vector_store %arg18[%swap3A_173], %broadcast_in_dim3A_3 {strides = array<i32>} : memref<256xf32, #tpu.memory_space<vmem>>, vector<16xf32>,
    %swap3A_175 = arith.constant 96 : index
    %swap3A_176 = tpu.vector_load %arg18[%swap3A_175] {strides = array<i32>} : memref<256xf32, #tpu.memory_space<vmem>>, vector<16xf32>,
    tpu.vector_store %arg18[%swap3A_175], %broadcast_in_dim3A_3 {strides = array<i32>} : memref<256xf32, #tpu.memory_space<vmem>>, vector<16xf32>,
    %swap3A_177 = arith.constant 112 : index
    %swap3A_178 = tpu.vector_load %arg18[%swap3A_177] {strides = array<i32>} : memref<256xf32, #tpu.memory_space<vmem>>, vector<16xf32>,
    tpu.vector_store %arg18[%swap3A_177], %broadcast_in_dim3A_3 {strides = array<i32>} : memref<256xf32, #tpu.memory_space<vmem>>, vector<16xf32>,
    %swap3A_179 = arith.constant 128 : index
    %swap3A_180 = tpu.vector_load %arg18[%swap3A_179] {strides = array<i32>} : memref<256xf32, #tpu.memory_space<vmem>>, vector<16xf32>,
    tpu.vector_store %arg18[%swap3A_179], %broadcast_in_dim3A_3 {strides = array<i32>} : memref<256xf32, #tpu.memory_space<vmem>>, vector<16xf32>,
    %swap3A_181 = arith.constant 144 : index
    %swap3A_182 = tpu.vector_load %arg18[%swap3A_181] {strides = array<i32>} : memref<256xf32, #tpu.memory_space<vmem>>, vector<16xf32>,
    tpu.vector_store %arg18[%swap3A_181], %broadcast_in_dim3A_3 {strides = array<i32>} : memref<256xf32, #tpu.memory_space<vmem>>, vector<16xf32>,
    %swap3A_183 = arith.constant 160 : index
    %swap3A_184 = tpu.vector_load %arg18[%swap3A_183] {strides = array<i32>} : memref<256xf32, #tpu.memory_space<vmem>>, vector<16xf32>,
    tpu.vector_store %arg18[%swap3A_183], %broadcast_in_dim3A_3 {strides = array<i32>} : memref<256xf32, #tpu.memory_space<vmem>>, vector<16xf32>,
    %swap3A_185 = arith.constant 176 : index
    %swap3A_186 = tpu.vector_load %arg18[%swap3A_185] {strides = array<i32>} : memref<256xf32, #tpu.memory_space<vmem>>, vector<16xf32>,
    tpu.vector_store %arg18[%swap3A_185], %broadcast_in_dim3A_3 {strides = array<i32>} : memref<256xf32, #tpu.memory_space<vmem>>, vector<16xf32>,
    %swap3A_187 = arith.constant 192 : index
    %swap3A_188 = tpu.vector_load %arg18[%swap3A_187] {strides = array<i32>} : memref<256xf32, #tpu.memory_space<vmem>>, vector<16xf32>,
    tpu.vector_store %arg18[%swap3A_187], %broadcast_in_dim3A_3 {strides = array<i32>} : memref<256xf32, #tpu.memory_space<vmem>>, vector<16xf32>,
    %swap3A_189 = arith.constant 208 : index
    %swap3A_190 = tpu.vector_load %arg18[%swap3A_189] {strides = array<i32>} : memref<256xf32, #tpu.memory_space<vmem>>, vector<16xf32>,
    tpu.vector_store %arg18[%swap3A_189], %broadcast_in_dim3A_3 {strides = array<i32>} : memref<256xf32, #tpu.memory_space<vmem>>, vector<16xf32>,
    %swap3A_191 = arith.constant 224 : index
    %swap3A_192 = tpu.vector_load %arg18[%swap3A_191] {strides = array<i32>} : memref<256xf32, #tpu.memory_space<vmem>>, vector<16xf32>,
    tpu.vector_store %arg18[%swap3A_191], %broadcast_in_dim3A_3 {strides = array<i32>} : memref<256xf32, #tpu.memory_space<vmem>>, vector<16xf32>,
    %swap3A_193 = arith.constant 240 : index
    %swap3A_194 = tpu.vector_load %arg18[%swap3A_193] {strides = array<i32>} : memref<256xf32, #tpu.memory_space<vmem>>, vector<16xf32>,
    tpu.vector_store %arg18[%swap3A_193], %broadcast_in_dim3A_3 {strides = array<i32>} : memref<256xf32, #tpu.memory_space<vmem>>, vector<16xf32>,
    %swap3A_195 = arith.constant 0 : index
    %swap3A_196 = tpu.vector_load %arg19[%swap3A_195] {strides = array<i32>} : memref<256xf32, #tpu.memory_space<vmem>>, vector<16xf32>,
    tpu.vector_store %arg19[%swap3A_195], %broadcast_in_dim3A_3 {strides = array<i32>} : memref<256xf32, #tpu.memory_space<vmem>>, vector<16xf32>,
    %swap3A_197 = arith.constant 16 : index
    %swap3A_198 = tpu.vector_load %arg19[%swap3A_197] {strides = array<i32>} : memref<256xf32, #tpu.memory_space<vmem>>, vector<16xf32>,
    tpu.vector_store %arg19[%swap3A_197], %broadcast_in_dim3A_3 {strides = array<i32>} : memref<256xf32, #tpu.memory_space<vmem>>, vector<16xf32>,
    %swap3A_199 = arith.constant 32 : index
    %swap3A_200 = tpu.vector_load %arg19[%swap3A_199] {strides = array<i32>} : memref<256xf32, #tpu.memory_space<vmem>>, vector<16xf32>,
    tpu.vector_store %arg19[%swap3A_199], %broadcast_in_dim3A_3 {strides = array<i32>} : memref<256xf32, #tpu.memory_space<vmem>>, vector<16xf32>,
    %swap3A_201 = arith.constant 48 : index
    %swap3A_202 = tpu.vector_load %arg19[%swap3A_201] {strides = array<i32>} : memref<256xf32, #tpu.memory_space<vmem>>, vector<16xf32>,
    tpu.vector_store %arg19[%swap3A_201], %broadcast_in_dim3A_3 {strides = array<i32>} : memref<256xf32, #tpu.memory_space<vmem>>, vector<16xf32>,
    %swap3A_203 = arith.constant 64 : index
    %swap3A_204 = tpu.vector_load %arg19[%swap3A_203] {strides = array<i32>} : memref<256xf32, #tpu.memory_space<vmem>>, vector<16xf32>,
    tpu.vector_store %arg19[%swap3A_203], %broadcast_in_dim3A_3 {strides = array<i32>} : memref<256xf32, #tpu.memory_space<vmem>>, vector<16xf32>,
    %swap3A_205 = arith.constant 80 : index
    %swap3A_206 = tpu.vector_load %arg19[%swap3A_205] {strides = array<i32>} : memref<256xf32, #tpu.memory_space<vmem>>, vector<16xf32>,
    tpu.vector_store %arg19[%swap3A_205], %broadcast_in_dim3A_3 {strides = array<i32>} : memref<256xf32, #tpu.memory_space<vmem>>, vector<16xf32>,
    %swap3A_207 = arith.constant 96 : index
    %swap3A_208 = tpu.vector_load %arg19[%swap3A_207] {strides = array<i32>} : memref<256xf32, #tpu.memory_space<vmem>>, vector<16xf32>,
    tpu.vector_store %arg19[%swap3A_207], %broadcast_in_dim3A_3 {strides = array<i32>} : memref<256xf32, #tpu.memory_space<vmem>>, vector<16xf32>,
    %swap3A_209 = arith.constant 112 : index
    %swap3A_210 = tpu.vector_load %arg19[%swap3A_209] {strides = array<i32>} : memref<256xf32, #tpu.memory_space<vmem>>, vector<16xf32>,
    tpu.vector_store %arg19[%swap3A_209], %broadcast_in_dim3A_3 {strides = array<i32>} : memref<256xf32, #tpu.memory_space<vmem>>, vector<16xf32>,
    %swap3A_211 = arith.constant 128 : index
    %swap3A_212 = tpu.vector_load %arg19[%swap3A_211] {strides = array<i32>} : memref<256xf32, #tpu.memory_space<vmem>>, vector<16xf32>,
    tpu.vector_store %arg19[%swap3A_211], %broadcast_in_dim3A_3 {strides = array<i32>} : memref<256xf32, #tpu.memory_space<vmem>>, vector<16xf32>,
    %swap3A_213 = arith.constant 144 : index
    %swap3A_214 = tpu.vector_load %arg19[%swap3A_213] {strides = array<i32>} : memref<256xf32, #tpu.memory_space<vmem>>, vector<16xf32>,
    tpu.vector_store %arg19[%swap3A_213], %broadcast_in_dim3A_3 {strides = array<i32>} : memref<256xf32, #tpu.memory_space<vmem>>, vector<16xf32>,
    %swap3A_215 = arith.constant 160 : index
    %swap3A_216 = tpu.vector_load %arg19[%swap3A_215] {strides = array<i32>} : memref<256xf32, #tpu.memory_space<vmem>>, vector<16xf32>,
    tpu.vector_store %arg19[%swap3A_215], %broadcast_in_dim3A_3 {strides = array<i32>} : memref<256xf32, #tpu.memory_space<vmem>>, vector<16xf32>,
    %swap3A_217 = arith.constant 176 : index
    %swap3A_218 = tpu.vector_load %arg19[%swap3A_217] {strides = array<i32>} : memref<256xf32, #tpu.memory_space<vmem>>, vector<16xf32>,
    tpu.vector_store %arg19[%swap3A_217], %broadcast_in_dim3A_3 {strides = array<i32>} : memref<256xf32, #tpu.memory_space<vmem>>, vector<16xf32>,
    %swap3A_219 = arith.constant 192 : index
    %swap3A_220 = tpu.vector_load %arg19[%swap3A_219] {strides = array<i32>} : memref<256xf32, #tpu.memory_space<vmem>>, vector<16xf32>,
    tpu.vector_store %arg19[%swap3A_219], %broadcast_in_dim3A_3 {strides = array<i32>} : memref<256xf32, #tpu.memory_space<vmem>>, vector<16xf32>,
    %swap3A_221 = arith.constant 208 : index
    %swap3A_222 = tpu.vector_load %arg19[%swap3A_221] {strides = array<i32>} : memref<256xf32, #tpu.memory_space<vmem>>, vector<16xf32>,
    tpu.vector_store %arg19[%swap3A_221], %broadcast_in_dim3A_3 {strides = array<i32>} : memref<256xf32, #tpu.memory_space<vmem>>, vector<16xf32>,
    %swap3A_223 = arith.constant 224 : index
    %swap3A_224 = tpu.vector_load %arg19[%swap3A_223] {strides = array<i32>} : memref<256xf32, #tpu.memory_space<vmem>>, vector<16xf32>,
    tpu.vector_store %arg19[%swap3A_223], %broadcast_in_dim3A_3 {strides = array<i32>} : memref<256xf32, #tpu.memory_space<vmem>>, vector<16xf32>,
    %swap3A_225 = arith.constant 240 : index
    %swap3A_226 = tpu.vector_load %arg19[%swap3A_225] {strides = array<i32>} : memref<256xf32, #tpu.memory_space<vmem>>, vector<16xf32>,
    tpu.vector_store %arg19[%swap3A_225], %broadcast_in_dim3A_3 {strides = array<i32>} : memref<256xf32, #tpu.memory_space<vmem>>, vector<16xf32>,
    %swap3A_227 = arith.constant 0 : index
    %swap3A_228 = tpu.vector_load %arg20[%swap3A_227] {strides = array<i32>} : memref<256xf32, #tpu.memory_space<vmem>>, vector<16xf32>,
    tpu.vector_store %arg20[%swap3A_227], %broadcast_in_dim3A_3 {strides = array<i32>} : memref<256xf32, #tpu.memory_space<vmem>>, vector<16xf32>,
    %swap3A_229 = arith.constant 16 : index
    %swap3A_230 = tpu.vector_load %arg20[%swap3A_229] {strides = array<i32>} : memref<256xf32, #tpu.memory_space<vmem>>, vector<16xf32>,
    tpu.vector_store %arg20[%swap3A_229], %broadcast_in_dim3A_3 {strides = array<i32>} : memref<256xf32, #tpu.memory_space<vmem>>, vector<16xf32>,
    %swap3A_231 = arith.constant 32 : index
    %swap3A_232 = tpu.vector_load %arg20[%swap3A_231] {strides = array<i32>} : memref<256xf32, #tpu.memory_space<vmem>>, vector<16xf32>,
    tpu.vector_store %arg20[%swap3A_231], %broadcast_in_dim3A_3 {strides = array<i32>} : memref<256xf32, #tpu.memory_space<vmem>>, vector<16xf32>,
    %swap3A_233 = arith.constant 48 : index
    %swap3A_234 = tpu.vector_load %arg20[%swap3A_233] {strides = array<i32>} : memref<256xf32, #tpu.memory_space<vmem>>, vector<16xf32>,
    tpu.vector_store %arg20[%swap3A_233], %broadcast_in_dim3A_3 {strides = array<i32>} : memref<256xf32, #tpu.memory_space<vmem>>, vector<16xf32>,
    %swap3A_235 = arith.constant 64 : index
    %swap3A_236 = tpu.vector_load %arg20[%swap3A_235] {strides = array<i32>} : memref<256xf32, #tpu.memory_space<vmem>>, vector<16xf32>,
    tpu.vector_store %arg20[%swap3A_235], %broadcast_in_dim3A_3 {strides = array<i32>} : memref<256xf32, #tpu.memory_space<vmem>>, vector<16xf32>,
    %swap3A_237 = arith.constant 80 : index
    %swap3A_238 = tpu.vector_load %arg20[%swap3A_237] {strides = array<i32>} : memref<256xf32, #tpu.memory_space<vmem>>, vector<16xf32>,
    tpu.vector_store %arg20[%swap3A_237], %broadcast_in_dim3A_3 {strides = array<i32>} : memref<256xf32, #tpu.memory_space<vmem>>, vector<16xf32>,
    %swap3A_239 = arith.constant 96 : index
    %swap3A_240 = tpu.vector_load %arg20[%swap3A_239] {strides = array<i32>} : memref<256xf32, #tpu.memory_space<vmem>>, vector<16xf32>,
    tpu.vector_store %arg20[%swap3A_239], %broadcast_in_dim3A_3 {strides = array<i32>} : memref<256xf32, #tpu.memory_space<vmem>>, vector<16xf32>,
    %swap3A_241 = arith.constant 112 : index
    %swap3A_242 = tpu.vector_load %arg20[%swap3A_241] {strides = array<i32>} : memref<256xf32, #tpu.memory_space<vmem>>, vector<16xf32>,
    tpu.vector_store %arg20[%swap3A_241], %broadcast_in_dim3A_3 {strides = array<i32>} : memref<256xf32, #tpu.memory_space<vmem>>, vector<16xf32>,
    %swap3A_243 = arith.constant 128 : index
    %swap3A_244 = tpu.vector_load %arg20[%swap3A_243] {strides = array<i32>} : memref<256xf32, #tpu.memory_space<vmem>>, vector<16xf32>,
    tpu.vector_store %arg20[%swap3A_243], %broadcast_in_dim3A_3 {strides = array<i32>} : memref<256xf32, #tpu.memory_space<vmem>>, vector<16xf32>,
    %swap3A_245 = arith.constant 144 : index
    %swap3A_246 = tpu.vector_load %arg20[%swap3A_245] {strides = array<i32>} : memref<256xf32, #tpu.memory_space<vmem>>, vector<16xf32>,
    tpu.vector_store %arg20[%swap3A_245], %broadcast_in_dim3A_3 {strides = array<i32>} : memref<256xf32, #tpu.memory_space<vmem>>, vector<16xf32>,
    %swap3A_247 = arith.constant 160 : index
    %swap3A_248 = tpu.vector_load %arg20[%swap3A_247] {strides = array<i32>} : memref<256xf32, #tpu.memory_space<vmem>>, vector<16xf32>,
    tpu.vector_store %arg20[%swap3A_247], %broadcast_in_dim3A_3 {strides = array<i32>} : memref<256xf32, #tpu.memory_space<vmem>>, vector<16xf32>,
    %swap3A_249 = arith.constant 176 : index
    %swap3A_250 = tpu.vector_load %arg20[%swap3A_249] {strides = array<i32>} : memref<256xf32, #tpu.memory_space<vmem>>, vector<16xf32>,
    tpu.vector_store %arg20[%swap3A_249], %broadcast_in_dim3A_3 {strides = array<i32>} : memref<256xf32, #tpu.memory_space<vmem>>, vector<16xf32>,
    %swap3A_251 = arith.constant 192 : index
    %swap3A_252 = tpu.vector_load %arg20[%swap3A_251] {strides = array<i32>} : memref<256xf32, #tpu.memory_space<vmem>>, vector<16xf32>,
    tpu.vector_store %arg20[%swap3A_251], %broadcast_in_dim3A_3 {strides = array<i32>} : memref<256xf32, #tpu.memory_space<vmem>>, vector<16xf32>,
    %swap3A_253 = arith.constant 208 : index
    %swap3A_254 = tpu.vector_load %arg20[%swap3A_253] {strides = array<i32>} : memref<256xf32, #tpu.memory_space<vmem>>, vector<16xf32>,
    tpu.vector_store %arg20[%swap3A_253], %broadcast_in_dim3A_3 {strides = array<i32>} : memref<256xf32, #tpu.memory_space<vmem>>, vector<16xf32>,
    %swap3A_255 = arith.constant 224 : index
    %swap3A_256 = tpu.vector_load %arg20[%swap3A_255] {strides = array<i32>} : memref<256xf32, #tpu.memory_space<vmem>>, vector<16xf32>,
    tpu.vector_store %arg20[%swap3A_255], %broadcast_in_dim3A_3 {strides = array<i32>} : memref<256xf32, #tpu.memory_space<vmem>>, vector<16xf32>,
    %swap3A_257 = arith.constant 240 : index
    %swap3A_258 = tpu.vector_load %arg20[%swap3A_257] {strides = array<i32>} : memref<256xf32, #tpu.memory_space<vmem>>, vector<16xf32>,
    tpu.vector_store %arg20[%swap3A_257], %broadcast_in_dim3A_3 {strides = array<i32>} : memref<256xf32, #tpu.memory_space<vmem>>, vector<16xf32>,
    %swap3A_259 = arith.constant 0 : index
    %swap3A_260 = tpu.vector_load %arg21[%swap3A_259] {strides = array<i32>} : memref<256xf32, #tpu.memory_space<vmem>>, vector<16xf32>,
    tpu.vector_store %arg21[%swap3A_259], %broadcast_in_dim3A_3 {strides = array<i32>} : memref<256xf32, #tpu.memory_space<vmem>>, vector<16xf32>,
    %swap3A_261 = arith.constant 16 : index
    %swap3A_262 = tpu.vector_load %arg21[%swap3A_261] {strides = array<i32>} : memref<256xf32, #tpu.memory_space<vmem>>, vector<16xf32>,
    tpu.vector_store %arg21[%swap3A_261], %broadcast_in_dim3A_3 {strides = array<i32>} : memref<256xf32, #tpu.memory_space<vmem>>, vector<16xf32>,
    %swap3A_263 = arith.constant 32 : index
    %swap3A_264 = tpu.vector_load %arg21[%swap3A_263] {strides = array<i32>} : memref<256xf32, #tpu.memory_space<vmem>>, vector<16xf32>,
    tpu.vector_store %arg21[%swap3A_263], %broadcast_in_dim3A_3 {strides = array<i32>} : memref<256xf32, #tpu.memory_space<vmem>>, vector<16xf32>,
    %swap3A_265 = arith.constant 48 : index
    %swap3A_266 = tpu.vector_load %arg21[%swap3A_265] {strides = array<i32>} : memref<256xf32, #tpu.memory_space<vmem>>, vector<16xf32>,
    tpu.vector_store %arg21[%swap3A_265], %broadcast_in_dim3A_3 {strides = array<i32>} : memref<256xf32, #tpu.memory_space<vmem>>, vector<16xf32>,
    %swap3A_267 = arith.constant 64 : index
    %swap3A_268 = tpu.vector_load %arg21[%swap3A_267] {strides = array<i32>} : memref<256xf32, #tpu.memory_space<vmem>>, vector<16xf32>,
    tpu.vector_store %arg21[%swap3A_267], %broadcast_in_dim3A_3 {strides = array<i32>} : memref<256xf32, #tpu.memory_space<vmem>>, vector<16xf32>,
    %swap3A_269 = arith.constant 80 : index
    %swap3A_270 = tpu.vector_load %arg21[%swap3A_269] {strides = array<i32>} : memref<256xf32, #tpu.memory_space<vmem>>, vector<16xf32>,
    tpu.vector_store %arg21[%swap3A_269], %broadcast_in_dim3A_3 {strides = array<i32>} : memref<256xf32, #tpu.memory_space<vmem>>, vector<16xf32>,
    %swap3A_271 = arith.constant 96 : index
    %swap3A_272 = tpu.vector_load %arg21[%swap3A_271] {strides = array<i32>} : memref<256xf32, #tpu.memory_space<vmem>>, vector<16xf32>,
    tpu.vector_store %arg21[%swap3A_271], %broadcast_in_dim3A_3 {strides = array<i32>} : memref<256xf32, #tpu.memory_space<vmem>>, vector<16xf32>,
    %swap3A_273 = arith.constant 112 : index
    %swap3A_274 = tpu.vector_load %arg21[%swap3A_273] {strides = array<i32>} : memref<256xf32, #tpu.memory_space<vmem>>, vector<16xf32>,
    tpu.vector_store %arg21[%swap3A_273], %broadcast_in_dim3A_3 {strides = array<i32>} : memref<256xf32, #tpu.memory_space<vmem>>, vector<16xf32>,
    %swap3A_275 = arith.constant 128 : index
    %swap3A_276 = tpu.vector_load %arg21[%swap3A_275] {strides = array<i32>} : memref<256xf32, #tpu.memory_space<vmem>>, vector<16xf32>,
    tpu.vector_store %arg21[%swap3A_275], %broadcast_in_dim3A_3 {strides = array<i32>} : memref<256xf32, #tpu.memory_space<vmem>>, vector<16xf32>,
    %swap3A_277 = arith.constant 144 : index
    %swap3A_278 = tpu.vector_load %arg21[%swap3A_277] {strides = array<i32>} : memref<256xf32, #tpu.memory_space<vmem>>, vector<16xf32>,
    tpu.vector_store %arg21[%swap3A_277], %broadcast_in_dim3A_3 {strides = array<i32>} : memref<256xf32, #tpu.memory_space<vmem>>, vector<16xf32>,
    %swap3A_279 = arith.constant 160 : index
    %swap3A_280 = tpu.vector_load %arg21[%swap3A_279] {strides = array<i32>} : memref<256xf32, #tpu.memory_space<vmem>>, vector<16xf32>,
    tpu.vector_store %arg21[%swap3A_279], %broadcast_in_dim3A_3 {strides = array<i32>} : memref<256xf32, #tpu.memory_space<vmem>>, vector<16xf32>,
    %swap3A_281 = arith.constant 176 : index
    %swap3A_282 = tpu.vector_load %arg21[%swap3A_281] {strides = array<i32>} : memref<256xf32, #tpu.memory_space<vmem>>, vector<16xf32>,
    tpu.vector_store %arg21[%swap3A_281], %broadcast_in_dim3A_3 {strides = array<i32>} : memref<256xf32, #tpu.memory_space<vmem>>, vector<16xf32>,
    %swap3A_283 = arith.constant 192 : index
    %swap3A_284 = tpu.vector_load %arg21[%swap3A_283] {strides = array<i32>} : memref<256xf32, #tpu.memory_space<vmem>>, vector<16xf32>,
    tpu.vector_store %arg21[%swap3A_283], %broadcast_in_dim3A_3 {strides = array<i32>} : memref<256xf32, #tpu.memory_space<vmem>>, vector<16xf32>,
    %swap3A_285 = arith.constant 208 : index
    %swap3A_286 = tpu.vector_load %arg21[%swap3A_285] {strides = array<i32>} : memref<256xf32, #tpu.memory_space<vmem>>, vector<16xf32>,
    tpu.vector_store %arg21[%swap3A_285], %broadcast_in_dim3A_3 {strides = array<i32>} : memref<256xf32, #tpu.memory_space<vmem>>, vector<16xf32>,
    %swap3A_287 = arith.constant 224 : index
    %swap3A_288 = tpu.vector_load %arg21[%swap3A_287] {strides = array<i32>} : memref<256xf32, #tpu.memory_space<vmem>>, vector<16xf32>,
    tpu.vector_store %arg21[%swap3A_287], %broadcast_in_dim3A_3 {strides = array<i32>} : memref<256xf32, #tpu.memory_space<vmem>>, vector<16xf32>,
    %swap3A_289 = arith.constant 240 : index
    %swap3A_290 = tpu.vector_load %arg21[%swap3A_289] {strides = array<i32>} : memref<256xf32, #tpu.memory_space<vmem>>, vector<16xf32>,
    tpu.vector_store %arg21[%swap3A_289], %broadcast_in_dim3A_3 {strides = array<i32>} : memref<256xf32, #tpu.memory_space<vmem>>, vector<16xf32>,
    %swap3A_291 = arith.constant 0 : index
    %swap3A_292 = tpu.vector_load %arg22[%swap3A_291] {strides = array<i32>} : memref<256xf32, #tpu.memory_space<vmem>>, vector<16xf32>,
    tpu.vector_store %arg22[%swap3A_291], %broadcast_in_dim3A_3 {strides = array<i32>} : memref<256xf32, #tpu.memory_space<vmem>>, vector<16xf32>,
    %swap3A_293 = arith.constant 16 : index
    %swap3A_294 = tpu.vector_load %arg22[%swap3A_293] {strides = array<i32>} : memref<256xf32, #tpu.memory_space<vmem>>, vector<16xf32>,
    tpu.vector_store %arg22[%swap3A_293], %broadcast_in_dim3A_3 {strides = array<i32>} : memref<256xf32, #tpu.memory_space<vmem>>, vector<16xf32>,
    %swap3A_295 = arith.constant 32 : index
    %swap3A_296 = tpu.vector_load %arg22[%swap3A_295] {strides = array<i32>} : memref<256xf32, #tpu.memory_space<vmem>>, vector<16xf32>,
    tpu.vector_store %arg22[%swap3A_295], %broadcast_in_dim3A_3 {strides = array<i32>} : memref<256xf32, #tpu.memory_space<vmem>>, vector<16xf32>,
    %swap3A_297 = arith.constant 48 : index
    %swap3A_298 = tpu.vector_load %arg22[%swap3A_297] {strides = array<i32>} : memref<256xf32, #tpu.memory_space<vmem>>, vector<16xf32>,
    tpu.vector_store %arg22[%swap3A_297], %broadcast_in_dim3A_3 {strides = array<i32>} : memref<256xf32, #tpu.memory_space<vmem>>, vector<16xf32>,
    %swap3A_299 = arith.constant 64 : index
    %swap3A_300 = tpu.vector_load %arg22[%swap3A_299] {strides = array<i32>} : memref<256xf32, #tpu.memory_space<vmem>>, vector<16xf32>,
    tpu.vector_store %arg22[%swap3A_299], %broadcast_in_dim3A_3 {strides = array<i32>} : memref<256xf32, #tpu.memory_space<vmem>>, vector<16xf32>,
    %swap3A_301 = arith.constant 80 : index
    %swap3A_302 = tpu.vector_load %arg22[%swap3A_301] {strides = array<i32>} : memref<256xf32, #tpu.memory_space<vmem>>, vector<16xf32>,
    tpu.vector_store %arg22[%swap3A_301], %broadcast_in_dim3A_3 {strides = array<i32>} : memref<256xf32, #tpu.memory_space<vmem>>, vector<16xf32>,
    %swap3A_303 = arith.constant 96 : index
    %swap3A_304 = tpu.vector_load %arg22[%swap3A_303] {strides = array<i32>} : memref<256xf32, #tpu.memory_space<vmem>>, vector<16xf32>,
    tpu.vector_store %arg22[%swap3A_303], %broadcast_in_dim3A_3 {strides = array<i32>} : memref<256xf32, #tpu.memory_space<vmem>>, vector<16xf32>,
    %swap3A_305 = arith.constant 112 : index
    %swap3A_306 = tpu.vector_load %arg22[%swap3A_305] {strides = array<i32>} : memref<256xf32, #tpu.memory_space<vmem>>, vector<16xf32>,
    tpu.vector_store %arg22[%swap3A_305], %broadcast_in_dim3A_3 {strides = array<i32>} : memref<256xf32, #tpu.memory_space<vmem>>, vector<16xf32>,
    %swap3A_307 = arith.constant 128 : index
    %swap3A_308 = tpu.vector_load %arg22[%swap3A_307] {strides = array<i32>} : memref<256xf32, #tpu.memory_space<vmem>>, vector<16xf32>,
    tpu.vector_store %arg22[%swap3A_307], %broadcast_in_dim3A_3 {strides = array<i32>} : memref<256xf32, #tpu.memory_space<vmem>>, vector<16xf32>,
    %swap3A_309 = arith.constant 144 : index
    %swap3A_310 = tpu.vector_load %arg22[%swap3A_309] {strides = array<i32>} : memref<256xf32, #tpu.memory_space<vmem>>, vector<16xf32>,
    tpu.vector_store %arg22[%swap3A_309], %broadcast_in_dim3A_3 {strides = array<i32>} : memref<256xf32, #tpu.memory_space<vmem>>, vector<16xf32>,
    %swap3A_311 = arith.constant 160 : index
    %swap3A_312 = tpu.vector_load %arg22[%swap3A_311] {strides = array<i32>} : memref<256xf32, #tpu.memory_space<vmem>>, vector<16xf32>,
    tpu.vector_store %arg22[%swap3A_311], %broadcast_in_dim3A_3 {strides = array<i32>} : memref<256xf32, #tpu.memory_space<vmem>>, vector<16xf32>,
    %swap3A_313 = arith.constant 176 : index
    %swap3A_314 = tpu.vector_load %arg22[%swap3A_313] {strides = array<i32>} : memref<256xf32, #tpu.memory_space<vmem>>, vector<16xf32>,
    tpu.vector_store %arg22[%swap3A_313], %broadcast_in_dim3A_3 {strides = array<i32>} : memref<256xf32, #tpu.memory_space<vmem>>, vector<16xf32>,
    %swap3A_315 = arith.constant 192 : index
    %swap3A_316 = tpu.vector_load %arg22[%swap3A_315] {strides = array<i32>} : memref<256xf32, #tpu.memory_space<vmem>>, vector<16xf32>,
    tpu.vector_store %arg22[%swap3A_315], %broadcast_in_dim3A_3 {strides = array<i32>} : memref<256xf32, #tpu.memory_space<vmem>>, vector<16xf32>,
    %swap3A_317 = arith.constant 208 : index
    %swap3A_318 = tpu.vector_load %arg22[%swap3A_317] {strides = array<i32>} : memref<256xf32, #tpu.memory_space<vmem>>, vector<16xf32>,
    tpu.vector_store %arg22[%swap3A_317], %broadcast_in_dim3A_3 {strides = array<i32>} : memref<256xf32, #tpu.memory_space<vmem>>, vector<16xf32>,
    %swap3A_319 = arith.constant 224 : index
    %swap3A_320 = tpu.vector_load %arg22[%swap3A_319] {strides = array<i32>} : memref<256xf32, #tpu.memory_space<vmem>>, vector<16xf32>,
    tpu.vector_store %arg22[%swap3A_319], %broadcast_in_dim3A_3 {strides = array<i32>} : memref<256xf32, #tpu.memory_space<vmem>>, vector<16xf32>,
    %swap3A_321 = arith.constant 240 : index
    %swap3A_322 = tpu.vector_load %arg22[%swap3A_321] {strides = array<i32>} : memref<256xf32, #tpu.memory_space<vmem>>, vector<16xf32>,
    tpu.vector_store %arg22[%swap3A_321], %broadcast_in_dim3A_3 {strides = array<i32>} : memref<256xf32, #tpu.memory_space<vmem>>, vector<16xf32>,
    %swap3A_323 = arith.constant 0 : index
    %swap3A_324 = tpu.vector_load %arg23[%swap3A_323] {strides = array<i32>} : memref<256xf32, #tpu.memory_space<vmem>>, vector<16xf32>,
    tpu.vector_store %arg23[%swap3A_323], %broadcast_in_dim3A_3 {strides = array<i32>} : memref<256xf32, #tpu.memory_space<vmem>>, vector<16xf32>,
    %swap3A_325 = arith.constant 16 : index
    %swap3A_326 = tpu.vector_load %arg23[%swap3A_325] {strides = array<i32>} : memref<256xf32, #tpu.memory_space<vmem>>, vector<16xf32>,
    tpu.vector_store %arg23[%swap3A_325], %broadcast_in_dim3A_3 {strides = array<i32>} : memref<256xf32, #tpu.memory_space<vmem>>, vector<16xf32>,
    %swap3A_327 = arith.constant 32 : index
    %swap3A_328 = tpu.vector_load %arg23[%swap3A_327] {strides = array<i32>} : memref<256xf32, #tpu.memory_space<vmem>>, vector<16xf32>,
    tpu.vector_store %arg23[%swap3A_327], %broadcast_in_dim3A_3 {strides = array<i32>} : memref<256xf32, #tpu.memory_space<vmem>>, vector<16xf32>,
    %swap3A_329 = arith.constant 48 : index
    %swap3A_330 = tpu.vector_load %arg23[%swap3A_329] {strides = array<i32>} : memref<256xf32, #tpu.memory_space<vmem>>, vector<16xf32>,
    tpu.vector_store %arg23[%swap3A_329], %broadcast_in_dim3A_3 {strides = array<i32>} : memref<256xf32, #tpu.memory_space<vmem>>, vector<16xf32>,
    %swap3A_331 = arith.constant 64 : index
    %swap3A_332 = tpu.vector_load %arg23[%swap3A_331] {strides = array<i32>} : memref<256xf32, #tpu.memory_space<vmem>>, vector<16xf32>,
    tpu.vector_store %arg23[%swap3A_331], %broadcast_in_dim3A_3 {strides = array<i32>} : memref<256xf32, #tpu.memory_space<vmem>>, vector<16xf32>,
    %swap3A_333 = arith.constant 80 : index
    %swap3A_334 = tpu.vector_load %arg23[%swap3A_333] {strides = array<i32>} : memref<256xf32, #tpu.memory_space<vmem>>, vector<16xf32>,
    tpu.vector_store %arg23[%swap3A_333], %broadcast_in_dim3A_3 {strides = array<i32>} : memref<256xf32, #tpu.memory_space<vmem>>, vector<16xf32>,
    %swap3A_335 = arith.constant 96 : index
    %swap3A_336 = tpu.vector_load %arg23[%swap3A_335] {strides = array<i32>} : memref<256xf32, #tpu.memory_space<vmem>>, vector<16xf32>,
    tpu.vector_store %arg23[%swap3A_335], %broadcast_in_dim3A_3 {strides = array<i32>} : memref<256xf32, #tpu.memory_space<vmem>>, vector<16xf32>,
    %swap3A_337 = arith.constant 112 : index
    %swap3A_338 = tpu.vector_load %arg23[%swap3A_337] {strides = array<i32>} : memref<256xf32, #tpu.memory_space<vmem>>, vector<16xf32>,
    tpu.vector_store %arg23[%swap3A_337], %broadcast_in_dim3A_3 {strides = array<i32>} : memref<256xf32, #tpu.memory_space<vmem>>, vector<16xf32>,
    %swap3A_339 = arith.constant 128 : index
    %swap3A_340 = tpu.vector_load %arg23[%swap3A_339] {strides = array<i32>} : memref<256xf32, #tpu.memory_space<vmem>>, vector<16xf32>,
    tpu.vector_store %arg23[%swap3A_339], %broadcast_in_dim3A_3 {strides = array<i32>} : memref<256xf32, #tpu.memory_space<vmem>>, vector<16xf32>,
    %swap3A_341 = arith.constant 144 : index
    %swap3A_342 = tpu.vector_load %arg23[%swap3A_341] {strides = array<i32>} : memref<256xf32, #tpu.memory_space<vmem>>, vector<16xf32>,
    tpu.vector_store %arg23[%swap3A_341], %broadcast_in_dim3A_3 {strides = array<i32>} : memref<256xf32, #tpu.memory_space<vmem>>, vector<16xf32>,
    %swap3A_343 = arith.constant 160 : index
    %swap3A_344 = tpu.vector_load %arg23[%swap3A_343] {strides = array<i32>} : memref<256xf32, #tpu.memory_space<vmem>>, vector<16xf32>,
    tpu.vector_store %arg23[%swap3A_343], %broadcast_in_dim3A_3 {strides = array<i32>} : memref<256xf32, #tpu.memory_space<vmem>>, vector<16xf32>,
    %swap3A_345 = arith.constant 176 : index
    %swap3A_346 = tpu.vector_load %arg23[%swap3A_345] {strides = array<i32>} : memref<256xf32, #tpu.memory_space<vmem>>, vector<16xf32>,
    tpu.vector_store %arg23[%swap3A_345], %broadcast_in_dim3A_3 {strides = array<i32>} : memref<256xf32, #tpu.memory_space<vmem>>, vector<16xf32>,
    %swap3A_347 = arith.constant 192 : index
    %swap3A_348 = tpu.vector_load %arg23[%swap3A_347] {strides = array<i32>} : memref<256xf32, #tpu.memory_space<vmem>>, vector<16xf32>,
    tpu.vector_store %arg23[%swap3A_347], %broadcast_in_dim3A_3 {strides = array<i32>} : memref<256xf32, #tpu.memory_space<vmem>>, vector<16xf32>,
    %swap3A_349 = arith.constant 208 : index
    %swap3A_350 = tpu.vector_load %arg23[%swap3A_349] {strides = array<i32>} : memref<256xf32, #tpu.memory_space<vmem>>, vector<16xf32>,
    tpu.vector_store %arg23[%swap3A_349], %broadcast_in_dim3A_3 {strides = array<i32>} : memref<256xf32, #tpu.memory_space<vmem>>, vector<16xf32>,
    %swap3A_351 = arith.constant 224 : index
    %swap3A_352 = tpu.vector_load %arg23[%swap3A_351] {strides = array<i32>} : memref<256xf32, #tpu.memory_space<vmem>>, vector<16xf32>,
    tpu.vector_store %arg23[%swap3A_351], %broadcast_in_dim3A_3 {strides = array<i32>} : memref<256xf32, #tpu.memory_space<vmem>>, vector<16xf32>,
    %swap3A_353 = arith.constant 240 : index
    %swap3A_354 = tpu.vector_load %arg23[%swap3A_353] {strides = array<i32>} : memref<256xf32, #tpu.memory_space<vmem>>, vector<16xf32>,
    tpu.vector_store %arg23[%swap3A_353], %broadcast_in_dim3A_3 {strides = array<i32>} : memref<256xf32, #tpu.memory_space<vmem>>, vector<16xf32>,
    %swap3A_355 = arith.constant 0 : index
    %swap3A_356 = tpu.vector_load %arg24[%swap3A_355] {strides = array<i32>} : memref<256xf32, #tpu.memory_space<vmem>>, vector<16xf32>,
    tpu.vector_store %arg24[%swap3A_355], %broadcast_in_dim3A_3 {strides = array<i32>} : memref<256xf32, #tpu.memory_space<vmem>>, vector<16xf32>,
    %swap3A_357 = arith.constant 16 : index
    %swap3A_358 = tpu.vector_load %arg24[%swap3A_357] {strides = array<i32>} : memref<256xf32, #tpu.memory_space<vmem>>, vector<16xf32>,
    tpu.vector_store %arg24[%swap3A_357], %broadcast_in_dim3A_3 {strides = array<i32>} : memref<256xf32, #tpu.memory_space<vmem>>, vector<16xf32>,
    %swap3A_359 = arith.constant 32 : index
    %swap3A_360 = tpu.vector_load %arg24[%swap3A_359] {strides = array<i32>} : memref<256xf32, #tpu.memory_space<vmem>>, vector<16xf32>,
    tpu.vector_store %arg24[%swap3A_359], %broadcast_in_dim3A_3 {strides = array<i32>} : memref<256xf32, #tpu.memory_space<vmem>>, vector<16xf32>,
    %swap3A_361 = arith.constant 48 : index
    %swap3A_362 = tpu.vector_load %arg24[%swap3A_361] {strides = array<i32>} : memref<256xf32, #tpu.memory_space<vmem>>, vector<16xf32>,
    tpu.vector_store %arg24[%swap3A_361], %broadcast_in_dim3A_3 {strides = array<i32>} : memref<256xf32, #tpu.memory_space<vmem>>, vector<16xf32>,
    %swap3A_363 = arith.constant 64 : index
    %swap3A_364 = tpu.vector_load %arg24[%swap3A_363] {strides = array<i32>} : memref<256xf32, #tpu.memory_space<vmem>>, vector<16xf32>,
    tpu.vector_store %arg24[%swap3A_363], %broadcast_in_dim3A_3 {strides = array<i32>} : memref<256xf32, #tpu.memory_space<vmem>>, vector<16xf32>,
    %swap3A_365 = arith.constant 80 : index
    %swap3A_366 = tpu.vector_load %arg24[%swap3A_365] {strides = array<i32>} : memref<256xf32, #tpu.memory_space<vmem>>, vector<16xf32>,
    tpu.vector_store %arg24[%swap3A_365], %broadcast_in_dim3A_3 {strides = array<i32>} : memref<256xf32, #tpu.memory_space<vmem>>, vector<16xf32>,
    %swap3A_367 = arith.constant 96 : index
    %swap3A_368 = tpu.vector_load %arg24[%swap3A_367] {strides = array<i32>} : memref<256xf32, #tpu.memory_space<vmem>>, vector<16xf32>,
    tpu.vector_store %arg24[%swap3A_367], %broadcast_in_dim3A_3 {strides = array<i32>} : memref<256xf32, #tpu.memory_space<vmem>>, vector<16xf32>,
    %swap3A_369 = arith.constant 112 : index
    %swap3A_370 = tpu.vector_load %arg24[%swap3A_369] {strides = array<i32>} : memref<256xf32, #tpu.memory_space<vmem>>, vector<16xf32>,
    tpu.vector_store %arg24[%swap3A_369], %broadcast_in_dim3A_3 {strides = array<i32>} : memref<256xf32, #tpu.memory_space<vmem>>, vector<16xf32>,
    %swap3A_371 = arith.constant 128 : index
    %swap3A_372 = tpu.vector_load %arg24[%swap3A_371] {strides = array<i32>} : memref<256xf32, #tpu.memory_space<vmem>>, vector<16xf32>,
    tpu.vector_store %arg24[%swap3A_371], %broadcast_in_dim3A_3 {strides = array<i32>} : memref<256xf32, #tpu.memory_space<vmem>>, vector<16xf32>,
    %swap3A_373 = arith.constant 144 : index
    %swap3A_374 = tpu.vector_load %arg24[%swap3A_373] {strides = array<i32>} : memref<256xf32, #tpu.memory_space<vmem>>, vector<16xf32>,
    tpu.vector_store %arg24[%swap3A_373], %broadcast_in_dim3A_3 {strides = array<i32>} : memref<256xf32, #tpu.memory_space<vmem>>, vector<16xf32>,
    %swap3A_375 = arith.constant 160 : index
    %swap3A_376 = tpu.vector_load %arg24[%swap3A_375] {strides = array<i32>} : memref<256xf32, #tpu.memory_space<vmem>>, vector<16xf32>,
    tpu.vector_store %arg24[%swap3A_375], %broadcast_in_dim3A_3 {strides = array<i32>} : memref<256xf32, #tpu.memory_space<vmem>>, vector<16xf32>,
    %swap3A_377 = arith.constant 176 : index
    %swap3A_378 = tpu.vector_load %arg24[%swap3A_377] {strides = array<i32>} : memref<256xf32, #tpu.memory_space<vmem>>, vector<16xf32>,
    tpu.vector_store %arg24[%swap3A_377], %broadcast_in_dim3A_3 {strides = array<i32>} : memref<256xf32, #tpu.memory_space<vmem>>, vector<16xf32>,
    %swap3A_379 = arith.constant 192 : index
    %swap3A_380 = tpu.vector_load %arg24[%swap3A_379] {strides = array<i32>} : memref<256xf32, #tpu.memory_space<vmem>>, vector<16xf32>,
    tpu.vector_store %arg24[%swap3A_379], %broadcast_in_dim3A_3 {strides = array<i32>} : memref<256xf32, #tpu.memory_space<vmem>>, vector<16xf32>,
    %swap3A_381 = arith.constant 208 : index
    %swap3A_382 = tpu.vector_load %arg24[%swap3A_381] {strides = array<i32>} : memref<256xf32, #tpu.memory_space<vmem>>, vector<16xf32>,
    tpu.vector_store %arg24[%swap3A_381], %broadcast_in_dim3A_3 {strides = array<i32>} : memref<256xf32, #tpu.memory_space<vmem>>, vector<16xf32>,
    %swap3A_383 = arith.constant 224 : index
    %swap3A_384 = tpu.vector_load %arg24[%swap3A_383] {strides = array<i32>} : memref<256xf32, #tpu.memory_space<vmem>>, vector<16xf32>,
    tpu.vector_store %arg24[%swap3A_383], %broadcast_in_dim3A_3 {strides = array<i32>} : memref<256xf32, #tpu.memory_space<vmem>>, vector<16xf32>,
    %swap3A_385 = arith.constant 240 : index
    %swap3A_386 = tpu.vector_load %arg24[%swap3A_385] {strides = array<i32>} : memref<256xf32, #tpu.memory_space<vmem>>, vector<16xf32>,
    tpu.vector_store %arg24[%swap3A_385], %broadcast_in_dim3A_3 {strides = array<i32>} : memref<256xf32, #tpu.memory_space<vmem>>, vector<16xf32>,
    %swap3A_387 = arith.constant 0 : index
    %swap3A_388 = tpu.vector_load %arg25[%swap3A_387] {strides = array<i32>} : memref<16xf32, #tpu.memory_space<vmem>>, vector<16xf32>,
    tpu.vector_store %arg25[%swap3A_387], %broadcast_in_dim3A_3 {strides = array<i32>} : memref<16xf32, #tpu.memory_space<vmem>>, vector<16xf32>,
    %iota3A = tpu.iota {dimensions = array<i32: 0>} : vector<16xi32>
    %broadcast_in_dim3A_389 = arith.constant 1.000000e+00 : f32
    %broadcast_in_dim3A_390 = vector.broadcast %broadcast_in_dim3A_389 : f32 to vector<16xf32>
    %ge3A = arith.constant 12 : i32
    %ge3A_391 = vector.broadcast %ge3A : i32 to vector<16xi32>
    %ge3A_392 = arith.cmpi sge, %iota3A, %ge3A_391 : vector<16xi32>
    %add3A_393 = arith.constant 0 : i32
    %add3A_394 = arith.addi %mul3A_2, %add3A_393 : i32
    %multiple_of3A = tpu.assume_multiple %add3A_394, 8 : i32
    %dma_start3A = arith.constant 0 : i32
    %dma_start3A_395 = tpu.memref_slice %arg2[%multiple_of3A, %dma_start3A] : memref<196608x84xf32, #tpu.memory_space<hbm>> -> memref<128x84xf32, #tpu.memory_space<hbm>>
    %dma_start3A_396 = arith.constant 0 : i32
    %dma_start3A_397 = tpu.memref_slice %arg2[%multiple_of3A, %dma_start3A_396] : memref<196608x84xf32, #tpu.memory_space<hbm>> -> memref<128x84xf32, #tpu.memory_space<hbm>>
    tpu.enqueue_dma source(%dma_start3A_397 : memref<128x84xf32, #tpu.memory_space<hbm>>) target(%arg7 : memref<128x84xf32, #tpu.memory_space<vmem>>) target_semaphore(%arg26 : memref<!tpu.dma_semaphore, #tpu.memory_space<semaphore_mem>>)
    %dma_start3A_398 = arith.constant 0 : i32
    %dma_start3A_399 = tpu.memref_slice %arg3[%multiple_of3A, %dma_start3A_398] : memref<196608x84xf32, #tpu.memory_space<hbm>> -> memref<128x84xf32, #tpu.memory_space<hbm>>
    %dma_start3A_400 = arith.constant 0 : i32
    %dma_start3A_401 = tpu.memref_slice %arg3[%multiple_of3A, %dma_start3A_400] : memref<196608x84xf32, #tpu.memory_space<hbm>> -> memref<128x84xf32, #tpu.memory_space<hbm>>
    tpu.enqueue_dma source(%dma_start3A_401 : memref<128x84xf32, #tpu.memory_space<hbm>>) target(%arg8 : memref<128x84xf32, #tpu.memory_space<vmem>>) target_semaphore(%arg26 : memref<!tpu.dma_semaphore, #tpu.memory_space<semaphore_mem>>)
    %add3A_402 = arith.constant 128 : i32
    %add3A_403 = arith.addi %mul3A_2, %add3A_402 : i32
    %multiple_of3A_404 = tpu.assume_multiple %add3A_403, 8 : i32
    %dma_start3A_405 = arith.constant 0 : i32
    %dma_start3A_406 = tpu.memref_slice %arg2[%multiple_of3A_404, %dma_start3A_405] : memref<196608x84xf32, #tpu.memory_space<hbm>> -> memref<128x84xf32, #tpu.memory_space<hbm>>
    %dma_start3A_407 = arith.constant 0 : i32
    %dma_start3A_408 = tpu.memref_slice %arg2[%multiple_of3A_404, %dma_start3A_407] : memref<196608x84xf32, #tpu.memory_space<hbm>> -> memref<128x84xf32, #tpu.memory_space<hbm>>
    tpu.enqueue_dma source(%dma_start3A_408 : memref<128x84xf32, #tpu.memory_space<hbm>>) target(%arg9 : memref<128x84xf32, #tpu.memory_space<vmem>>) target_semaphore(%arg27 : memref<!tpu.dma_semaphore, #tpu.memory_space<semaphore_mem>>)
    %dma_start3A_409 = arith.constant 0 : i32
    %dma_start3A_410 = tpu.memref_slice %arg3[%multiple_of3A_404, %dma_start3A_409] : memref<196608x84xf32, #tpu.memory_space<hbm>> -> memref<128x84xf32, #tpu.memory_space<hbm>>
    %dma_start3A_411 = arith.constant 0 : i32
    %dma_start3A_412 = tpu.memref_slice %arg3[%multiple_of3A_404, %dma_start3A_411] : memref<196608x84xf32, #tpu.memory_space<hbm>> -> memref<128x84xf32, #tpu.memory_space<hbm>>
    tpu.enqueue_dma source(%dma_start3A_412 : memref<128x84xf32, #tpu.memory_space<hbm>>) target(%arg10 : memref<128x84xf32, #tpu.memory_space<vmem>>) target_semaphore(%arg27 : memref<!tpu.dma_semaphore, #tpu.memory_space<semaphore_mem>>)
    %scan3A = arith.constant 0 : i32
    %scan3A_413 = arith.constant 16 : i32
    %scan3A_414 = arith.addi %scan3A, %scan3A_413 : i32
    %scan3A_415 = arith.constant 1 : i32
    scf.for %scan3A_428 = %scan3A to %scan3A_414 step %scan3A_415  : i32 {
      %mul3A_429 = arith.constant 3 : i32
      %mul3A_430 = arith.muli %scan3A_428, %mul3A_429 : i32
      %add3A_431 = arith.constant 0 : i32
      %add3A_432 = arith.addi %add3A_431, %mul3A_430 : i32
      %add3A_433 = arith.constant 0 : i32
      %add3A_434 = arith.addi %add3A_432, %add3A_433 : i32
      %add3A_435 = arith.constant 2 : i32
      %add3A_436 = arith.addi %add3A_434, %add3A_435 : i32
      %lt3A = arith.constant 48 : i32
      %lt3A_437 = arith.cmpi slt, %add3A_436, %lt3A : i32
      %convert_element_type3A = arith.extui %lt3A_437 : i1 to i32
      %cond3A = arith.constant 0 : i32
      %cond3A_438 = arith.cmpi ne, %convert_element_type3A, %cond3A : i32
      scf.if %cond3A_438 {
        %add3A_812 = arith.constant 0 : i32
        %add3A_813 = arith.addi %add3A_432, %add3A_812 : i32
        %add3A_814 = arith.constant 2 : i32
        %add3A_815 = arith.addi %add3A_813, %add3A_814 : i32
        %mul3A_816 = arith.constant 128 : i32
        %mul3A_817 = arith.muli %add3A_815, %mul3A_816 : i32
        %add3A_818 = arith.addi %mul3A_2, %mul3A_817 : i32
        %multiple_of3A_819 = tpu.assume_multiple %add3A_818, 8 : i32
        %dma_start3A_820 = arith.constant 0 : i32
        %dma_start3A_821 = tpu.memref_slice %arg2[%multiple_of3A_819, %dma_start3A_820] : memref<196608x84xf32, #tpu.memory_space<hbm>> -> memref<128x84xf32, #tpu.memory_space<hbm>>
        %dma_start3A_822 = arith.constant 0 : i32
        %dma_start3A_823 = tpu.memref_slice %arg2[%multiple_of3A_819, %dma_start3A_822] : memref<196608x84xf32, #tpu.memory_space<hbm>> -> memref<128x84xf32, #tpu.memory_space<hbm>>
        tpu.enqueue_dma source(%dma_start3A_823 : memref<128x84xf32, #tpu.memory_space<hbm>>) target(%arg11 : memref<128x84xf32, #tpu.memory_space<vmem>>) target_semaphore(%arg28 : memref<!tpu.dma_semaphore, #tpu.memory_space<semaphore_mem>>)
        %dma_start3A_824 = arith.constant 0 : i32
        %dma_start3A_825 = tpu.memref_slice %arg3[%multiple_of3A_819, %dma_start3A_824] : memref<196608x84xf32, #tpu.memory_space<hbm>> -> memref<128x84xf32, #tpu.memory_space<hbm>>
        %dma_start3A_826 = arith.constant 0 : i32
        %dma_start3A_827 = tpu.memref_slice %arg3[%multiple_of3A_819, %dma_start3A_826] : memref<196608x84xf32, #tpu.memory_space<hbm>> -> memref<128x84xf32, #tpu.memory_space<hbm>>
        tpu.enqueue_dma source(%dma_start3A_827 : memref<128x84xf32, #tpu.memory_space<hbm>>) target(%arg12 : memref<128x84xf32, #tpu.memory_space<vmem>>) target_semaphore(%arg28 : memref<!tpu.dma_semaphore, #tpu.memory_space<semaphore_mem>>)
      } else {
      }
      %dma_wait3A = arith.constant 0 : i32
      %dma_wait3A_439 = arith.constant 0 : i32
      %dma_wait3A_440 = tpu.memref_slice %arg2[%dma_wait3A, %dma_wait3A_439] : memref<196608x84xf32, #tpu.memory_space<hbm>> -> memref<128x84xf32, #tpu.memory_space<hbm>>
      %dma_wait3A_441 = arith.constant 0 : i32
      %dma_wait3A_442 = arith.constant 0 : i32
      %dma_wait3A_443 = tpu.memref_slice %arg2[%dma_wait3A_441, %dma_wait3A_442] : memref<196608x84xf32, #tpu.memory_space<hbm>> -> memref<128x84xf32, #tpu.memory_space<hbm>>
      tpu.wait_dma2 semaphore(%arg26 : memref<!tpu.dma_semaphore, #tpu.memory_space<semaphore_mem>>) src(%dma_wait3A_443 : memref<128x84xf32, #tpu.memory_space<hbm>>) dst(%arg7 : memref<128x84xf32, #tpu.memory_space<vmem>>)
      %dma_wait3A_444 = arith.constant 0 : i32
      %dma_wait3A_445 = arith.constant 0 : i32
      %dma_wait3A_446 = tpu.memref_slice %arg3[%dma_wait3A_444, %dma_wait3A_445] : memref<196608x84xf32, #tpu.memory_space<hbm>> -> memref<128x84xf32, #tpu.memory_space<hbm>>
      %dma_wait3A_447 = arith.constant 0 : i32
      %dma_wait3A_448 = arith.constant 0 : i32
      %dma_wait3A_449 = tpu.memref_slice %arg3[%dma_wait3A_447, %dma_wait3A_448] : memref<196608x84xf32, #tpu.memory_space<hbm>> -> memref<128x84xf32, #tpu.memory_space<hbm>>
      tpu.wait_dma2 semaphore(%arg26 : memref<!tpu.dma_semaphore, #tpu.memory_space<semaphore_mem>>) src(%dma_wait3A_449 : memref<128x84xf32, #tpu.memory_space<hbm>>) dst(%arg8 : memref<128x84xf32, #tpu.memory_space<vmem>>)
      %get3A = arith.constant 0 : i32
      %get3A_450 = arith.index_cast %get3A : i32 to index
      %get3A_451 = arith.constant 0 : index
      %get3A_452 = tpu.vector_load %arg8[%get3A_450, %get3A_451] {strides = array<i32>} : memref<128x84xf32, #tpu.memory_space<vmem>>, vector<16xf32>,
      %get3A_453 = arith.constant 0 : i32
      %get3A_454 = arith.index_cast %get3A_453 : i32 to index
      %get3A_455 = arith.constant 16 : index
      %get3A_456 = tpu.vector_load %arg8[%get3A_454, %get3A_455] {strides = array<i32>} : memref<128x84xf32, #tpu.memory_space<vmem>>, vector<16xf32>,
      %get3A_457 = arith.constant 0 : i32
      %get3A_458 = arith.index_cast %get3A_457 : i32 to index
      %get3A_459 = arith.constant 32 : index
      %get3A_460 = tpu.vector_load %arg8[%get3A_458, %get3A_459] {strides = array<i32>} : memref<128x84xf32, #tpu.memory_space<vmem>>, vector<16xf32>,
      %get3A_461 = arith.constant 0 : i32
      %get3A_462 = arith.index_cast %get3A_461 : i32 to index
      %get3A_463 = arith.constant 48 : index
      %get3A_464 = tpu.vector_load %arg8[%get3A_462, %get3A_463] {strides = array<i32>} : memref<128x84xf32, #tpu.memory_space<vmem>>, vector<16xf32>,
      %get3A_465 = arith.constant 0 : i32
      %get3A_466 = arith.index_cast %get3A_465 : i32 to index
      %get3A_467 = arith.constant 64 : index
      %get3A_468 = tpu.vector_load %arg8[%get3A_466, %get3A_467] {strides = array<i32>} : memref<128x84xf32, #tpu.memory_space<vmem>>, vector<16xf32>,
      %get3A_469 = arith.constant 0 : i32
      %get3A_470 = arith.index_cast %get3A_469 : i32 to index
      %get3A_471 = arith.constant 68 : index
      %get3A_472 = tpu.vector_load %arg8[%get3A_470, %get3A_471] {strides = array<i32>} : memref<128x84xf32, #tpu.memory_space<vmem>>, vector<16xf32>,
      %get3A_473 = arith.constant 0 : i32
      %get3A_474 = arith.index_cast %get3A_473 : i32 to index
      %get3A_475 = arith.constant 0 : index
      %get3A_476 = tpu.vector_load %arg7[%get3A_474, %get3A_475] {strides = array<i32>} : memref<128x84xf32, #tpu.memory_space<vmem>>, vector<16xf32>,
      %get3A_477 = arith.constant 0 : i32
      %get3A_478 = arith.index_cast %get3A_477 : i32 to index
      %get3A_479 = arith.constant 16 : index
      %get3A_480 = tpu.vector_load %arg7[%get3A_478, %get3A_479] {strides = array<i32>} : memref<128x84xf32, #tpu.memory_space<vmem>>, vector<16xf32>,
      %get3A_481 = arith.constant 0 : i32
      %get3A_482 = arith.index_cast %get3A_481 : i32 to index
      %get3A_483 = arith.constant 32 : index
      %get3A_484 = tpu.vector_load %arg7[%get3A_482, %get3A_483] {strides = array<i32>} : memref<128x84xf32, #tpu.memory_space<vmem>>, vector<16xf32>,
      %get3A_485 = arith.constant 0 : i32
      %get3A_486 = arith.index_cast %get3A_485 : i32 to index
      %get3A_487 = arith.constant 48 : index
      %get3A_488 = tpu.vector_load %arg7[%get3A_486, %get3A_487] {strides = array<i32>} : memref<128x84xf32, #tpu.memory_space<vmem>>, vector<16xf32>,
      %get3A_489 = arith.constant 0 : i32
      %get3A_490 = arith.index_cast %get3A_489 : i32 to index
      %get3A_491 = arith.constant 64 : index
      %get3A_492 = tpu.vector_load %arg7[%get3A_490, %get3A_491] {strides = array<i32>} : memref<128x84xf32, #tpu.memory_space<vmem>>, vector<16xf32>,
      %get3A_493 = arith.constant 0 : i32
      %get3A_494 = arith.index_cast %get3A_493 : i32 to index
      %get3A_495 = arith.constant 68 : index
      %get3A_496 = tpu.vector_load %arg7[%get3A_494, %get3A_495] {strides = array<i32>} : memref<128x84xf32, #tpu.memory_space<vmem>>, vector<16xf32>,
      %sub3A = arith.subf %get3A_476, %get3A_452 : vector<16xf32>
      %sub3A_497 = arith.subf %get3A_480, %get3A_456 : vector<16xf32>
      %sub3A_498 = arith.subf %get3A_484, %get3A_460 : vector<16xf32>
      %sub3A_499 = arith.subf %get3A_488, %get3A_464 : vector<16xf32>
      %sub3A_500 = arith.subf %get3A_492, %get3A_468 : vector<16xf32>
      %sub3A_501 = arith.subf %get3A_496, %get3A_472 : vector<16xf32>
      %mul3A_502 = arith.mulf %sub3A, %sub3A : vector<16xf32>
      %mul3A_503 = arith.mulf %sub3A_497, %sub3A_497 : vector<16xf32>
      %mul3A_504 = arith.mulf %sub3A_498, %sub3A_498 : vector<16xf32>
      %mul3A_505 = arith.mulf %sub3A_499, %sub3A_499 : vector<16xf32>
      %mul3A_506 = arith.mulf %sub3A_500, %sub3A_500 : vector<16xf32>
      %mul3A_507 = arith.mulf %sub3A_501, %sub3A_501 : vector<16xf32>
      %convert_element_type3A_508 = arith.fptosi %get3A_452 : vector<16xf32> to vector<16xi32>
      %convert_element_type3A_509 = arith.fptosi %get3A_456 : vector<16xf32> to vector<16xi32>
      %convert_element_type3A_510 = arith.fptosi %get3A_460 : vector<16xf32> to vector<16xi32>
      %convert_element_type3A_511 = arith.fptosi %get3A_464 : vector<16xf32> to vector<16xi32>
      %convert_element_type3A_512 = arith.fptosi %get3A_468 : vector<16xf32> to vector<16xi32>
      %convert_element_type3A_513 = arith.fptosi %get3A_472 : vector<16xf32> to vector<16xi32>
      %shift_left3A = arith.constant 4 : i32
      %shift_left3A_514 = vector.broadcast %shift_left3A : i32 to vector<16xi32>
      %shift_left3A_515 = arith.shli %convert_element_type3A_508, %shift_left3A_514 : vector<16xi32>
      %or3A = arith.ori %shift_left3A_515, %iota3A : vector<16xi32>
      %shift_left3A_516 = arith.constant 4 : i32
      %shift_left3A_517 = vector.broadcast %shift_left3A_516 : i32 to vector<16xi32>
      %shift_left3A_518 = arith.shli %convert_element_type3A_509, %shift_left3A_517 : vector<16xi32>
      %or3A_519 = arith.ori %shift_left3A_518, %iota3A : vector<16xi32>
      %shift_left3A_520 = arith.constant 4 : i32
      %shift_left3A_521 = vector.broadcast %shift_left3A_520 : i32 to vector<16xi32>
      %shift_left3A_522 = arith.shli %convert_element_type3A_510, %shift_left3A_521 : vector<16xi32>
      %or3A_523 = arith.ori %shift_left3A_522, %iota3A : vector<16xi32>
      %shift_left3A_524 = arith.constant 4 : i32
      %shift_left3A_525 = vector.broadcast %shift_left3A_524 : i32 to vector<16xi32>
      %shift_left3A_526 = arith.shli %convert_element_type3A_511, %shift_left3A_525 : vector<16xi32>
      %or3A_527 = arith.ori %shift_left3A_526, %iota3A : vector<16xi32>
      %shift_left3A_528 = arith.constant 4 : i32
      %shift_left3A_529 = vector.broadcast %shift_left3A_528 : i32 to vector<16xi32>
      %shift_left3A_530 = arith.shli %convert_element_type3A_512, %shift_left3A_529 : vector<16xi32>
      %or3A_531 = arith.ori %shift_left3A_530, %iota3A : vector<16xi32>
      %shift_left3A_532 = arith.constant 4 : i32
      %shift_left3A_533 = vector.broadcast %shift_left3A_532 : i32 to vector<16xi32>
      %shift_left3A_534 = arith.shli %convert_element_type3A_513, %shift_left3A_533 : vector<16xi32>
      %or3A_535 = arith.ori %shift_left3A_534, %iota3A : vector<16xi32>
      %jit3A = arith.constant 0.000000e+00 : f32
      %broadcast_in_dim3A_536 = vector.broadcast %jit3A : f32 to vector<16xf32>
      %select_n3A = arith.select %ge3A_392, %get3A_472, %broadcast_in_dim3A_536 : vector<16xi1>, vector<16xf32>
      %max3A = arith.maximumf %get3A_452, %get3A_456 : vector<16xf32>
      %max3A_537 = arith.maximumf %get3A_460, %get3A_464 : vector<16xf32>
      %max3A_538 = arith.maximumf %get3A_468, %select_n3A : vector<16xf32>
      %max3A_539 = arith.maximumf %max3A, %max3A_537 : vector<16xf32>
      %max3A_540 = arith.maximumf %max3A_539, %max3A_538 : vector<16xf32>
      %get3A_541 = arith.constant 0 : index
      %get3A_542 = tpu.vector_load %arg25[%get3A_541] {strides = array<i32>} : memref<16xf32, #tpu.memory_space<vmem>>, vector<16xf32>,
      %max3A_543 = arith.maximumf %get3A_542, %max3A_540 : vector<16xf32>
      %scan3A_544 = arith.constant 1 : i32
      %scan3A_545 = arith.constant 127 : i32
      %scan3A_546 = arith.addi %scan3A_544, %scan3A_545 : i32
      %scan3A_547 = arith.constant 1 : i32
      %scan3A_548:13 = scf.for %scan3A_812 = %scan3A_544 to %scan3A_546 step %scan3A_547 iter_args(%scan3A_813 = %mul3A_502, %scan3A_814 = %mul3A_503, %scan3A_815 = %mul3A_504, %scan3A_816 = %mul3A_505, %scan3A_817 = %mul3A_506, %scan3A_818 = %mul3A_507, %scan3A_819 = %or3A, %scan3A_820 = %or3A_519, %scan3A_821 = %or3A_523, %scan3A_822 = %or3A_527, %scan3A_823 = %or3A_531, %scan3A_824 = %or3A_535, %scan3A_825 = %max3A_543) -> (vector<16xf32>, vector<16xf32>, vector<16xf32>, vector<16xf32>, vector<16xf32>, vector<16xf32>, vector<16xi32>, vector<16xi32>, vector<16xi32>, vector<16xi32>, vector<16xi32>, vector<16xi32>, vector<16xf32>)  : i32 {
        %get3A_826 = arith.index_cast %scan3A_812 : i32 to index
        %get3A_827 = arith.constant 0 : index
        %get3A_828 = tpu.vector_load %arg8[%get3A_826, %get3A_827] {strides = array<i32>} : memref<128x84xf32, #tpu.memory_space<vmem>>, vector<16xf32>,
        %get3A_829 = arith.index_cast %scan3A_812 : i32 to index
        %get3A_830 = arith.constant 16 : index
        %get3A_831 = tpu.vector_load %arg8[%get3A_829, %get3A_830] {strides = array<i32>} : memref<128x84xf32, #tpu.memory_space<vmem>>, vector<16xf32>,
        %get3A_832 = arith.index_cast %scan3A_812 : i32 to index
        %get3A_833 = arith.constant 32 : index
        %get3A_834 = tpu.vector_load %arg8[%get3A_832, %get3A_833] {strides = array<i32>} : memref<128x84xf32, #tpu.memory_space<vmem>>, vector<16xf32>,
        %get3A_835 = arith.index_cast %scan3A_812 : i32 to index
        %get3A_836 = arith.constant 48 : index
        %get3A_837 = tpu.vector_load %arg8[%get3A_835, %get3A_836] {strides = array<i32>} : memref<128x84xf32, #tpu.memory_space<vmem>>, vector<16xf32>,
        %get3A_838 = arith.index_cast %scan3A_812 : i32 to index
        %get3A_839 = arith.constant 64 : index
        %get3A_840 = tpu.vector_load %arg8[%get3A_838, %get3A_839] {strides = array<i32>} : memref<128x84xf32, #tpu.memory_space<vmem>>, vector<16xf32>,
        %get3A_841 = arith.index_cast %scan3A_812 : i32 to index
        %get3A_842 = arith.constant 68 : index
        %get3A_843 = tpu.vector_load %arg8[%get3A_841, %get3A_842] {strides = array<i32>} : memref<128x84xf32, #tpu.memory_space<vmem>>, vector<16xf32>,
        %get3A_844 = arith.index_cast %scan3A_812 : i32 to index
        %get3A_845 = arith.constant 0 : index
        %get3A_846 = tpu.vector_load %arg7[%get3A_844, %get3A_845] {strides = array<i32>} : memref<128x84xf32, #tpu.memory_space<vmem>>, vector<16xf32>,
        %get3A_847 = arith.index_cast %scan3A_812 : i32 to index
        %get3A_848 = arith.constant 16 : index
        %get3A_849 = tpu.vector_load %arg7[%get3A_847, %get3A_848] {strides = array<i32>} : memref<128x84xf32, #tpu.memory_space<vmem>>, vector<16xf32>,
        %get3A_850 = arith.index_cast %scan3A_812 : i32 to index
        %get3A_851 = arith.constant 32 : index
        %get3A_852 = tpu.vector_load %arg7[%get3A_850, %get3A_851] {strides = array<i32>} : memref<128x84xf32, #tpu.memory_space<vmem>>, vector<16xf32>,
        %get3A_853 = arith.index_cast %scan3A_812 : i32 to index
        %get3A_854 = arith.constant 48 : index
        %get3A_855 = tpu.vector_load %arg7[%get3A_853, %get3A_854] {strides = array<i32>} : memref<128x84xf32, #tpu.memory_space<vmem>>, vector<16xf32>,
        %get3A_856 = arith.index_cast %scan3A_812 : i32 to index
        %get3A_857 = arith.constant 64 : index
        %get3A_858 = tpu.vector_load %arg7[%get3A_856, %get3A_857] {strides = array<i32>} : memref<128x84xf32, #tpu.memory_space<vmem>>, vector<16xf32>,
        %get3A_859 = arith.index_cast %scan3A_812 : i32 to index
        %get3A_860 = arith.constant 68 : index
        %get3A_861 = tpu.vector_load %arg7[%get3A_859, %get3A_860] {strides = array<i32>} : memref<128x84xf32, #tpu.memory_space<vmem>>, vector<16xf32>,
        %sub3A_862 = arith.subf %get3A_846, %get3A_828 : vector<16xf32>
        %sub3A_863 = arith.subf %get3A_849, %get3A_831 : vector<16xf32>
        %sub3A_864 = arith.subf %get3A_852, %get3A_834 : vector<16xf32>
        %sub3A_865 = arith.subf %get3A_855, %get3A_837 : vector<16xf32>
        %sub3A_866 = arith.subf %get3A_858, %get3A_840 : vector<16xf32>
        %sub3A_867 = arith.subf %get3A_861, %get3A_843 : vector<16xf32>
        %mul3A_868 = arith.mulf %sub3A_862, %sub3A_862 : vector<16xf32>
        %mul3A_869 = arith.mulf %sub3A_863, %sub3A_863 : vector<16xf32>
        %mul3A_870 = arith.mulf %sub3A_864, %sub3A_864 : vector<16xf32>
        %mul3A_871 = arith.mulf %sub3A_865, %sub3A_865 : vector<16xf32>
        %mul3A_872 = arith.mulf %sub3A_866, %sub3A_866 : vector<16xf32>
        %mul3A_873 = arith.mulf %sub3A_867, %sub3A_867 : vector<16xf32>
        %convert_element_type3A_874 = arith.fptosi %get3A_828 : vector<16xf32> to vector<16xi32>
        %convert_element_type3A_875 = arith.fptosi %get3A_831 : vector<16xf32> to vector<16xi32>
        %convert_element_type3A_876 = arith.fptosi %get3A_834 : vector<16xf32> to vector<16xi32>
        %convert_element_type3A_877 = arith.fptosi %get3A_837 : vector<16xf32> to vector<16xi32>
        %convert_element_type3A_878 = arith.fptosi %get3A_840 : vector<16xf32> to vector<16xi32>
        %convert_element_type3A_879 = arith.fptosi %get3A_843 : vector<16xf32> to vector<16xi32>
        %shift_left3A_880 = arith.constant 4 : i32
        %shift_left3A_881 = vector.broadcast %shift_left3A_880 : i32 to vector<16xi32>
        %shift_left3A_882 = arith.shli %convert_element_type3A_874, %shift_left3A_881 : vector<16xi32>
        %or3A_883 = arith.ori %shift_left3A_882, %iota3A : vector<16xi32>
        %shift_left3A_884 = arith.constant 4 : i32
        %shift_left3A_885 = vector.broadcast %shift_left3A_884 : i32 to vector<16xi32>
        %shift_left3A_886 = arith.shli %convert_element_type3A_875, %shift_left3A_885 : vector<16xi32>
        %or3A_887 = arith.ori %shift_left3A_886, %iota3A : vector<16xi32>
        %shift_left3A_888 = arith.constant 4 : i32
        %shift_left3A_889 = vector.broadcast %shift_left3A_888 : i32 to vector<16xi32>
        %shift_left3A_890 = arith.shli %convert_element_type3A_876, %shift_left3A_889 : vector<16xi32>
        %or3A_891 = arith.ori %shift_left3A_890, %iota3A : vector<16xi32>
        %shift_left3A_892 = arith.constant 4 : i32
        %shift_left3A_893 = vector.broadcast %shift_left3A_892 : i32 to vector<16xi32>
        %shift_left3A_894 = arith.shli %convert_element_type3A_877, %shift_left3A_893 : vector<16xi32>
        %or3A_895 = arith.ori %shift_left3A_894, %iota3A : vector<16xi32>
        %shift_left3A_896 = arith.constant 4 : i32
        %shift_left3A_897 = vector.broadcast %shift_left3A_896 : i32 to vector<16xi32>
        %shift_left3A_898 = arith.shli %convert_element_type3A_878, %shift_left3A_897 : vector<16xi32>
        %or3A_899 = arith.ori %shift_left3A_898, %iota3A : vector<16xi32>
        %shift_left3A_900 = arith.constant 4 : i32
        %shift_left3A_901 = vector.broadcast %shift_left3A_900 : i32 to vector<16xi32>
        %shift_left3A_902 = arith.shli %convert_element_type3A_879, %shift_left3A_901 : vector<16xi32>
        %or3A_903 = arith.ori %shift_left3A_902, %iota3A : vector<16xi32>
        %jit3A_904 = arith.constant 0.000000e+00 : f32
        %broadcast_in_dim3A_905 = vector.broadcast %jit3A_904 : f32 to vector<16xf32>
        %select_n3A_906 = arith.select %ge3A_392, %get3A_843, %broadcast_in_dim3A_905 : vector<16xi1>, vector<16xf32>
        %max3A_907 = arith.maximumf %get3A_828, %get3A_831 : vector<16xf32>
        %max3A_908 = arith.maximumf %get3A_834, %get3A_837 : vector<16xf32>
        %max3A_909 = arith.maximumf %get3A_840, %select_n3A_906 : vector<16xf32>
        %max3A_910 = arith.maximumf %max3A_907, %max3A_908 : vector<16xf32>
        %max3A_911 = arith.maximumf %max3A_910, %max3A_909 : vector<16xf32>
        tpu.vector_store_idx %arg13[%scan3A_819], %scan3A_813 {add = true} : memref<256xf32, #tpu.memory_space<vmem>>[vector<16xi32>], vector<16xf32>,
        tpu.vector_store_idx %arg19[%scan3A_819], %broadcast_in_dim3A_390 {add = true} : memref<256xf32, #tpu.memory_space<vmem>>[vector<16xi32>], vector<16xf32>,
        tpu.vector_store_idx %arg14[%scan3A_820], %scan3A_814 {add = true} : memref<256xf32, #tpu.memory_space<vmem>>[vector<16xi32>], vector<16xf32>,
        tpu.vector_store_idx %arg20[%scan3A_820], %broadcast_in_dim3A_390 {add = true} : memref<256xf32, #tpu.memory_space<vmem>>[vector<16xi32>], vector<16xf32>,
        tpu.vector_store_idx %arg15[%scan3A_821], %scan3A_815 {add = true} : memref<256xf32, #tpu.memory_space<vmem>>[vector<16xi32>], vector<16xf32>,
        tpu.vector_store_idx %arg21[%scan3A_821], %broadcast_in_dim3A_390 {add = true} : memref<256xf32, #tpu.memory_space<vmem>>[vector<16xi32>], vector<16xf32>,
        tpu.vector_store_idx %arg16[%scan3A_822], %scan3A_816 {add = true} : memref<256xf32, #tpu.memory_space<vmem>>[vector<16xi32>], vector<16xf32>,
        tpu.vector_store_idx %arg22[%scan3A_822], %broadcast_in_dim3A_390 {add = true} : memref<256xf32, #tpu.memory_space<vmem>>[vector<16xi32>], vector<16xf32>,
        tpu.vector_store_idx %arg17[%scan3A_823], %scan3A_817 {add = true} : memref<256xf32, #tpu.memory_space<vmem>>[vector<16xi32>], vector<16xf32>,
        tpu.vector_store_idx %arg23[%scan3A_823], %broadcast_in_dim3A_390 {add = true} : memref<256xf32, #tpu.memory_space<vmem>>[vector<16xi32>], vector<16xf32>,
        tpu.vector_store_idx %arg18[%scan3A_824], %scan3A_818 masked %ge3A_392 {add = true} : memref<256xf32, #tpu.memory_space<vmem>>[vector<16xi32>], vector<16xf32>, vector<16xi1>
        tpu.vector_store_idx %arg24[%scan3A_824], %broadcast_in_dim3A_390 masked %ge3A_392 {add = true} : memref<256xf32, #tpu.memory_space<vmem>>[vector<16xi32>], vector<16xf32>, vector<16xi1>
        %max3A_912 = arith.maximumf %scan3A_825, %max3A_911 : vector<16xf32>
        scf.yield %mul3A_868, %mul3A_869, %mul3A_870, %mul3A_871, %mul3A_872, %mul3A_873, %or3A_883, %or3A_887, %or3A_891, %or3A_895, %or3A_899, %or3A_903, %max3A_912 : vector<16xf32>, vector<16xf32>, vector<16xf32>, vector<16xf32>, vector<16xf32>, vector<16xf32>, vector<16xi32>, vector<16xi32>, vector<16xi32>, vector<16xi32>, vector<16xi32>, vector<16xi32>, vector<16xf32>
      }
      %scan3A_549 = arith.constant 127 : i32
      tpu.vector_store_idx %arg13[%scan3A_548#6], %scan3A_548#0 {add = true} : memref<256xf32, #tpu.memory_space<vmem>>[vector<16xi32>], vector<16xf32>,
      tpu.vector_store_idx %arg19[%scan3A_548#6], %broadcast_in_dim3A_390 {add = true} : memref<256xf32, #tpu.memory_space<vmem>>[vector<16xi32>], vector<16xf32>,
      tpu.vector_store_idx %arg14[%scan3A_548#7], %scan3A_548#1 {add = true} : memref<256xf32, #tpu.memory_space<vmem>>[vector<16xi32>], vector<16xf32>,
      tpu.vector_store_idx %arg20[%scan3A_548#7], %broadcast_in_dim3A_390 {add = true} : memref<256xf32, #tpu.memory_space<vmem>>[vector<16xi32>], vector<16xf32>,
      tpu.vector_store_idx %arg15[%scan3A_548#8], %scan3A_548#2 {add = true} : memref<256xf32, #tpu.memory_space<vmem>>[vector<16xi32>], vector<16xf32>,
      tpu.vector_store_idx %arg21[%scan3A_548#8], %broadcast_in_dim3A_390 {add = true} : memref<256xf32, #tpu.memory_space<vmem>>[vector<16xi32>], vector<16xf32>,
      tpu.vector_store_idx %arg16[%scan3A_548#9], %scan3A_548#3 {add = true} : memref<256xf32, #tpu.memory_space<vmem>>[vector<16xi32>], vector<16xf32>,
      tpu.vector_store_idx %arg22[%scan3A_548#9], %broadcast_in_dim3A_390 {add = true} : memref<256xf32, #tpu.memory_space<vmem>>[vector<16xi32>], vector<16xf32>,
      tpu.vector_store_idx %arg17[%scan3A_548#10], %scan3A_548#4 {add = true} : memref<256xf32, #tpu.memory_space<vmem>>[vector<16xi32>], vector<16xf32>,
      tpu.vector_store_idx %arg23[%scan3A_548#10], %broadcast_in_dim3A_390 {add = true} : memref<256xf32, #tpu.memory_space<vmem>>[vector<16xi32>], vector<16xf32>,
      tpu.vector_store_idx %arg18[%scan3A_548#11], %scan3A_548#5 masked %ge3A_392 {add = true} : memref<256xf32, #tpu.memory_space<vmem>>[vector<16xi32>], vector<16xf32>, vector<16xi1>
      tpu.vector_store_idx %arg24[%scan3A_548#11], %broadcast_in_dim3A_390 masked %ge3A_392 {add = true} : memref<256xf32, #tpu.memory_space<vmem>>[vector<16xi32>], vector<16xf32>, vector<16xi1>
      %swap3A_550 = arith.constant 0 : index
      %swap3A_551 = tpu.vector_load %arg25[%swap3A_550] {strides = array<i32>} : memref<16xf32, #tpu.memory_space<vmem>>, vector<16xf32>,
      tpu.vector_store %arg25[%swap3A_550], %scan3A_548#12 {strides = array<i32>} : memref<16xf32, #tpu.memory_space<vmem>>, vector<16xf32>,
      %add3A_552 = arith.constant 1 : i32
      %add3A_553 = arith.addi %add3A_432, %add3A_552 : i32
      %add3A_554 = arith.constant 2 : i32
      %add3A_555 = arith.addi %add3A_553, %add3A_554 : i32
      %lt3A_556 = arith.constant 48 : i32
      %lt3A_557 = arith.cmpi slt, %add3A_555, %lt3A_556 : i32
      %convert_element_type3A_558 = arith.extui %lt3A_557 : i1 to i32
      %cond3A_559 = arith.constant 0 : i32
      %cond3A_560 = arith.cmpi ne, %convert_element_type3A_558, %cond3A_559 : i32
      scf.if %cond3A_560 {
        %add3A_812 = arith.constant 1 : i32
        %add3A_813 = arith.addi %add3A_432, %add3A_812 : i32
        %add3A_814 = arith.constant 2 : i32
        %add3A_815 = arith.addi %add3A_813, %add3A_814 : i32
        %mul3A_816 = arith.constant 128 : i32
        %mul3A_817 = arith.muli %add3A_815, %mul3A_816 : i32
        %add3A_818 = arith.addi %mul3A_2, %mul3A_817 : i32
        %multiple_of3A_819 = tpu.assume_multiple %add3A_818, 8 : i32
        %dma_start3A_820 = arith.constant 0 : i32
        %dma_start3A_821 = tpu.memref_slice %arg2[%multiple_of3A_819, %dma_start3A_820] : memref<196608x84xf32, #tpu.memory_space<hbm>> -> memref<128x84xf32, #tpu.memory_space<hbm>>
        %dma_start3A_822 = arith.constant 0 : i32
        %dma_start3A_823 = tpu.memref_slice %arg2[%multiple_of3A_819, %dma_start3A_822] : memref<196608x84xf32, #tpu.memory_space<hbm>> -> memref<128x84xf32, #tpu.memory_space<hbm>>
        tpu.enqueue_dma source(%dma_start3A_823 : memref<128x84xf32, #tpu.memory_space<hbm>>) target(%arg7 : memref<128x84xf32, #tpu.memory_space<vmem>>) target_semaphore(%arg26 : memref<!tpu.dma_semaphore, #tpu.memory_space<semaphore_mem>>)
        %dma_start3A_824 = arith.constant 0 : i32
        %dma_start3A_825 = tpu.memref_slice %arg3[%multiple_of3A_819, %dma_start3A_824] : memref<196608x84xf32, #tpu.memory_space<hbm>> -> memref<128x84xf32, #tpu.memory_space<hbm>>
        %dma_start3A_826 = arith.constant 0 : i32
        %dma_start3A_827 = tpu.memref_slice %arg3[%multiple_of3A_819, %dma_start3A_826] : memref<196608x84xf32, #tpu.memory_space<hbm>> -> memref<128x84xf32, #tpu.memory_space<hbm>>
        tpu.enqueue_dma source(%dma_start3A_827 : memref<128x84xf32, #tpu.memory_space<hbm>>) target(%arg8 : memref<128x84xf32, #tpu.memory_space<vmem>>) target_semaphore(%arg26 : memref<!tpu.dma_semaphore, #tpu.memory_space<semaphore_mem>>)
      } else {
      }
      %dma_wait3A_561 = arith.constant 0 : i32
      %dma_wait3A_562 = arith.constant 0 : i32
      %dma_wait3A_563 = tpu.memref_slice %arg2[%dma_wait3A_561, %dma_wait3A_562] : memref<196608x84xf32, #tpu.memory_space<hbm>> -> memref<128x84xf32, #tpu.memory_space<hbm>>
      %dma_wait3A_564 = arith.constant 0 : i32
      %dma_wait3A_565 = arith.constant 0 : i32
      %dma_wait3A_566 = tpu.memref_slice %arg2[%dma_wait3A_564, %dma_wait3A_565] : memref<196608x84xf32, #tpu.memory_space<hbm>> -> memref<128x84xf32, #tpu.memory_space<hbm>>
      tpu.wait_dma2 semaphore(%arg27 : memref<!tpu.dma_semaphore, #tpu.memory_space<semaphore_mem>>) src(%dma_wait3A_566 : memref<128x84xf32, #tpu.memory_space<hbm>>) dst(%arg9 : memref<128x84xf32, #tpu.memory_space<vmem>>)
      %dma_wait3A_567 = arith.constant 0 : i32
      %dma_wait3A_568 = arith.constant 0 : i32
      %dma_wait3A_569 = tpu.memref_slice %arg3[%dma_wait3A_567, %dma_wait3A_568] : memref<196608x84xf32, #tpu.memory_space<hbm>> -> memref<128x84xf32, #tpu.memory_space<hbm>>
      %dma_wait3A_570 = arith.constant 0 : i32
      %dma_wait3A_571 = arith.constant 0 : i32
      %dma_wait3A_572 = tpu.memref_slice %arg3[%dma_wait3A_570, %dma_wait3A_571] : memref<196608x84xf32, #tpu.memory_space<hbm>> -> memref<128x84xf32, #tpu.memory_space<hbm>>
      tpu.wait_dma2 semaphore(%arg27 : memref<!tpu.dma_semaphore, #tpu.memory_space<semaphore_mem>>) src(%dma_wait3A_572 : memref<128x84xf32, #tpu.memory_space<hbm>>) dst(%arg10 : memref<128x84xf32, #tpu.memory_space<vmem>>)
      %get3A_573 = arith.constant 0 : i32
      %get3A_574 = arith.index_cast %get3A_573 : i32 to index
      %get3A_575 = arith.constant 0 : index
      %get3A_576 = tpu.vector_load %arg10[%get3A_574, %get3A_575] {strides = array<i32>} : memref<128x84xf32, #tpu.memory_space<vmem>>, vector<16xf32>,
      %get3A_577 = arith.constant 0 : i32
      %get3A_578 = arith.index_cast %get3A_577 : i32 to index
      %get3A_579 = arith.constant 16 : index
      %get3A_580 = tpu.vector_load %arg10[%get3A_578, %get3A_579] {strides = array<i32>} : memref<128x84xf32, #tpu.memory_space<vmem>>, vector<16xf32>,
      %get3A_581 = arith.constant 0 : i32
      %get3A_582 = arith.index_cast %get3A_581 : i32 to index
      %get3A_583 = arith.constant 32 : index
      %get3A_584 = tpu.vector_load %arg10[%get3A_582, %get3A_583] {strides = array<i32>} : memref<128x84xf32, #tpu.memory_space<vmem>>, vector<16xf32>,
      %get3A_585 = arith.constant 0 : i32
      %get3A_586 = arith.index_cast %get3A_585 : i32 to index
      %get3A_587 = arith.constant 48 : index
      %get3A_588 = tpu.vector_load %arg10[%get3A_586, %get3A_587] {strides = array<i32>} : memref<128x84xf32, #tpu.memory_space<vmem>>, vector<16xf32>,
      %get3A_589 = arith.constant 0 : i32
      %get3A_590 = arith.index_cast %get3A_589 : i32 to index
      %get3A_591 = arith.constant 64 : index
      %get3A_592 = tpu.vector_load %arg10[%get3A_590, %get3A_591] {strides = array<i32>} : memref<128x84xf32, #tpu.memory_space<vmem>>, vector<16xf32>,
      %get3A_593 = arith.constant 0 : i32
      %get3A_594 = arith.index_cast %get3A_593 : i32 to index
      %get3A_595 = arith.constant 68 : index
      %get3A_596 = tpu.vector_load %arg10[%get3A_594, %get3A_595] {strides = array<i32>} : memref<128x84xf32, #tpu.memory_space<vmem>>, vector<16xf32>,
      %get3A_597 = arith.constant 0 : i32
      %get3A_598 = arith.index_cast %get3A_597 : i32 to index
      %get3A_599 = arith.constant 0 : index
      %get3A_600 = tpu.vector_load %arg9[%get3A_598, %get3A_599] {strides = array<i32>} : memref<128x84xf32, #tpu.memory_space<vmem>>, vector<16xf32>,
      %get3A_601 = arith.constant 0 : i32
      %get3A_602 = arith.index_cast %get3A_601 : i32 to index
      %get3A_603 = arith.constant 16 : index
      %get3A_604 = tpu.vector_load %arg9[%get3A_602, %get3A_603] {strides = array<i32>} : memref<128x84xf32, #tpu.memory_space<vmem>>, vector<16xf32>,
      %get3A_605 = arith.constant 0 : i32
      %get3A_606 = arith.index_cast %get3A_605 : i32 to index
      %get3A_607 = arith.constant 32 : index
      %get3A_608 = tpu.vector_load %arg9[%get3A_606, %get3A_607] {strides = array<i32>} : memref<128x84xf32, #tpu.memory_space<vmem>>, vector<16xf32>,
      %get3A_609 = arith.constant 0 : i32
      %get3A_610 = arith.index_cast %get3A_609 : i32 to index
      %get3A_611 = arith.constant 48 : index
      %get3A_612 = tpu.vector_load %arg9[%get3A_610, %get3A_611] {strides = array<i32>} : memref<128x84xf32, #tpu.memory_space<vmem>>, vector<16xf32>,
      %get3A_613 = arith.constant 0 : i32
      %get3A_614 = arith.index_cast %get3A_613 : i32 to index
      %get3A_615 = arith.constant 64 : index
      %get3A_616 = tpu.vector_load %arg9[%get3A_614, %get3A_615] {strides = array<i32>} : memref<128x84xf32, #tpu.memory_space<vmem>>, vector<16xf32>,
      %get3A_617 = arith.constant 0 : i32
      %get3A_618 = arith.index_cast %get3A_617 : i32 to index
      %get3A_619 = arith.constant 68 : index
      %get3A_620 = tpu.vector_load %arg9[%get3A_618, %get3A_619] {strides = array<i32>} : memref<128x84xf32, #tpu.memory_space<vmem>>, vector<16xf32>,
      %sub3A_621 = arith.subf %get3A_600, %get3A_576 : vector<16xf32>
      %sub3A_622 = arith.subf %get3A_604, %get3A_580 : vector<16xf32>
      %sub3A_623 = arith.subf %get3A_608, %get3A_584 : vector<16xf32>
      %sub3A_624 = arith.subf %get3A_612, %get3A_588 : vector<16xf32>
      %sub3A_625 = arith.subf %get3A_616, %get3A_592 : vector<16xf32>
      %sub3A_626 = arith.subf %get3A_620, %get3A_596 : vector<16xf32>
      %mul3A_627 = arith.mulf %sub3A_621, %sub3A_621 : vector<16xf32>
      %mul3A_628 = arith.mulf %sub3A_622, %sub3A_622 : vector<16xf32>
      %mul3A_629 = arith.mulf %sub3A_623, %sub3A_623 : vector<16xf32>
      %mul3A_630 = arith.mulf %sub3A_624, %sub3A_624 : vector<16xf32>
      %mul3A_631 = arith.mulf %sub3A_625, %sub3A_625 : vector<16xf32>
      %mul3A_632 = arith.mulf %sub3A_626, %sub3A_626 : vector<16xf32>
      %convert_element_type3A_633 = arith.fptosi %get3A_576 : vector<16xf32> to vector<16xi32>
      %convert_element_type3A_634 = arith.fptosi %get3A_580 : vector<16xf32> to vector<16xi32>
      %convert_element_type3A_635 = arith.fptosi %get3A_584 : vector<16xf32> to vector<16xi32>
      %convert_element_type3A_636 = arith.fptosi %get3A_588 : vector<16xf32> to vector<16xi32>
      %convert_element_type3A_637 = arith.fptosi %get3A_592 : vector<16xf32> to vector<16xi32>
      %convert_element_type3A_638 = arith.fptosi %get3A_596 : vector<16xf32> to vector<16xi32>
      %shift_left3A_639 = arith.constant 4 : i32
      %shift_left3A_640 = vector.broadcast %shift_left3A_639 : i32 to vector<16xi32>
      %shift_left3A_641 = arith.shli %convert_element_type3A_633, %shift_left3A_640 : vector<16xi32>
      %or3A_642 = arith.ori %shift_left3A_641, %iota3A : vector<16xi32>
      %shift_left3A_643 = arith.constant 4 : i32
      %shift_left3A_644 = vector.broadcast %shift_left3A_643 : i32 to vector<16xi32>
      %shift_left3A_645 = arith.shli %convert_element_type3A_634, %shift_left3A_644 : vector<16xi32>
      %or3A_646 = arith.ori %shift_left3A_645, %iota3A : vector<16xi32>
      %shift_left3A_647 = arith.constant 4 : i32
      %shift_left3A_648 = vector.broadcast %shift_left3A_647 : i32 to vector<16xi32>
      %shift_left3A_649 = arith.shli %convert_element_type3A_635, %shift_left3A_648 : vector<16xi32>
      %or3A_650 = arith.ori %shift_left3A_649, %iota3A : vector<16xi32>
      %shift_left3A_651 = arith.constant 4 : i32
      %shift_left3A_652 = vector.broadcast %shift_left3A_651 : i32 to vector<16xi32>
      %shift_left3A_653 = arith.shli %convert_element_type3A_636, %shift_left3A_652 : vector<16xi32>
      %or3A_654 = arith.ori %shift_left3A_653, %iota3A : vector<16xi32>
      %shift_left3A_655 = arith.constant 4 : i32
      %shift_left3A_656 = vector.broadcast %shift_left3A_655 : i32 to vector<16xi32>
      %shift_left3A_657 = arith.shli %convert_element_type3A_637, %shift_left3A_656 : vector<16xi32>
      %or3A_658 = arith.ori %shift_left3A_657, %iota3A : vector<16xi32>
      %shift_left3A_659 = arith.constant 4 : i32
      %shift_left3A_660 = vector.broadcast %shift_left3A_659 : i32 to vector<16xi32>
      %shift_left3A_661 = arith.shli %convert_element_type3A_638, %shift_left3A_660 : vector<16xi32>
      %or3A_662 = arith.ori %shift_left3A_661, %iota3A : vector<16xi32>
      %jit3A_663 = arith.constant 0.000000e+00 : f32
      %broadcast_in_dim3A_664 = vector.broadcast %jit3A_663 : f32 to vector<16xf32>
      %select_n3A_665 = arith.select %ge3A_392, %get3A_596, %broadcast_in_dim3A_664 : vector<16xi1>, vector<16xf32>
      %max3A_666 = arith.maximumf %get3A_576, %get3A_580 : vector<16xf32>
      %max3A_667 = arith.maximumf %get3A_584, %get3A_588 : vector<16xf32>
      %max3A_668 = arith.maximumf %get3A_592, %select_n3A_665 : vector<16xf32>
      %max3A_669 = arith.maximumf %max3A_666, %max3A_667 : vector<16xf32>
      %max3A_670 = arith.maximumf %max3A_669, %max3A_668 : vector<16xf32>
      %get3A_671 = arith.constant 0 : index
      %get3A_672 = tpu.vector_load %arg25[%get3A_671] {strides = array<i32>} : memref<16xf32, #tpu.memory_space<vmem>>, vector<16xf32>,
      %max3A_673 = arith.maximumf %get3A_672, %max3A_670 : vector<16xf32>
      %scan3A_674 = arith.constant 1 : i32
      %scan3A_675 = arith.constant 127 : i32
      %scan3A_676 = arith.addi %scan3A_674, %scan3A_675 : i32
      %scan3A_677 = arith.constant 1 : i32
      %scan3A_678:13 = scf.for %scan3A_812 = %scan3A_674 to %scan3A_676 step %scan3A_677 iter_args(%scan3A_813 = %mul3A_627, %scan3A_814 = %mul3A_628, %scan3A_815 = %mul3A_629, %scan3A_816 = %mul3A_630, %scan3A_817 = %mul3A_631, %scan3A_818 = %mul3A_632, %scan3A_819 = %or3A_642, %scan3A_820 = %or3A_646, %scan3A_821 = %or3A_650, %scan3A_822 = %or3A_654, %scan3A_823 = %or3A_658, %scan3A_824 = %or3A_662, %scan3A_825 = %max3A_673) -> (vector<16xf32>, vector<16xf32>, vector<16xf32>, vector<16xf32>, vector<16xf32>, vector<16xf32>, vector<16xi32>, vector<16xi32>, vector<16xi32>, vector<16xi32>, vector<16xi32>, vector<16xi32>, vector<16xf32>)  : i32 {
        %get3A_826 = arith.index_cast %scan3A_812 : i32 to index
        %get3A_827 = arith.constant 0 : index
        %get3A_828 = tpu.vector_load %arg10[%get3A_826, %get3A_827] {strides = array<i32>} : memref<128x84xf32, #tpu.memory_space<vmem>>, vector<16xf32>,
        %get3A_829 = arith.index_cast %scan3A_812 : i32 to index
        %get3A_830 = arith.constant 16 : index
        %get3A_831 = tpu.vector_load %arg10[%get3A_829, %get3A_830] {strides = array<i32>} : memref<128x84xf32, #tpu.memory_space<vmem>>, vector<16xf32>,
        %get3A_832 = arith.index_cast %scan3A_812 : i32 to index
        %get3A_833 = arith.constant 32 : index
        %get3A_834 = tpu.vector_load %arg10[%get3A_832, %get3A_833] {strides = array<i32>} : memref<128x84xf32, #tpu.memory_space<vmem>>, vector<16xf32>,
        %get3A_835 = arith.index_cast %scan3A_812 : i32 to index
        %get3A_836 = arith.constant 48 : index
        %get3A_837 = tpu.vector_load %arg10[%get3A_835, %get3A_836] {strides = array<i32>} : memref<128x84xf32, #tpu.memory_space<vmem>>, vector<16xf32>,
        %get3A_838 = arith.index_cast %scan3A_812 : i32 to index
        %get3A_839 = arith.constant 64 : index
        %get3A_840 = tpu.vector_load %arg10[%get3A_838, %get3A_839] {strides = array<i32>} : memref<128x84xf32, #tpu.memory_space<vmem>>, vector<16xf32>,
        %get3A_841 = arith.index_cast %scan3A_812 : i32 to index
        %get3A_842 = arith.constant 68 : index
        %get3A_843 = tpu.vector_load %arg10[%get3A_841, %get3A_842] {strides = array<i32>} : memref<128x84xf32, #tpu.memory_space<vmem>>, vector<16xf32>,
        %get3A_844 = arith.index_cast %scan3A_812 : i32 to index
        %get3A_845 = arith.constant 0 : index
        %get3A_846 = tpu.vector_load %arg9[%get3A_844, %get3A_845] {strides = array<i32>} : memref<128x84xf32, #tpu.memory_space<vmem>>, vector<16xf32>,
        %get3A_847 = arith.index_cast %scan3A_812 : i32 to index
        %get3A_848 = arith.constant 16 : index
        %get3A_849 = tpu.vector_load %arg9[%get3A_847, %get3A_848] {strides = array<i32>} : memref<128x84xf32, #tpu.memory_space<vmem>>, vector<16xf32>,
        %get3A_850 = arith.index_cast %scan3A_812 : i32 to index
        %get3A_851 = arith.constant 32 : index
        %get3A_852 = tpu.vector_load %arg9[%get3A_850, %get3A_851] {strides = array<i32>} : memref<128x84xf32, #tpu.memory_space<vmem>>, vector<16xf32>,
        %get3A_853 = arith.index_cast %scan3A_812 : i32 to index
        %get3A_854 = arith.constant 48 : index
        %get3A_855 = tpu.vector_load %arg9[%get3A_853, %get3A_854] {strides = array<i32>} : memref<128x84xf32, #tpu.memory_space<vmem>>, vector<16xf32>,
        %get3A_856 = arith.index_cast %scan3A_812 : i32 to index
        %get3A_857 = arith.constant 64 : index
        %get3A_858 = tpu.vector_load %arg9[%get3A_856, %get3A_857] {strides = array<i32>} : memref<128x84xf32, #tpu.memory_space<vmem>>, vector<16xf32>,
        %get3A_859 = arith.index_cast %scan3A_812 : i32 to index
        %get3A_860 = arith.constant 68 : index
        %get3A_861 = tpu.vector_load %arg9[%get3A_859, %get3A_860] {strides = array<i32>} : memref<128x84xf32, #tpu.memory_space<vmem>>, vector<16xf32>,
        %sub3A_862 = arith.subf %get3A_846, %get3A_828 : vector<16xf32>
        %sub3A_863 = arith.subf %get3A_849, %get3A_831 : vector<16xf32>
        %sub3A_864 = arith.subf %get3A_852, %get3A_834 : vector<16xf32>
        %sub3A_865 = arith.subf %get3A_855, %get3A_837 : vector<16xf32>
        %sub3A_866 = arith.subf %get3A_858, %get3A_840 : vector<16xf32>
        %sub3A_867 = arith.subf %get3A_861, %get3A_843 : vector<16xf32>
        %mul3A_868 = arith.mulf %sub3A_862, %sub3A_862 : vector<16xf32>
        %mul3A_869 = arith.mulf %sub3A_863, %sub3A_863 : vector<16xf32>
        %mul3A_870 = arith.mulf %sub3A_864, %sub3A_864 : vector<16xf32>
        %mul3A_871 = arith.mulf %sub3A_865, %sub3A_865 : vector<16xf32>
        %mul3A_872 = arith.mulf %sub3A_866, %sub3A_866 : vector<16xf32>
        %mul3A_873 = arith.mulf %sub3A_867, %sub3A_867 : vector<16xf32>
        %convert_element_type3A_874 = arith.fptosi %get3A_828 : vector<16xf32> to vector<16xi32>
        %convert_element_type3A_875 = arith.fptosi %get3A_831 : vector<16xf32> to vector<16xi32>
        %convert_element_type3A_876 = arith.fptosi %get3A_834 : vector<16xf32> to vector<16xi32>
        %convert_element_type3A_877 = arith.fptosi %get3A_837 : vector<16xf32> to vector<16xi32>
        %convert_element_type3A_878 = arith.fptosi %get3A_840 : vector<16xf32> to vector<16xi32>
        %convert_element_type3A_879 = arith.fptosi %get3A_843 : vector<16xf32> to vector<16xi32>
        %shift_left3A_880 = arith.constant 4 : i32
        %shift_left3A_881 = vector.broadcast %shift_left3A_880 : i32 to vector<16xi32>
        %shift_left3A_882 = arith.shli %convert_element_type3A_874, %shift_left3A_881 : vector<16xi32>
        %or3A_883 = arith.ori %shift_left3A_882, %iota3A : vector<16xi32>
        %shift_left3A_884 = arith.constant 4 : i32
        %shift_left3A_885 = vector.broadcast %shift_left3A_884 : i32 to vector<16xi32>
        %shift_left3A_886 = arith.shli %convert_element_type3A_875, %shift_left3A_885 : vector<16xi32>
        %or3A_887 = arith.ori %shift_left3A_886, %iota3A : vector<16xi32>
        %shift_left3A_888 = arith.constant 4 : i32
        %shift_left3A_889 = vector.broadcast %shift_left3A_888 : i32 to vector<16xi32>
        %shift_left3A_890 = arith.shli %convert_element_type3A_876, %shift_left3A_889 : vector<16xi32>
        %or3A_891 = arith.ori %shift_left3A_890, %iota3A : vector<16xi32>
        %shift_left3A_892 = arith.constant 4 : i32
        %shift_left3A_893 = vector.broadcast %shift_left3A_892 : i32 to vector<16xi32>
        %shift_left3A_894 = arith.shli %convert_element_type3A_877, %shift_left3A_893 : vector<16xi32>
        %or3A_895 = arith.ori %shift_left3A_894, %iota3A : vector<16xi32>
        %shift_left3A_896 = arith.constant 4 : i32
        %shift_left3A_897 = vector.broadcast %shift_left3A_896 : i32 to vector<16xi32>
        %shift_left3A_898 = arith.shli %convert_element_type3A_878, %shift_left3A_897 : vector<16xi32>
        %or3A_899 = arith.ori %shift_left3A_898, %iota3A : vector<16xi32>
        %shift_left3A_900 = arith.constant 4 : i32
        %shift_left3A_901 = vector.broadcast %shift_left3A_900 : i32 to vector<16xi32>
        %shift_left3A_902 = arith.shli %convert_element_type3A_879, %shift_left3A_901 : vector<16xi32>
        %or3A_903 = arith.ori %shift_left3A_902, %iota3A : vector<16xi32>
        %jit3A_904 = arith.constant 0.000000e+00 : f32
        %broadcast_in_dim3A_905 = vector.broadcast %jit3A_904 : f32 to vector<16xf32>
        %select_n3A_906 = arith.select %ge3A_392, %get3A_843, %broadcast_in_dim3A_905 : vector<16xi1>, vector<16xf32>
        %max3A_907 = arith.maximumf %get3A_828, %get3A_831 : vector<16xf32>
        %max3A_908 = arith.maximumf %get3A_834, %get3A_837 : vector<16xf32>
        %max3A_909 = arith.maximumf %get3A_840, %select_n3A_906 : vector<16xf32>
        %max3A_910 = arith.maximumf %max3A_907, %max3A_908 : vector<16xf32>
        %max3A_911 = arith.maximumf %max3A_910, %max3A_909 : vector<16xf32>
        tpu.vector_store_idx %arg13[%scan3A_819], %scan3A_813 {add = true} : memref<256xf32, #tpu.memory_space<vmem>>[vector<16xi32>], vector<16xf32>,
        tpu.vector_store_idx %arg19[%scan3A_819], %broadcast_in_dim3A_390 {add = true} : memref<256xf32, #tpu.memory_space<vmem>>[vector<16xi32>], vector<16xf32>,
        tpu.vector_store_idx %arg14[%scan3A_820], %scan3A_814 {add = true} : memref<256xf32, #tpu.memory_space<vmem>>[vector<16xi32>], vector<16xf32>,
        tpu.vector_store_idx %arg20[%scan3A_820], %broadcast_in_dim3A_390 {add = true} : memref<256xf32, #tpu.memory_space<vmem>>[vector<16xi32>], vector<16xf32>,
        tpu.vector_store_idx %arg15[%scan3A_821], %scan3A_815 {add = true} : memref<256xf32, #tpu.memory_space<vmem>>[vector<16xi32>], vector<16xf32>,
        tpu.vector_store_idx %arg21[%scan3A_821], %broadcast_in_dim3A_390 {add = true} : memref<256xf32, #tpu.memory_space<vmem>>[vector<16xi32>], vector<16xf32>,
        tpu.vector_store_idx %arg16[%scan3A_822], %scan3A_816 {add = true} : memref<256xf32, #tpu.memory_space<vmem>>[vector<16xi32>], vector<16xf32>,
        tpu.vector_store_idx %arg22[%scan3A_822], %broadcast_in_dim3A_390 {add = true} : memref<256xf32, #tpu.memory_space<vmem>>[vector<16xi32>], vector<16xf32>,
        tpu.vector_store_idx %arg17[%scan3A_823], %scan3A_817 {add = true} : memref<256xf32, #tpu.memory_space<vmem>>[vector<16xi32>], vector<16xf32>,
        tpu.vector_store_idx %arg23[%scan3A_823], %broadcast_in_dim3A_390 {add = true} : memref<256xf32, #tpu.memory_space<vmem>>[vector<16xi32>], vector<16xf32>,
        tpu.vector_store_idx %arg18[%scan3A_824], %scan3A_818 masked %ge3A_392 {add = true} : memref<256xf32, #tpu.memory_space<vmem>>[vector<16xi32>], vector<16xf32>, vector<16xi1>
        tpu.vector_store_idx %arg24[%scan3A_824], %broadcast_in_dim3A_390 masked %ge3A_392 {add = true} : memref<256xf32, #tpu.memory_space<vmem>>[vector<16xi32>], vector<16xf32>, vector<16xi1>
        %max3A_912 = arith.maximumf %scan3A_825, %max3A_911 : vector<16xf32>
        scf.yield %mul3A_868, %mul3A_869, %mul3A_870, %mul3A_871, %mul3A_872, %mul3A_873, %or3A_883, %or3A_887, %or3A_891, %or3A_895, %or3A_899, %or3A_903, %max3A_912 : vector<16xf32>, vector<16xf32>, vector<16xf32>, vector<16xf32>, vector<16xf32>, vector<16xf32>, vector<16xi32>, vector<16xi32>, vector<16xi32>, vector<16xi32>, vector<16xi32>, vector<16xi32>, vector<16xf32>
      }
      %scan3A_679 = arith.constant 127 : i32
      tpu.vector_store_idx %arg13[%scan3A_678#6], %scan3A_678#0 {add = true} : memref<256xf32, #tpu.memory_space<vmem>>[vector<16xi32>], vector<16xf32>,
      tpu.vector_store_idx %arg19[%scan3A_678#6], %broadcast_in_dim3A_390 {add = true} : memref<256xf32, #tpu.memory_space<vmem>>[vector<16xi32>], vector<16xf32>,
      tpu.vector_store_idx %arg14[%scan3A_678#7], %scan3A_678#1 {add = true} : memref<256xf32, #tpu.memory_space<vmem>>[vector<16xi32>], vector<16xf32>,
      tpu.vector_store_idx %arg20[%scan3A_678#7], %broadcast_in_dim3A_390 {add = true} : memref<256xf32, #tpu.memory_space<vmem>>[vector<16xi32>], vector<16xf32>,
      tpu.vector_store_idx %arg15[%scan3A_678#8], %scan3A_678#2 {add = true} : memref<256xf32, #tpu.memory_space<vmem>>[vector<16xi32>], vector<16xf32>,
      tpu.vector_store_idx %arg21[%scan3A_678#8], %broadcast_in_dim3A_390 {add = true} : memref<256xf32, #tpu.memory_space<vmem>>[vector<16xi32>], vector<16xf32>,
      tpu.vector_store_idx %arg16[%scan3A_678#9], %scan3A_678#3 {add = true} : memref<256xf32, #tpu.memory_space<vmem>>[vector<16xi32>], vector<16xf32>,
      tpu.vector_store_idx %arg22[%scan3A_678#9], %broadcast_in_dim3A_390 {add = true} : memref<256xf32, #tpu.memory_space<vmem>>[vector<16xi32>], vector<16xf32>,
      tpu.vector_store_idx %arg17[%scan3A_678#10], %scan3A_678#4 {add = true} : memref<256xf32, #tpu.memory_space<vmem>>[vector<16xi32>], vector<16xf32>,
      tpu.vector_store_idx %arg23[%scan3A_678#10], %broadcast_in_dim3A_390 {add = true} : memref<256xf32, #tpu.memory_space<vmem>>[vector<16xi32>], vector<16xf32>,
      tpu.vector_store_idx %arg18[%scan3A_678#11], %scan3A_678#5 masked %ge3A_392 {add = true} : memref<256xf32, #tpu.memory_space<vmem>>[vector<16xi32>], vector<16xf32>, vector<16xi1>
      tpu.vector_store_idx %arg24[%scan3A_678#11], %broadcast_in_dim3A_390 masked %ge3A_392 {add = true} : memref<256xf32, #tpu.memory_space<vmem>>[vector<16xi32>], vector<16xf32>, vector<16xi1>
      %swap3A_680 = arith.constant 0 : index
      %swap3A_681 = tpu.vector_load %arg25[%swap3A_680] {strides = array<i32>} : memref<16xf32, #tpu.memory_space<vmem>>, vector<16xf32>,
      tpu.vector_store %arg25[%swap3A_680], %scan3A_678#12 {strides = array<i32>} : memref<16xf32, #tpu.memory_space<vmem>>, vector<16xf32>,
      %add3A_682 = arith.constant 2 : i32
      %add3A_683 = arith.addi %add3A_432, %add3A_682 : i32
      %add3A_684 = arith.constant 2 : i32
      %add3A_685 = arith.addi %add3A_683, %add3A_684 : i32
      %lt3A_686 = arith.constant 48 : i32
      %lt3A_687 = arith.cmpi slt, %add3A_685, %lt3A_686 : i32
      %convert_element_type3A_688 = arith.extui %lt3A_687 : i1 to i32
      %cond3A_689 = arith.constant 0 : i32
      %cond3A_690 = arith.cmpi ne, %convert_element_type3A_688, %cond3A_689 : i32
      scf.if %cond3A_690 {
        %add3A_812 = arith.constant 2 : i32
        %add3A_813 = arith.addi %add3A_432, %add3A_812 : i32
        %add3A_814 = arith.constant 2 : i32
        %add3A_815 = arith.addi %add3A_813, %add3A_814 : i32
        %mul3A_816 = arith.constant 128 : i32
        %mul3A_817 = arith.muli %add3A_815, %mul3A_816 : i32
        %add3A_818 = arith.addi %mul3A_2, %mul3A_817 : i32
        %multiple_of3A_819 = tpu.assume_multiple %add3A_818, 8 : i32
        %dma_start3A_820 = arith.constant 0 : i32
        %dma_start3A_821 = tpu.memref_slice %arg2[%multiple_of3A_819, %dma_start3A_820] : memref<196608x84xf32, #tpu.memory_space<hbm>> -> memref<128x84xf32, #tpu.memory_space<hbm>>
        %dma_start3A_822 = arith.constant 0 : i32
        %dma_start3A_823 = tpu.memref_slice %arg2[%multiple_of3A_819, %dma_start3A_822] : memref<196608x84xf32, #tpu.memory_space<hbm>> -> memref<128x84xf32, #tpu.memory_space<hbm>>
        tpu.enqueue_dma source(%dma_start3A_823 : memref<128x84xf32, #tpu.memory_space<hbm>>) target(%arg9 : memref<128x84xf32, #tpu.memory_space<vmem>>) target_semaphore(%arg27 : memref<!tpu.dma_semaphore, #tpu.memory_space<semaphore_mem>>)
        %dma_start3A_824 = arith.constant 0 : i32
        %dma_start3A_825 = tpu.memref_slice %arg3[%multiple_of3A_819, %dma_start3A_824] : memref<196608x84xf32, #tpu.memory_space<hbm>> -> memref<128x84xf32, #tpu.memory_space<hbm>>
        %dma_start3A_826 = arith.constant 0 : i32
        %dma_start3A_827 = tpu.memref_slice %arg3[%multiple_of3A_819, %dma_start3A_826] : memref<196608x84xf32, #tpu.memory_space<hbm>> -> memref<128x84xf32, #tpu.memory_space<hbm>>
        tpu.enqueue_dma source(%dma_start3A_827 : memref<128x84xf32, #tpu.memory_space<hbm>>) target(%arg10 : memref<128x84xf32, #tpu.memory_space<vmem>>) target_semaphore(%arg27 : memref<!tpu.dma_semaphore, #tpu.memory_space<semaphore_mem>>)
      } else {
      }
      %dma_wait3A_691 = arith.constant 0 : i32
      %dma_wait3A_692 = arith.constant 0 : i32
      %dma_wait3A_693 = tpu.memref_slice %arg2[%dma_wait3A_691, %dma_wait3A_692] : memref<196608x84xf32, #tpu.memory_space<hbm>> -> memref<128x84xf32, #tpu.memory_space<hbm>>
      %dma_wait3A_694 = arith.constant 0 : i32
      %dma_wait3A_695 = arith.constant 0 : i32
      %dma_wait3A_696 = tpu.memref_slice %arg2[%dma_wait3A_694, %dma_wait3A_695] : memref<196608x84xf32, #tpu.memory_space<hbm>> -> memref<128x84xf32, #tpu.memory_space<hbm>>
      tpu.wait_dma2 semaphore(%arg28 : memref<!tpu.dma_semaphore, #tpu.memory_space<semaphore_mem>>) src(%dma_wait3A_696 : memref<128x84xf32, #tpu.memory_space<hbm>>) dst(%arg11 : memref<128x84xf32, #tpu.memory_space<vmem>>)
      %dma_wait3A_697 = arith.constant 0 : i32
      %dma_wait3A_698 = arith.constant 0 : i32
      %dma_wait3A_699 = tpu.memref_slice %arg3[%dma_wait3A_697, %dma_wait3A_698] : memref<196608x84xf32, #tpu.memory_space<hbm>> -> memref<128x84xf32, #tpu.memory_space<hbm>>
      %dma_wait3A_700 = arith.constant 0 : i32
      %dma_wait3A_701 = arith.constant 0 : i32
      %dma_wait3A_702 = tpu.memref_slice %arg3[%dma_wait3A_700, %dma_wait3A_701] : memref<196608x84xf32, #tpu.memory_space<hbm>> -> memref<128x84xf32, #tpu.memory_space<hbm>>
      tpu.wait_dma2 semaphore(%arg28 : memref<!tpu.dma_semaphore, #tpu.memory_space<semaphore_mem>>) src(%dma_wait3A_702 : memref<128x84xf32, #tpu.memory_space<hbm>>) dst(%arg12 : memref<128x84xf32, #tpu.memory_space<vmem>>)
      %get3A_703 = arith.constant 0 : i32
      %get3A_704 = arith.index_cast %get3A_703 : i32 to index
      %get3A_705 = arith.constant 0 : index
      %get3A_706 = tpu.vector_load %arg12[%get3A_704, %get3A_705] {strides = array<i32>} : memref<128x84xf32, #tpu.memory_space<vmem>>, vector<16xf32>,
      %get3A_707 = arith.constant 0 : i32
      %get3A_708 = arith.index_cast %get3A_707 : i32 to index
      %get3A_709 = arith.constant 16 : index
      %get3A_710 = tpu.vector_load %arg12[%get3A_708, %get3A_709] {strides = array<i32>} : memref<128x84xf32, #tpu.memory_space<vmem>>, vector<16xf32>,
      %get3A_711 = arith.constant 0 : i32
      %get3A_712 = arith.index_cast %get3A_711 : i32 to index
      %get3A_713 = arith.constant 32 : index
      %get3A_714 = tpu.vector_load %arg12[%get3A_712, %get3A_713] {strides = array<i32>} : memref<128x84xf32, #tpu.memory_space<vmem>>, vector<16xf32>,
      %get3A_715 = arith.constant 0 : i32
      %get3A_716 = arith.index_cast %get3A_715 : i32 to index
      %get3A_717 = arith.constant 48 : index
      %get3A_718 = tpu.vector_load %arg12[%get3A_716, %get3A_717] {strides = array<i32>} : memref<128x84xf32, #tpu.memory_space<vmem>>, vector<16xf32>,
      %get3A_719 = arith.constant 0 : i32
      %get3A_720 = arith.index_cast %get3A_719 : i32 to index
      %get3A_721 = arith.constant 64 : index
      %get3A_722 = tpu.vector_load %arg12[%get3A_720, %get3A_721] {strides = array<i32>} : memref<128x84xf32, #tpu.memory_space<vmem>>, vector<16xf32>,
      %get3A_723 = arith.constant 0 : i32
      %get3A_724 = arith.index_cast %get3A_723 : i32 to index
      %get3A_725 = arith.constant 68 : index
      %get3A_726 = tpu.vector_load %arg12[%get3A_724, %get3A_725] {strides = array<i32>} : memref<128x84xf32, #tpu.memory_space<vmem>>, vector<16xf32>,
      %get3A_727 = arith.constant 0 : i32
      %get3A_728 = arith.index_cast %get3A_727 : i32 to index
      %get3A_729 = arith.constant 0 : index
      %get3A_730 = tpu.vector_load %arg11[%get3A_728, %get3A_729] {strides = array<i32>} : memref<128x84xf32, #tpu.memory_space<vmem>>, vector<16xf32>,
      %get3A_731 = arith.constant 0 : i32
      %get3A_732 = arith.index_cast %get3A_731 : i32 to index
      %get3A_733 = arith.constant 16 : index
      %get3A_734 = tpu.vector_load %arg11[%get3A_732, %get3A_733] {strides = array<i32>} : memref<128x84xf32, #tpu.memory_space<vmem>>, vector<16xf32>,
      %get3A_735 = arith.constant 0 : i32
      %get3A_736 = arith.index_cast %get3A_735 : i32 to index
      %get3A_737 = arith.constant 32 : index
      %get3A_738 = tpu.vector_load %arg11[%get3A_736, %get3A_737] {strides = array<i32>} : memref<128x84xf32, #tpu.memory_space<vmem>>, vector<16xf32>,
      %get3A_739 = arith.constant 0 : i32
      %get3A_740 = arith.index_cast %get3A_739 : i32 to index
      %get3A_741 = arith.constant 48 : index
      %get3A_742 = tpu.vector_load %arg11[%get3A_740, %get3A_741] {strides = array<i32>} : memref<128x84xf32, #tpu.memory_space<vmem>>, vector<16xf32>,
      %get3A_743 = arith.constant 0 : i32
      %get3A_744 = arith.index_cast %get3A_743 : i32 to index
      %get3A_745 = arith.constant 64 : index
      %get3A_746 = tpu.vector_load %arg11[%get3A_744, %get3A_745] {strides = array<i32>} : memref<128x84xf32, #tpu.memory_space<vmem>>, vector<16xf32>,
      %get3A_747 = arith.constant 0 : i32
      %get3A_748 = arith.index_cast %get3A_747 : i32 to index
      %get3A_749 = arith.constant 68 : index
      %get3A_750 = tpu.vector_load %arg11[%get3A_748, %get3A_749] {strides = array<i32>} : memref<128x84xf32, #tpu.memory_space<vmem>>, vector<16xf32>,
      %sub3A_751 = arith.subf %get3A_730, %get3A_706 : vector<16xf32>
      %sub3A_752 = arith.subf %get3A_734, %get3A_710 : vector<16xf32>
      %sub3A_753 = arith.subf %get3A_738, %get3A_714 : vector<16xf32>
      %sub3A_754 = arith.subf %get3A_742, %get3A_718 : vector<16xf32>
      %sub3A_755 = arith.subf %get3A_746, %get3A_722 : vector<16xf32>
      %sub3A_756 = arith.subf %get3A_750, %get3A_726 : vector<16xf32>
      %mul3A_757 = arith.mulf %sub3A_751, %sub3A_751 : vector<16xf32>
      %mul3A_758 = arith.mulf %sub3A_752, %sub3A_752 : vector<16xf32>
      %mul3A_759 = arith.mulf %sub3A_753, %sub3A_753 : vector<16xf32>
      %mul3A_760 = arith.mulf %sub3A_754, %sub3A_754 : vector<16xf32>
      %mul3A_761 = arith.mulf %sub3A_755, %sub3A_755 : vector<16xf32>
      %mul3A_762 = arith.mulf %sub3A_756, %sub3A_756 : vector<16xf32>
      %convert_element_type3A_763 = arith.fptosi %get3A_706 : vector<16xf32> to vector<16xi32>
      %convert_element_type3A_764 = arith.fptosi %get3A_710 : vector<16xf32> to vector<16xi32>
      %convert_element_type3A_765 = arith.fptosi %get3A_714 : vector<16xf32> to vector<16xi32>
      %convert_element_type3A_766 = arith.fptosi %get3A_718 : vector<16xf32> to vector<16xi32>
      %convert_element_type3A_767 = arith.fptosi %get3A_722 : vector<16xf32> to vector<16xi32>
      %convert_element_type3A_768 = arith.fptosi %get3A_726 : vector<16xf32> to vector<16xi32>
      %shift_left3A_769 = arith.constant 4 : i32
      %shift_left3A_770 = vector.broadcast %shift_left3A_769 : i32 to vector<16xi32>
      %shift_left3A_771 = arith.shli %convert_element_type3A_763, %shift_left3A_770 : vector<16xi32>
      %or3A_772 = arith.ori %shift_left3A_771, %iota3A : vector<16xi32>
      %shift_left3A_773 = arith.constant 4 : i32
      %shift_left3A_774 = vector.broadcast %shift_left3A_773 : i32 to vector<16xi32>
      %shift_left3A_775 = arith.shli %convert_element_type3A_764, %shift_left3A_774 : vector<16xi32>
      %or3A_776 = arith.ori %shift_left3A_775, %iota3A : vector<16xi32>
      %shift_left3A_777 = arith.constant 4 : i32
      %shift_left3A_778 = vector.broadcast %shift_left3A_777 : i32 to vector<16xi32>
      %shift_left3A_779 = arith.shli %convert_element_type3A_765, %shift_left3A_778 : vector<16xi32>
      %or3A_780 = arith.ori %shift_left3A_779, %iota3A : vector<16xi32>
      %shift_left3A_781 = arith.constant 4 : i32
      %shift_left3A_782 = vector.broadcast %shift_left3A_781 : i32 to vector<16xi32>
      %shift_left3A_783 = arith.shli %convert_element_type3A_766, %shift_left3A_782 : vector<16xi32>
      %or3A_784 = arith.ori %shift_left3A_783, %iota3A : vector<16xi32>
      %shift_left3A_785 = arith.constant 4 : i32
      %shift_left3A_786 = vector.broadcast %shift_left3A_785 : i32 to vector<16xi32>
      %shift_left3A_787 = arith.shli %convert_element_type3A_767, %shift_left3A_786 : vector<16xi32>
      %or3A_788 = arith.ori %shift_left3A_787, %iota3A : vector<16xi32>
      %shift_left3A_789 = arith.constant 4 : i32
      %shift_left3A_790 = vector.broadcast %shift_left3A_789 : i32 to vector<16xi32>
      %shift_left3A_791 = arith.shli %convert_element_type3A_768, %shift_left3A_790 : vector<16xi32>
      %or3A_792 = arith.ori %shift_left3A_791, %iota3A : vector<16xi32>
      %jit3A_793 = arith.constant 0.000000e+00 : f32
      %broadcast_in_dim3A_794 = vector.broadcast %jit3A_793 : f32 to vector<16xf32>
      %select_n3A_795 = arith.select %ge3A_392, %get3A_726, %broadcast_in_dim3A_794 : vector<16xi1>, vector<16xf32>
      %max3A_796 = arith.maximumf %get3A_706, %get3A_710 : vector<16xf32>
      %max3A_797 = arith.maximumf %get3A_714, %get3A_718 : vector<16xf32>
      %max3A_798 = arith.maximumf %get3A_722, %select_n3A_795 : vector<16xf32>
      %max3A_799 = arith.maximumf %max3A_796, %max3A_797 : vector<16xf32>
      %max3A_800 = arith.maximumf %max3A_799, %max3A_798 : vector<16xf32>
      %get3A_801 = arith.constant 0 : index
      %get3A_802 = tpu.vector_load %arg25[%get3A_801] {strides = array<i32>} : memref<16xf32, #tpu.memory_space<vmem>>, vector<16xf32>,
      %max3A_803 = arith.maximumf %get3A_802, %max3A_800 : vector<16xf32>
      %scan3A_804 = arith.constant 1 : i32
      %scan3A_805 = arith.constant 127 : i32
      %scan3A_806 = arith.addi %scan3A_804, %scan3A_805 : i32
      %scan3A_807 = arith.constant 1 : i32
      %scan3A_808:13 = scf.for %scan3A_812 = %scan3A_804 to %scan3A_806 step %scan3A_807 iter_args(%scan3A_813 = %mul3A_757, %scan3A_814 = %mul3A_758, %scan3A_815 = %mul3A_759, %scan3A_816 = %mul3A_760, %scan3A_817 = %mul3A_761, %scan3A_818 = %mul3A_762, %scan3A_819 = %or3A_772, %scan3A_820 = %or3A_776, %scan3A_821 = %or3A_780, %scan3A_822 = %or3A_784, %scan3A_823 = %or3A_788, %scan3A_824 = %or3A_792, %scan3A_825 = %max3A_803) -> (vector<16xf32>, vector<16xf32>, vector<16xf32>, vector<16xf32>, vector<16xf32>, vector<16xf32>, vector<16xi32>, vector<16xi32>, vector<16xi32>, vector<16xi32>, vector<16xi32>, vector<16xi32>, vector<16xf32>)  : i32 {
        %get3A_826 = arith.index_cast %scan3A_812 : i32 to index
        %get3A_827 = arith.constant 0 : index
        %get3A_828 = tpu.vector_load %arg12[%get3A_826, %get3A_827] {strides = array<i32>} : memref<128x84xf32, #tpu.memory_space<vmem>>, vector<16xf32>,
        %get3A_829 = arith.index_cast %scan3A_812 : i32 to index
        %get3A_830 = arith.constant 16 : index
        %get3A_831 = tpu.vector_load %arg12[%get3A_829, %get3A_830] {strides = array<i32>} : memref<128x84xf32, #tpu.memory_space<vmem>>, vector<16xf32>,
        %get3A_832 = arith.index_cast %scan3A_812 : i32 to index
        %get3A_833 = arith.constant 32 : index
        %get3A_834 = tpu.vector_load %arg12[%get3A_832, %get3A_833] {strides = array<i32>} : memref<128x84xf32, #tpu.memory_space<vmem>>, vector<16xf32>,
        %get3A_835 = arith.index_cast %scan3A_812 : i32 to index
        %get3A_836 = arith.constant 48 : index
        %get3A_837 = tpu.vector_load %arg12[%get3A_835, %get3A_836] {strides = array<i32>} : memref<128x84xf32, #tpu.memory_space<vmem>>, vector<16xf32>,
        %get3A_838 = arith.index_cast %scan3A_812 : i32 to index
        %get3A_839 = arith.constant 64 : index
        %get3A_840 = tpu.vector_load %arg12[%get3A_838, %get3A_839] {strides = array<i32>} : memref<128x84xf32, #tpu.memory_space<vmem>>, vector<16xf32>,
        %get3A_841 = arith.index_cast %scan3A_812 : i32 to index
        %get3A_842 = arith.constant 68 : index
        %get3A_843 = tpu.vector_load %arg12[%get3A_841, %get3A_842] {strides = array<i32>} : memref<128x84xf32, #tpu.memory_space<vmem>>, vector<16xf32>,
        %get3A_844 = arith.index_cast %scan3A_812 : i32 to index
        %get3A_845 = arith.constant 0 : index
        %get3A_846 = tpu.vector_load %arg11[%get3A_844, %get3A_845] {strides = array<i32>} : memref<128x84xf32, #tpu.memory_space<vmem>>, vector<16xf32>,
        %get3A_847 = arith.index_cast %scan3A_812 : i32 to index
        %get3A_848 = arith.constant 16 : index
        %get3A_849 = tpu.vector_load %arg11[%get3A_847, %get3A_848] {strides = array<i32>} : memref<128x84xf32, #tpu.memory_space<vmem>>, vector<16xf32>,
        %get3A_850 = arith.index_cast %scan3A_812 : i32 to index
        %get3A_851 = arith.constant 32 : index
        %get3A_852 = tpu.vector_load %arg11[%get3A_850, %get3A_851] {strides = array<i32>} : memref<128x84xf32, #tpu.memory_space<vmem>>, vector<16xf32>,
        %get3A_853 = arith.index_cast %scan3A_812 : i32 to index
        %get3A_854 = arith.constant 48 : index
        %get3A_855 = tpu.vector_load %arg11[%get3A_853, %get3A_854] {strides = array<i32>} : memref<128x84xf32, #tpu.memory_space<vmem>>, vector<16xf32>,
        %get3A_856 = arith.index_cast %scan3A_812 : i32 to index
        %get3A_857 = arith.constant 64 : index
        %get3A_858 = tpu.vector_load %arg11[%get3A_856, %get3A_857] {strides = array<i32>} : memref<128x84xf32, #tpu.memory_space<vmem>>, vector<16xf32>,
        %get3A_859 = arith.index_cast %scan3A_812 : i32 to index
        %get3A_860 = arith.constant 68 : index
        %get3A_861 = tpu.vector_load %arg11[%get3A_859, %get3A_860] {strides = array<i32>} : memref<128x84xf32, #tpu.memory_space<vmem>>, vector<16xf32>,
        %sub3A_862 = arith.subf %get3A_846, %get3A_828 : vector<16xf32>
        %sub3A_863 = arith.subf %get3A_849, %get3A_831 : vector<16xf32>
        %sub3A_864 = arith.subf %get3A_852, %get3A_834 : vector<16xf32>
        %sub3A_865 = arith.subf %get3A_855, %get3A_837 : vector<16xf32>
        %sub3A_866 = arith.subf %get3A_858, %get3A_840 : vector<16xf32>
        %sub3A_867 = arith.subf %get3A_861, %get3A_843 : vector<16xf32>
        %mul3A_868 = arith.mulf %sub3A_862, %sub3A_862 : vector<16xf32>
        %mul3A_869 = arith.mulf %sub3A_863, %sub3A_863 : vector<16xf32>
        %mul3A_870 = arith.mulf %sub3A_864, %sub3A_864 : vector<16xf32>
        %mul3A_871 = arith.mulf %sub3A_865, %sub3A_865 : vector<16xf32>
        %mul3A_872 = arith.mulf %sub3A_866, %sub3A_866 : vector<16xf32>
        %mul3A_873 = arith.mulf %sub3A_867, %sub3A_867 : vector<16xf32>
        %convert_element_type3A_874 = arith.fptosi %get3A_828 : vector<16xf32> to vector<16xi32>
        %convert_element_type3A_875 = arith.fptosi %get3A_831 : vector<16xf32> to vector<16xi32>
        %convert_element_type3A_876 = arith.fptosi %get3A_834 : vector<16xf32> to vector<16xi32>
        %convert_element_type3A_877 = arith.fptosi %get3A_837 : vector<16xf32> to vector<16xi32>
        %convert_element_type3A_878 = arith.fptosi %get3A_840 : vector<16xf32> to vector<16xi32>
        %convert_element_type3A_879 = arith.fptosi %get3A_843 : vector<16xf32> to vector<16xi32>
        %shift_left3A_880 = arith.constant 4 : i32
        %shift_left3A_881 = vector.broadcast %shift_left3A_880 : i32 to vector<16xi32>
        %shift_left3A_882 = arith.shli %convert_element_type3A_874, %shift_left3A_881 : vector<16xi32>
        %or3A_883 = arith.ori %shift_left3A_882, %iota3A : vector<16xi32>
        %shift_left3A_884 = arith.constant 4 : i32
        %shift_left3A_885 = vector.broadcast %shift_left3A_884 : i32 to vector<16xi32>
        %shift_left3A_886 = arith.shli %convert_element_type3A_875, %shift_left3A_885 : vector<16xi32>
        %or3A_887 = arith.ori %shift_left3A_886, %iota3A : vector<16xi32>
        %shift_left3A_888 = arith.constant 4 : i32
        %shift_left3A_889 = vector.broadcast %shift_left3A_888 : i32 to vector<16xi32>
        %shift_left3A_890 = arith.shli %convert_element_type3A_876, %shift_left3A_889 : vector<16xi32>
        %or3A_891 = arith.ori %shift_left3A_890, %iota3A : vector<16xi32>
        %shift_left3A_892 = arith.constant 4 : i32
        %shift_left3A_893 = vector.broadcast %shift_left3A_892 : i32 to vector<16xi32>
        %shift_left3A_894 = arith.shli %convert_element_type3A_877, %shift_left3A_893 : vector<16xi32>
        %or3A_895 = arith.ori %shift_left3A_894, %iota3A : vector<16xi32>
        %shift_left3A_896 = arith.constant 4 : i32
        %shift_left3A_897 = vector.broadcast %shift_left3A_896 : i32 to vector<16xi32>
        %shift_left3A_898 = arith.shli %convert_element_type3A_878, %shift_left3A_897 : vector<16xi32>
        %or3A_899 = arith.ori %shift_left3A_898, %iota3A : vector<16xi32>
        %shift_left3A_900 = arith.constant 4 : i32
        %shift_left3A_901 = vector.broadcast %shift_left3A_900 : i32 to vector<16xi32>
        %shift_left3A_902 = arith.shli %convert_element_type3A_879, %shift_left3A_901 : vector<16xi32>
        %or3A_903 = arith.ori %shift_left3A_902, %iota3A : vector<16xi32>
        %jit3A_904 = arith.constant 0.000000e+00 : f32
        %broadcast_in_dim3A_905 = vector.broadcast %jit3A_904 : f32 to vector<16xf32>
        %select_n3A_906 = arith.select %ge3A_392, %get3A_843, %broadcast_in_dim3A_905 : vector<16xi1>, vector<16xf32>
        %max3A_907 = arith.maximumf %get3A_828, %get3A_831 : vector<16xf32>
        %max3A_908 = arith.maximumf %get3A_834, %get3A_837 : vector<16xf32>
        %max3A_909 = arith.maximumf %get3A_840, %select_n3A_906 : vector<16xf32>
        %max3A_910 = arith.maximumf %max3A_907, %max3A_908 : vector<16xf32>
        %max3A_911 = arith.maximumf %max3A_910, %max3A_909 : vector<16xf32>
        tpu.vector_store_idx %arg13[%scan3A_819], %scan3A_813 {add = true} : memref<256xf32, #tpu.memory_space<vmem>>[vector<16xi32>], vector<16xf32>,
        tpu.vector_store_idx %arg19[%scan3A_819], %broadcast_in_dim3A_390 {add = true} : memref<256xf32, #tpu.memory_space<vmem>>[vector<16xi32>], vector<16xf32>,
        tpu.vector_store_idx %arg14[%scan3A_820], %scan3A_814 {add = true} : memref<256xf32, #tpu.memory_space<vmem>>[vector<16xi32>], vector<16xf32>,
        tpu.vector_store_idx %arg20[%scan3A_820], %broadcast_in_dim3A_390 {add = true} : memref<256xf32, #tpu.memory_space<vmem>>[vector<16xi32>], vector<16xf32>,
        tpu.vector_store_idx %arg15[%scan3A_821], %scan3A_815 {add = true} : memref<256xf32, #tpu.memory_space<vmem>>[vector<16xi32>], vector<16xf32>,
        tpu.vector_store_idx %arg21[%scan3A_821], %broadcast_in_dim3A_390 {add = true} : memref<256xf32, #tpu.memory_space<vmem>>[vector<16xi32>], vector<16xf32>,
        tpu.vector_store_idx %arg16[%scan3A_822], %scan3A_816 {add = true} : memref<256xf32, #tpu.memory_space<vmem>>[vector<16xi32>], vector<16xf32>,
        tpu.vector_store_idx %arg22[%scan3A_822], %broadcast_in_dim3A_390 {add = true} : memref<256xf32, #tpu.memory_space<vmem>>[vector<16xi32>], vector<16xf32>,
        tpu.vector_store_idx %arg17[%scan3A_823], %scan3A_817 {add = true} : memref<256xf32, #tpu.memory_space<vmem>>[vector<16xi32>], vector<16xf32>,
        tpu.vector_store_idx %arg23[%scan3A_823], %broadcast_in_dim3A_390 {add = true} : memref<256xf32, #tpu.memory_space<vmem>>[vector<16xi32>], vector<16xf32>,
        tpu.vector_store_idx %arg18[%scan3A_824], %scan3A_818 masked %ge3A_392 {add = true} : memref<256xf32, #tpu.memory_space<vmem>>[vector<16xi32>], vector<16xf32>, vector<16xi1>
        tpu.vector_store_idx %arg24[%scan3A_824], %broadcast_in_dim3A_390 masked %ge3A_392 {add = true} : memref<256xf32, #tpu.memory_space<vmem>>[vector<16xi32>], vector<16xf32>, vector<16xi1>
        %max3A_912 = arith.maximumf %scan3A_825, %max3A_911 : vector<16xf32>
        scf.yield %mul3A_868, %mul3A_869, %mul3A_870, %mul3A_871, %mul3A_872, %mul3A_873, %or3A_883, %or3A_887, %or3A_891, %or3A_895, %or3A_899, %or3A_903, %max3A_912 : vector<16xf32>, vector<16xf32>, vector<16xf32>, vector<16xf32>, vector<16xf32>, vector<16xf32>, vector<16xi32>, vector<16xi32>, vector<16xi32>, vector<16xi32>, vector<16xi32>, vector<16xi32>, vector<16xf32>
      }
      %scan3A_809 = arith.constant 127 : i32
      tpu.vector_store_idx %arg13[%scan3A_808#6], %scan3A_808#0 {add = true} : memref<256xf32, #tpu.memory_space<vmem>>[vector<16xi32>], vector<16xf32>,
      tpu.vector_store_idx %arg19[%scan3A_808#6], %broadcast_in_dim3A_390 {add = true} : memref<256xf32, #tpu.memory_space<vmem>>[vector<16xi32>], vector<16xf32>,
      tpu.vector_store_idx %arg14[%scan3A_808#7], %scan3A_808#1 {add = true} : memref<256xf32, #tpu.memory_space<vmem>>[vector<16xi32>], vector<16xf32>,
      tpu.vector_store_idx %arg20[%scan3A_808#7], %broadcast_in_dim3A_390 {add = true} : memref<256xf32, #tpu.memory_space<vmem>>[vector<16xi32>], vector<16xf32>,
      tpu.vector_store_idx %arg15[%scan3A_808#8], %scan3A_808#2 {add = true} : memref<256xf32, #tpu.memory_space<vmem>>[vector<16xi32>], vector<16xf32>,
      tpu.vector_store_idx %arg21[%scan3A_808#8], %broadcast_in_dim3A_390 {add = true} : memref<256xf32, #tpu.memory_space<vmem>>[vector<16xi32>], vector<16xf32>,
      tpu.vector_store_idx %arg16[%scan3A_808#9], %scan3A_808#3 {add = true} : memref<256xf32, #tpu.memory_space<vmem>>[vector<16xi32>], vector<16xf32>,
      tpu.vector_store_idx %arg22[%scan3A_808#9], %broadcast_in_dim3A_390 {add = true} : memref<256xf32, #tpu.memory_space<vmem>>[vector<16xi32>], vector<16xf32>,
      tpu.vector_store_idx %arg17[%scan3A_808#10], %scan3A_808#4 {add = true} : memref<256xf32, #tpu.memory_space<vmem>>[vector<16xi32>], vector<16xf32>,
      tpu.vector_store_idx %arg23[%scan3A_808#10], %broadcast_in_dim3A_390 {add = true} : memref<256xf32, #tpu.memory_space<vmem>>[vector<16xi32>], vector<16xf32>,
      tpu.vector_store_idx %arg18[%scan3A_808#11], %scan3A_808#5 masked %ge3A_392 {add = true} : memref<256xf32, #tpu.memory_space<vmem>>[vector<16xi32>], vector<16xf32>, vector<16xi1>
      tpu.vector_store_idx %arg24[%scan3A_808#11], %broadcast_in_dim3A_390 masked %ge3A_392 {add = true} : memref<256xf32, #tpu.memory_space<vmem>>[vector<16xi32>], vector<16xf32>, vector<16xi1>
      %swap3A_810 = arith.constant 0 : index
      %swap3A_811 = tpu.vector_load %arg25[%swap3A_810] {strides = array<i32>} : memref<16xf32, #tpu.memory_space<vmem>>, vector<16xf32>,
      tpu.vector_store %arg25[%swap3A_810], %scan3A_808#12 {strides = array<i32>} : memref<16xf32, #tpu.memory_space<vmem>>, vector<16xf32>,
    }
    %scan3A_416 = arith.constant 16 : i32
    %run_scoped3A = arith.constant 0 : i32
    "tpu.region"() ({
      %run_scoped3A_428 = tpu.sem_alloc : memref<!tpu.dma_semaphore, #tpu.memory_space<semaphore_mem>>
      %dma_start3A_429 = arith.constant 0 : i32
      %dma_start3A_430 = tpu.memref_slice %arg4[%add3A, %run_scoped3A, %dma_start3A_429] : memref<32x6x256xf32, #tpu.memory_space<hbm>> -> memref<1x1x256xf32, #tpu.memory_space<hbm>>
      %dma_start3A_431 = tpu.memref_squeeze %dma_start3A_430 : memref<1x1x256xf32, #tpu.memory_space<hbm>> -> memref<256xf32, #tpu.memory_space<hbm>>
      %dma_start3A_432 = arith.constant 0 : i32
      %dma_start3A_433 = tpu.memref_slice %arg4[%add3A, %run_scoped3A, %dma_start3A_432] : memref<32x6x256xf32, #tpu.memory_space<hbm>> -> memref<1x1x256xf32, #tpu.memory_space<hbm>>
      %dma_start3A_434 = tpu.memref_squeeze %dma_start3A_433 : memref<1x1x256xf32, #tpu.memory_space<hbm>> -> memref<256xf32, #tpu.memory_space<hbm>>
      tpu.enqueue_dma source(%arg13 : memref<256xf32, #tpu.memory_space<vmem>>) target(%dma_start3A_434 : memref<256xf32, #tpu.memory_space<hbm>>) target_semaphore(%run_scoped3A_428 : memref<!tpu.dma_semaphore, #tpu.memory_space<semaphore_mem>>)
      %dma_wait3A = arith.constant 0 : i32
      %dma_wait3A_435 = tpu.memref_slice %arg4[%add3A, %run_scoped3A, %dma_wait3A] : memref<32x6x256xf32, #tpu.memory_space<hbm>> -> memref<1x1x256xf32, #tpu.memory_space<hbm>>
      %dma_wait3A_436 = tpu.memref_squeeze %dma_wait3A_435 : memref<1x1x256xf32, #tpu.memory_space<hbm>> -> memref<256xf32, #tpu.memory_space<hbm>>
      %dma_wait3A_437 = arith.constant 0 : i32
      %dma_wait3A_438 = tpu.memref_slice %arg4[%add3A, %run_scoped3A, %dma_wait3A_437] : memref<32x6x256xf32, #tpu.memory_space<hbm>> -> memref<1x1x256xf32, #tpu.memory_space<hbm>>
      %dma_wait3A_439 = tpu.memref_squeeze %dma_wait3A_438 : memref<1x1x256xf32, #tpu.memory_space<hbm>> -> memref<256xf32, #tpu.memory_space<hbm>>
      tpu.wait_dma2 semaphore(%run_scoped3A_428 : memref<!tpu.dma_semaphore, #tpu.memory_space<semaphore_mem>>) src(%arg13 : memref<256xf32, #tpu.memory_space<vmem>>) dst(%dma_wait3A_439 : memref<256xf32, #tpu.memory_space<hbm>>)
      tpu.yield
    }) : () -> ()
    %run_scoped3A_417 = arith.constant 0 : i32
    "tpu.region"() ({
      %run_scoped3A_428 = tpu.sem_alloc : memref<!tpu.dma_semaphore, #tpu.memory_space<semaphore_mem>>
      %dma_start3A_429 = arith.constant 0 : i32
      %dma_start3A_430 = tpu.memref_slice %arg5[%add3A, %run_scoped3A_417, %dma_start3A_429] : memref<32x6x256xf32, #tpu.memory_space<hbm>> -> memref<1x1x256xf32, #tpu.memory_space<hbm>>
      %dma_start3A_431 = tpu.memref_squeeze %dma_start3A_430 : memref<1x1x256xf32, #tpu.memory_space<hbm>> -> memref<256xf32, #tpu.memory_space<hbm>>
      %dma_start3A_432 = arith.constant 0 : i32
      %dma_start3A_433 = tpu.memref_slice %arg5[%add3A, %run_scoped3A_417, %dma_start3A_432] : memref<32x6x256xf32, #tpu.memory_space<hbm>> -> memref<1x1x256xf32, #tpu.memory_space<hbm>>
      %dma_start3A_434 = tpu.memref_squeeze %dma_start3A_433 : memref<1x1x256xf32, #tpu.memory_space<hbm>> -> memref<256xf32, #tpu.memory_space<hbm>>
      tpu.enqueue_dma source(%arg19 : memref<256xf32, #tpu.memory_space<vmem>>) target(%dma_start3A_434 : memref<256xf32, #tpu.memory_space<hbm>>) target_semaphore(%run_scoped3A_428 : memref<!tpu.dma_semaphore, #tpu.memory_space<semaphore_mem>>)
      %dma_wait3A = arith.constant 0 : i32
      %dma_wait3A_435 = tpu.memref_slice %arg5[%add3A, %run_scoped3A_417, %dma_wait3A] : memref<32x6x256xf32, #tpu.memory_space<hbm>> -> memref<1x1x256xf32, #tpu.memory_space<hbm>>
      %dma_wait3A_436 = tpu.memref_squeeze %dma_wait3A_435 : memref<1x1x256xf32, #tpu.memory_space<hbm>> -> memref<256xf32, #tpu.memory_space<hbm>>
      %dma_wait3A_437 = arith.constant 0 : i32
      %dma_wait3A_438 = tpu.memref_slice %arg5[%add3A, %run_scoped3A_417, %dma_wait3A_437] : memref<32x6x256xf32, #tpu.memory_space<hbm>> -> memref<1x1x256xf32, #tpu.memory_space<hbm>>
      %dma_wait3A_439 = tpu.memref_squeeze %dma_wait3A_438 : memref<1x1x256xf32, #tpu.memory_space<hbm>> -> memref<256xf32, #tpu.memory_space<hbm>>
      tpu.wait_dma2 semaphore(%run_scoped3A_428 : memref<!tpu.dma_semaphore, #tpu.memory_space<semaphore_mem>>) src(%arg19 : memref<256xf32, #tpu.memory_space<vmem>>) dst(%dma_wait3A_439 : memref<256xf32, #tpu.memory_space<hbm>>)
      tpu.yield
    }) : () -> ()
    %run_scoped3A_418 = arith.constant 1 : i32
    "tpu.region"() ({
      %run_scoped3A_428 = tpu.sem_alloc : memref<!tpu.dma_semaphore, #tpu.memory_space<semaphore_mem>>
      %dma_start3A_429 = arith.constant 0 : i32
      %dma_start3A_430 = tpu.memref_slice %arg4[%add3A, %run_scoped3A_418, %dma_start3A_429] : memref<32x6x256xf32, #tpu.memory_space<hbm>> -> memref<1x1x256xf32, #tpu.memory_space<hbm>>
      %dma_start3A_431 = tpu.memref_squeeze %dma_start3A_430 : memref<1x1x256xf32, #tpu.memory_space<hbm>> -> memref<256xf32, #tpu.memory_space<hbm>>
      %dma_start3A_432 = arith.constant 0 : i32
      %dma_start3A_433 = tpu.memref_slice %arg4[%add3A, %run_scoped3A_418, %dma_start3A_432] : memref<32x6x256xf32, #tpu.memory_space<hbm>> -> memref<1x1x256xf32, #tpu.memory_space<hbm>>
      %dma_start3A_434 = tpu.memref_squeeze %dma_start3A_433 : memref<1x1x256xf32, #tpu.memory_space<hbm>> -> memref<256xf32, #tpu.memory_space<hbm>>
      tpu.enqueue_dma source(%arg14 : memref<256xf32, #tpu.memory_space<vmem>>) target(%dma_start3A_434 : memref<256xf32, #tpu.memory_space<hbm>>) target_semaphore(%run_scoped3A_428 : memref<!tpu.dma_semaphore, #tpu.memory_space<semaphore_mem>>)
      %dma_wait3A = arith.constant 0 : i32
      %dma_wait3A_435 = tpu.memref_slice %arg4[%add3A, %run_scoped3A_418, %dma_wait3A] : memref<32x6x256xf32, #tpu.memory_space<hbm>> -> memref<1x1x256xf32, #tpu.memory_space<hbm>>
      %dma_wait3A_436 = tpu.memref_squeeze %dma_wait3A_435 : memref<1x1x256xf32, #tpu.memory_space<hbm>> -> memref<256xf32, #tpu.memory_space<hbm>>
      %dma_wait3A_437 = arith.constant 0 : i32
      %dma_wait3A_438 = tpu.memref_slice %arg4[%add3A, %run_scoped3A_418, %dma_wait3A_437] : memref<32x6x256xf32, #tpu.memory_space<hbm>> -> memref<1x1x256xf32, #tpu.memory_space<hbm>>
      %dma_wait3A_439 = tpu.memref_squeeze %dma_wait3A_438 : memref<1x1x256xf32, #tpu.memory_space<hbm>> -> memref<256xf32, #tpu.memory_space<hbm>>
      tpu.wait_dma2 semaphore(%run_scoped3A_428 : memref<!tpu.dma_semaphore, #tpu.memory_space<semaphore_mem>>) src(%arg14 : memref<256xf32, #tpu.memory_space<vmem>>) dst(%dma_wait3A_439 : memref<256xf32, #tpu.memory_space<hbm>>)
      tpu.yield
    }) : () -> ()
    %run_scoped3A_419 = arith.constant 1 : i32
    "tpu.region"() ({
      %run_scoped3A_428 = tpu.sem_alloc : memref<!tpu.dma_semaphore, #tpu.memory_space<semaphore_mem>>
      %dma_start3A_429 = arith.constant 0 : i32
      %dma_start3A_430 = tpu.memref_slice %arg5[%add3A, %run_scoped3A_419, %dma_start3A_429] : memref<32x6x256xf32, #tpu.memory_space<hbm>> -> memref<1x1x256xf32, #tpu.memory_space<hbm>>
      %dma_start3A_431 = tpu.memref_squeeze %dma_start3A_430 : memref<1x1x256xf32, #tpu.memory_space<hbm>> -> memref<256xf32, #tpu.memory_space<hbm>>
      %dma_start3A_432 = arith.constant 0 : i32
      %dma_start3A_433 = tpu.memref_slice %arg5[%add3A, %run_scoped3A_419, %dma_start3A_432] : memref<32x6x256xf32, #tpu.memory_space<hbm>> -> memref<1x1x256xf32, #tpu.memory_space<hbm>>
      %dma_start3A_434 = tpu.memref_squeeze %dma_start3A_433 : memref<1x1x256xf32, #tpu.memory_space<hbm>> -> memref<256xf32, #tpu.memory_space<hbm>>
      tpu.enqueue_dma source(%arg20 : memref<256xf32, #tpu.memory_space<vmem>>) target(%dma_start3A_434 : memref<256xf32, #tpu.memory_space<hbm>>) target_semaphore(%run_scoped3A_428 : memref<!tpu.dma_semaphore, #tpu.memory_space<semaphore_mem>>)
      %dma_wait3A = arith.constant 0 : i32
      %dma_wait3A_435 = tpu.memref_slice %arg5[%add3A, %run_scoped3A_419, %dma_wait3A] : memref<32x6x256xf32, #tpu.memory_space<hbm>> -> memref<1x1x256xf32, #tpu.memory_space<hbm>>
      %dma_wait3A_436 = tpu.memref_squeeze %dma_wait3A_435 : memref<1x1x256xf32, #tpu.memory_space<hbm>> -> memref<256xf32, #tpu.memory_space<hbm>>
      %dma_wait3A_437 = arith.constant 0 : i32
      %dma_wait3A_438 = tpu.memref_slice %arg5[%add3A, %run_scoped3A_419, %dma_wait3A_437] : memref<32x6x256xf32, #tpu.memory_space<hbm>> -> memref<1x1x256xf32, #tpu.memory_space<hbm>>
      %dma_wait3A_439 = tpu.memref_squeeze %dma_wait3A_438 : memref<1x1x256xf32, #tpu.memory_space<hbm>> -> memref<256xf32, #tpu.memory_space<hbm>>
      tpu.wait_dma2 semaphore(%run_scoped3A_428 : memref<!tpu.dma_semaphore, #tpu.memory_space<semaphore_mem>>) src(%arg20 : memref<256xf32, #tpu.memory_space<vmem>>) dst(%dma_wait3A_439 : memref<256xf32, #tpu.memory_space<hbm>>)
      tpu.yield
    }) : () -> ()
    %run_scoped3A_420 = arith.constant 2 : i32
    "tpu.region"() ({
      %run_scoped3A_428 = tpu.sem_alloc : memref<!tpu.dma_semaphore, #tpu.memory_space<semaphore_mem>>
      %dma_start3A_429 = arith.constant 0 : i32
      %dma_start3A_430 = tpu.memref_slice %arg4[%add3A, %run_scoped3A_420, %dma_start3A_429] : memref<32x6x256xf32, #tpu.memory_space<hbm>> -> memref<1x1x256xf32, #tpu.memory_space<hbm>>
      %dma_start3A_431 = tpu.memref_squeeze %dma_start3A_430 : memref<1x1x256xf32, #tpu.memory_space<hbm>> -> memref<256xf32, #tpu.memory_space<hbm>>
      %dma_start3A_432 = arith.constant 0 : i32
      %dma_start3A_433 = tpu.memref_slice %arg4[%add3A, %run_scoped3A_420, %dma_start3A_432] : memref<32x6x256xf32, #tpu.memory_space<hbm>> -> memref<1x1x256xf32, #tpu.memory_space<hbm>>
      %dma_start3A_434 = tpu.memref_squeeze %dma_start3A_433 : memref<1x1x256xf32, #tpu.memory_space<hbm>> -> memref<256xf32, #tpu.memory_space<hbm>>
      tpu.enqueue_dma source(%arg15 : memref<256xf32, #tpu.memory_space<vmem>>) target(%dma_start3A_434 : memref<256xf32, #tpu.memory_space<hbm>>) target_semaphore(%run_scoped3A_428 : memref<!tpu.dma_semaphore, #tpu.memory_space<semaphore_mem>>)
      %dma_wait3A = arith.constant 0 : i32
      %dma_wait3A_435 = tpu.memref_slice %arg4[%add3A, %run_scoped3A_420, %dma_wait3A] : memref<32x6x256xf32, #tpu.memory_space<hbm>> -> memref<1x1x256xf32, #tpu.memory_space<hbm>>
      %dma_wait3A_436 = tpu.memref_squeeze %dma_wait3A_435 : memref<1x1x256xf32, #tpu.memory_space<hbm>> -> memref<256xf32, #tpu.memory_space<hbm>>
      %dma_wait3A_437 = arith.constant 0 : i32
      %dma_wait3A_438 = tpu.memref_slice %arg4[%add3A, %run_scoped3A_420, %dma_wait3A_437] : memref<32x6x256xf32, #tpu.memory_space<hbm>> -> memref<1x1x256xf32, #tpu.memory_space<hbm>>
      %dma_wait3A_439 = tpu.memref_squeeze %dma_wait3A_438 : memref<1x1x256xf32, #tpu.memory_space<hbm>> -> memref<256xf32, #tpu.memory_space<hbm>>
      tpu.wait_dma2 semaphore(%run_scoped3A_428 : memref<!tpu.dma_semaphore, #tpu.memory_space<semaphore_mem>>) src(%arg15 : memref<256xf32, #tpu.memory_space<vmem>>) dst(%dma_wait3A_439 : memref<256xf32, #tpu.memory_space<hbm>>)
      tpu.yield
    }) : () -> ()
    %run_scoped3A_421 = arith.constant 2 : i32
    "tpu.region"() ({
      %run_scoped3A_428 = tpu.sem_alloc : memref<!tpu.dma_semaphore, #tpu.memory_space<semaphore_mem>>
      %dma_start3A_429 = arith.constant 0 : i32
      %dma_start3A_430 = tpu.memref_slice %arg5[%add3A, %run_scoped3A_421, %dma_start3A_429] : memref<32x6x256xf32, #tpu.memory_space<hbm>> -> memref<1x1x256xf32, #tpu.memory_space<hbm>>
      %dma_start3A_431 = tpu.memref_squeeze %dma_start3A_430 : memref<1x1x256xf32, #tpu.memory_space<hbm>> -> memref<256xf32, #tpu.memory_space<hbm>>
      %dma_start3A_432 = arith.constant 0 : i32
      %dma_start3A_433 = tpu.memref_slice %arg5[%add3A, %run_scoped3A_421, %dma_start3A_432] : memref<32x6x256xf32, #tpu.memory_space<hbm>> -> memref<1x1x256xf32, #tpu.memory_space<hbm>>
      %dma_start3A_434 = tpu.memref_squeeze %dma_start3A_433 : memref<1x1x256xf32, #tpu.memory_space<hbm>> -> memref<256xf32, #tpu.memory_space<hbm>>
      tpu.enqueue_dma source(%arg21 : memref<256xf32, #tpu.memory_space<vmem>>) target(%dma_start3A_434 : memref<256xf32, #tpu.memory_space<hbm>>) target_semaphore(%run_scoped3A_428 : memref<!tpu.dma_semaphore, #tpu.memory_space<semaphore_mem>>)
      %dma_wait3A = arith.constant 0 : i32
      %dma_wait3A_435 = tpu.memref_slice %arg5[%add3A, %run_scoped3A_421, %dma_wait3A] : memref<32x6x256xf32, #tpu.memory_space<hbm>> -> memref<1x1x256xf32, #tpu.memory_space<hbm>>
      %dma_wait3A_436 = tpu.memref_squeeze %dma_wait3A_435 : memref<1x1x256xf32, #tpu.memory_space<hbm>> -> memref<256xf32, #tpu.memory_space<hbm>>
      %dma_wait3A_437 = arith.constant 0 : i32
      %dma_wait3A_438 = tpu.memref_slice %arg5[%add3A, %run_scoped3A_421, %dma_wait3A_437] : memref<32x6x256xf32, #tpu.memory_space<hbm>> -> memref<1x1x256xf32, #tpu.memory_space<hbm>>
      %dma_wait3A_439 = tpu.memref_squeeze %dma_wait3A_438 : memref<1x1x256xf32, #tpu.memory_space<hbm>> -> memref<256xf32, #tpu.memory_space<hbm>>
      tpu.wait_dma2 semaphore(%run_scoped3A_428 : memref<!tpu.dma_semaphore, #tpu.memory_space<semaphore_mem>>) src(%arg21 : memref<256xf32, #tpu.memory_space<vmem>>) dst(%dma_wait3A_439 : memref<256xf32, #tpu.memory_space<hbm>>)
      tpu.yield
    }) : () -> ()
    %run_scoped3A_422 = arith.constant 3 : i32
    "tpu.region"() ({
      %run_scoped3A_428 = tpu.sem_alloc : memref<!tpu.dma_semaphore, #tpu.memory_space<semaphore_mem>>
      %dma_start3A_429 = arith.constant 0 : i32
      %dma_start3A_430 = tpu.memref_slice %arg4[%add3A, %run_scoped3A_422, %dma_start3A_429] : memref<32x6x256xf32, #tpu.memory_space<hbm>> -> memref<1x1x256xf32, #tpu.memory_space<hbm>>
      %dma_start3A_431 = tpu.memref_squeeze %dma_start3A_430 : memref<1x1x256xf32, #tpu.memory_space<hbm>> -> memref<256xf32, #tpu.memory_space<hbm>>
      %dma_start3A_432 = arith.constant 0 : i32
      %dma_start3A_433 = tpu.memref_slice %arg4[%add3A, %run_scoped3A_422, %dma_start3A_432] : memref<32x6x256xf32, #tpu.memory_space<hbm>> -> memref<1x1x256xf32, #tpu.memory_space<hbm>>
      %dma_start3A_434 = tpu.memref_squeeze %dma_start3A_433 : memref<1x1x256xf32, #tpu.memory_space<hbm>> -> memref<256xf32, #tpu.memory_space<hbm>>
      tpu.enqueue_dma source(%arg16 : memref<256xf32, #tpu.memory_space<vmem>>) target(%dma_start3A_434 : memref<256xf32, #tpu.memory_space<hbm>>) target_semaphore(%run_scoped3A_428 : memref<!tpu.dma_semaphore, #tpu.memory_space<semaphore_mem>>)
      %dma_wait3A = arith.constant 0 : i32
      %dma_wait3A_435 = tpu.memref_slice %arg4[%add3A, %run_scoped3A_422, %dma_wait3A] : memref<32x6x256xf32, #tpu.memory_space<hbm>> -> memref<1x1x256xf32, #tpu.memory_space<hbm>>
      %dma_wait3A_436 = tpu.memref_squeeze %dma_wait3A_435 : memref<1x1x256xf32, #tpu.memory_space<hbm>> -> memref<256xf32, #tpu.memory_space<hbm>>
      %dma_wait3A_437 = arith.constant 0 : i32
      %dma_wait3A_438 = tpu.memref_slice %arg4[%add3A, %run_scoped3A_422, %dma_wait3A_437] : memref<32x6x256xf32, #tpu.memory_space<hbm>> -> memref<1x1x256xf32, #tpu.memory_space<hbm>>
      %dma_wait3A_439 = tpu.memref_squeeze %dma_wait3A_438 : memref<1x1x256xf32, #tpu.memory_space<hbm>> -> memref<256xf32, #tpu.memory_space<hbm>>
      tpu.wait_dma2 semaphore(%run_scoped3A_428 : memref<!tpu.dma_semaphore, #tpu.memory_space<semaphore_mem>>) src(%arg16 : memref<256xf32, #tpu.memory_space<vmem>>) dst(%dma_wait3A_439 : memref<256xf32, #tpu.memory_space<hbm>>)
      tpu.yield
    }) : () -> ()
    %run_scoped3A_423 = arith.constant 3 : i32
    "tpu.region"() ({
      %run_scoped3A_428 = tpu.sem_alloc : memref<!tpu.dma_semaphore, #tpu.memory_space<semaphore_mem>>
      %dma_start3A_429 = arith.constant 0 : i32
      %dma_start3A_430 = tpu.memref_slice %arg5[%add3A, %run_scoped3A_423, %dma_start3A_429] : memref<32x6x256xf32, #tpu.memory_space<hbm>> -> memref<1x1x256xf32, #tpu.memory_space<hbm>>
      %dma_start3A_431 = tpu.memref_squeeze %dma_start3A_430 : memref<1x1x256xf32, #tpu.memory_space<hbm>> -> memref<256xf32, #tpu.memory_space<hbm>>
      %dma_start3A_432 = arith.constant 0 : i32
      %dma_start3A_433 = tpu.memref_slice %arg5[%add3A, %run_scoped3A_423, %dma_start3A_432] : memref<32x6x256xf32, #tpu.memory_space<hbm>> -> memref<1x1x256xf32, #tpu.memory_space<hbm>>
      %dma_start3A_434 = tpu.memref_squeeze %dma_start3A_433 : memref<1x1x256xf32, #tpu.memory_space<hbm>> -> memref<256xf32, #tpu.memory_space<hbm>>
      tpu.enqueue_dma source(%arg22 : memref<256xf32, #tpu.memory_space<vmem>>) target(%dma_start3A_434 : memref<256xf32, #tpu.memory_space<hbm>>) target_semaphore(%run_scoped3A_428 : memref<!tpu.dma_semaphore, #tpu.memory_space<semaphore_mem>>)
      %dma_wait3A = arith.constant 0 : i32
      %dma_wait3A_435 = tpu.memref_slice %arg5[%add3A, %run_scoped3A_423, %dma_wait3A] : memref<32x6x256xf32, #tpu.memory_space<hbm>> -> memref<1x1x256xf32, #tpu.memory_space<hbm>>
      %dma_wait3A_436 = tpu.memref_squeeze %dma_wait3A_435 : memref<1x1x256xf32, #tpu.memory_space<hbm>> -> memref<256xf32, #tpu.memory_space<hbm>>
      %dma_wait3A_437 = arith.constant 0 : i32
      %dma_wait3A_438 = tpu.memref_slice %arg5[%add3A, %run_scoped3A_423, %dma_wait3A_437] : memref<32x6x256xf32, #tpu.memory_space<hbm>> -> memref<1x1x256xf32, #tpu.memory_space<hbm>>
      %dma_wait3A_439 = tpu.memref_squeeze %dma_wait3A_438 : memref<1x1x256xf32, #tpu.memory_space<hbm>> -> memref<256xf32, #tpu.memory_space<hbm>>
      tpu.wait_dma2 semaphore(%run_scoped3A_428 : memref<!tpu.dma_semaphore, #tpu.memory_space<semaphore_mem>>) src(%arg22 : memref<256xf32, #tpu.memory_space<vmem>>) dst(%dma_wait3A_439 : memref<256xf32, #tpu.memory_space<hbm>>)
      tpu.yield
    }) : () -> ()
    %run_scoped3A_424 = arith.constant 4 : i32
    "tpu.region"() ({
      %run_scoped3A_428 = tpu.sem_alloc : memref<!tpu.dma_semaphore, #tpu.memory_space<semaphore_mem>>
      %dma_start3A_429 = arith.constant 0 : i32
      %dma_start3A_430 = tpu.memref_slice %arg4[%add3A, %run_scoped3A_424, %dma_start3A_429] : memref<32x6x256xf32, #tpu.memory_space<hbm>> -> memref<1x1x256xf32, #tpu.memory_space<hbm>>
      %dma_start3A_431 = tpu.memref_squeeze %dma_start3A_430 : memref<1x1x256xf32, #tpu.memory_space<hbm>> -> memref<256xf32, #tpu.memory_space<hbm>>
      %dma_start3A_432 = arith.constant 0 : i32
      %dma_start3A_433 = tpu.memref_slice %arg4[%add3A, %run_scoped3A_424, %dma_start3A_432] : memref<32x6x256xf32, #tpu.memory_space<hbm>> -> memref<1x1x256xf32, #tpu.memory_space<hbm>>
      %dma_start3A_434 = tpu.memref_squeeze %dma_start3A_433 : memref<1x1x256xf32, #tpu.memory_space<hbm>> -> memref<256xf32, #tpu.memory_space<hbm>>
      tpu.enqueue_dma source(%arg17 : memref<256xf32, #tpu.memory_space<vmem>>) target(%dma_start3A_434 : memref<256xf32, #tpu.memory_space<hbm>>) target_semaphore(%run_scoped3A_428 : memref<!tpu.dma_semaphore, #tpu.memory_space<semaphore_mem>>)
      %dma_wait3A = arith.constant 0 : i32
      %dma_wait3A_435 = tpu.memref_slice %arg4[%add3A, %run_scoped3A_424, %dma_wait3A] : memref<32x6x256xf32, #tpu.memory_space<hbm>> -> memref<1x1x256xf32, #tpu.memory_space<hbm>>
      %dma_wait3A_436 = tpu.memref_squeeze %dma_wait3A_435 : memref<1x1x256xf32, #tpu.memory_space<hbm>> -> memref<256xf32, #tpu.memory_space<hbm>>
      %dma_wait3A_437 = arith.constant 0 : i32
      %dma_wait3A_438 = tpu.memref_slice %arg4[%add3A, %run_scoped3A_424, %dma_wait3A_437] : memref<32x6x256xf32, #tpu.memory_space<hbm>> -> memref<1x1x256xf32, #tpu.memory_space<hbm>>
      %dma_wait3A_439 = tpu.memref_squeeze %dma_wait3A_438 : memref<1x1x256xf32, #tpu.memory_space<hbm>> -> memref<256xf32, #tpu.memory_space<hbm>>
      tpu.wait_dma2 semaphore(%run_scoped3A_428 : memref<!tpu.dma_semaphore, #tpu.memory_space<semaphore_mem>>) src(%arg17 : memref<256xf32, #tpu.memory_space<vmem>>) dst(%dma_wait3A_439 : memref<256xf32, #tpu.memory_space<hbm>>)
      tpu.yield
    }) : () -> ()
    %run_scoped3A_425 = arith.constant 4 : i32
    "tpu.region"() ({
      %run_scoped3A_428 = tpu.sem_alloc : memref<!tpu.dma_semaphore, #tpu.memory_space<semaphore_mem>>
      %dma_start3A_429 = arith.constant 0 : i32
      %dma_start3A_430 = tpu.memref_slice %arg5[%add3A, %run_scoped3A_425, %dma_start3A_429] : memref<32x6x256xf32, #tpu.memory_space<hbm>> -> memref<1x1x256xf32, #tpu.memory_space<hbm>>
      %dma_start3A_431 = tpu.memref_squeeze %dma_start3A_430 : memref<1x1x256xf32, #tpu.memory_space<hbm>> -> memref<256xf32, #tpu.memory_space<hbm>>
      %dma_start3A_432 = arith.constant 0 : i32
      %dma_start3A_433 = tpu.memref_slice %arg5[%add3A, %run_scoped3A_425, %dma_start3A_432] : memref<32x6x256xf32, #tpu.memory_space<hbm>> -> memref<1x1x256xf32, #tpu.memory_space<hbm>>
      %dma_start3A_434 = tpu.memref_squeeze %dma_start3A_433 : memref<1x1x256xf32, #tpu.memory_space<hbm>> -> memref<256xf32, #tpu.memory_space<hbm>>
      tpu.enqueue_dma source(%arg23 : memref<256xf32, #tpu.memory_space<vmem>>) target(%dma_start3A_434 : memref<256xf32, #tpu.memory_space<hbm>>) target_semaphore(%run_scoped3A_428 : memref<!tpu.dma_semaphore, #tpu.memory_space<semaphore_mem>>)
      %dma_wait3A = arith.constant 0 : i32
      %dma_wait3A_435 = tpu.memref_slice %arg5[%add3A, %run_scoped3A_425, %dma_wait3A] : memref<32x6x256xf32, #tpu.memory_space<hbm>> -> memref<1x1x256xf32, #tpu.memory_space<hbm>>
      %dma_wait3A_436 = tpu.memref_squeeze %dma_wait3A_435 : memref<1x1x256xf32, #tpu.memory_space<hbm>> -> memref<256xf32, #tpu.memory_space<hbm>>
      %dma_wait3A_437 = arith.constant 0 : i32
      %dma_wait3A_438 = tpu.memref_slice %arg5[%add3A, %run_scoped3A_425, %dma_wait3A_437] : memref<32x6x256xf32, #tpu.memory_space<hbm>> -> memref<1x1x256xf32, #tpu.memory_space<hbm>>
      %dma_wait3A_439 = tpu.memref_squeeze %dma_wait3A_438 : memref<1x1x256xf32, #tpu.memory_space<hbm>> -> memref<256xf32, #tpu.memory_space<hbm>>
      tpu.wait_dma2 semaphore(%run_scoped3A_428 : memref<!tpu.dma_semaphore, #tpu.memory_space<semaphore_mem>>) src(%arg23 : memref<256xf32, #tpu.memory_space<vmem>>) dst(%dma_wait3A_439 : memref<256xf32, #tpu.memory_space<hbm>>)
      tpu.yield
    }) : () -> ()
    %run_scoped3A_426 = arith.constant 5 : i32
    "tpu.region"() ({
      %run_scoped3A_428 = tpu.sem_alloc : memref<!tpu.dma_semaphore, #tpu.memory_space<semaphore_mem>>
      %dma_start3A_429 = arith.constant 0 : i32
      %dma_start3A_430 = tpu.memref_slice %arg4[%add3A, %run_scoped3A_426, %dma_start3A_429] : memref<32x6x256xf32, #tpu.memory_space<hbm>> -> memref<1x1x256xf32, #tpu.memory_space<hbm>>
      %dma_start3A_431 = tpu.memref_squeeze %dma_start3A_430 : memref<1x1x256xf32, #tpu.memory_space<hbm>> -> memref<256xf32, #tpu.memory_space<hbm>>
      %dma_start3A_432 = arith.constant 0 : i32
      %dma_start3A_433 = tpu.memref_slice %arg4[%add3A, %run_scoped3A_426, %dma_start3A_432] : memref<32x6x256xf32, #tpu.memory_space<hbm>> -> memref<1x1x256xf32, #tpu.memory_space<hbm>>
      %dma_start3A_434 = tpu.memref_squeeze %dma_start3A_433 : memref<1x1x256xf32, #tpu.memory_space<hbm>> -> memref<256xf32, #tpu.memory_space<hbm>>
      tpu.enqueue_dma source(%arg18 : memref<256xf32, #tpu.memory_space<vmem>>) target(%dma_start3A_434 : memref<256xf32, #tpu.memory_space<hbm>>) target_semaphore(%run_scoped3A_428 : memref<!tpu.dma_semaphore, #tpu.memory_space<semaphore_mem>>)
      %dma_wait3A = arith.constant 0 : i32
      %dma_wait3A_435 = tpu.memref_slice %arg4[%add3A, %run_scoped3A_426, %dma_wait3A] : memref<32x6x256xf32, #tpu.memory_space<hbm>> -> memref<1x1x256xf32, #tpu.memory_space<hbm>>
      %dma_wait3A_436 = tpu.memref_squeeze %dma_wait3A_435 : memref<1x1x256xf32, #tpu.memory_space<hbm>> -> memref<256xf32, #tpu.memory_space<hbm>>
      %dma_wait3A_437 = arith.constant 0 : i32
      %dma_wait3A_438 = tpu.memref_slice %arg4[%add3A, %run_scoped3A_426, %dma_wait3A_437] : memref<32x6x256xf32, #tpu.memory_space<hbm>> -> memref<1x1x256xf32, #tpu.memory_space<hbm>>
      %dma_wait3A_439 = tpu.memref_squeeze %dma_wait3A_438 : memref<1x1x256xf32, #tpu.memory_space<hbm>> -> memref<256xf32, #tpu.memory_space<hbm>>
      tpu.wait_dma2 semaphore(%run_scoped3A_428 : memref<!tpu.dma_semaphore, #tpu.memory_space<semaphore_mem>>) src(%arg18 : memref<256xf32, #tpu.memory_space<vmem>>) dst(%dma_wait3A_439 : memref<256xf32, #tpu.memory_space<hbm>>)
      tpu.yield
    }) : () -> ()
    %run_scoped3A_427 = arith.constant 5 : i32
    "tpu.region"() ({
      %run_scoped3A_428 = tpu.sem_alloc : memref<!tpu.dma_semaphore, #tpu.memory_space<semaphore_mem>>
      %dma_start3A_429 = arith.constant 0 : i32
      %dma_start3A_430 = tpu.memref_slice %arg5[%add3A, %run_scoped3A_427, %dma_start3A_429] : memref<32x6x256xf32, #tpu.memory_space<hbm>> -> memref<1x1x256xf32, #tpu.memory_space<hbm>>
      %dma_start3A_431 = tpu.memref_squeeze %dma_start3A_430 : memref<1x1x256xf32, #tpu.memory_space<hbm>> -> memref<256xf32, #tpu.memory_space<hbm>>
      %dma_start3A_432 = arith.constant 0 : i32
      %dma_start3A_433 = tpu.memref_slice %arg5[%add3A, %run_scoped3A_427, %dma_start3A_432] : memref<32x6x256xf32, #tpu.memory_space<hbm>> -> memref<1x1x256xf32, #tpu.memory_space<hbm>>
      %dma_start3A_434 = tpu.memref_squeeze %dma_start3A_433 : memref<1x1x256xf32, #tpu.memory_space<hbm>> -> memref<256xf32, #tpu.memory_space<hbm>>
      tpu.enqueue_dma source(%arg24 : memref<256xf32, #tpu.memory_space<vmem>>) target(%dma_start3A_434 : memref<256xf32, #tpu.memory_space<hbm>>) target_semaphore(%run_scoped3A_428 : memref<!tpu.dma_semaphore, #tpu.memory_space<semaphore_mem>>)
      %dma_wait3A = arith.constant 0 : i32
      %dma_wait3A_435 = tpu.memref_slice %arg5[%add3A, %run_scoped3A_427, %dma_wait3A] : memref<32x6x256xf32, #tpu.memory_space<hbm>> -> memref<1x1x256xf32, #tpu.memory_space<hbm>>
      %dma_wait3A_436 = tpu.memref_squeeze %dma_wait3A_435 : memref<1x1x256xf32, #tpu.memory_space<hbm>> -> memref<256xf32, #tpu.memory_space<hbm>>
      %dma_wait3A_437 = arith.constant 0 : i32
      %dma_wait3A_438 = tpu.memref_slice %arg5[%add3A, %run_scoped3A_427, %dma_wait3A_437] : memref<32x6x256xf32, #tpu.memory_space<hbm>> -> memref<1x1x256xf32, #tpu.memory_space<hbm>>
      %dma_wait3A_439 = tpu.memref_squeeze %dma_wait3A_438 : memref<1x1x256xf32, #tpu.memory_space<hbm>> -> memref<256xf32, #tpu.memory_space<hbm>>
      tpu.wait_dma2 semaphore(%run_scoped3A_428 : memref<!tpu.dma_semaphore, #tpu.memory_space<semaphore_mem>>) src(%arg24 : memref<256xf32, #tpu.memory_space<vmem>>) dst(%dma_wait3A_439 : memref<256xf32, #tpu.memory_space<hbm>>)
      tpu.yield
    }) : () -> ()
    "tpu.region"() ({
      %run_scoped3A_428 = tpu.sem_alloc : memref<!tpu.dma_semaphore, #tpu.memory_space<semaphore_mem>>
      %dma_start3A_429 = arith.constant 0 : i32
      %dma_start3A_430 = tpu.memref_slice %arg6[%add3A, %dma_start3A_429] : memref<32x16xf32, #tpu.memory_space<hbm>> -> memref<1x16xf32, #tpu.memory_space<hbm>>
      %dma_start3A_431 = tpu.memref_squeeze %dma_start3A_430 : memref<1x16xf32, #tpu.memory_space<hbm>> -> memref<16xf32, #tpu.memory_space<hbm>>
      %dma_start3A_432 = arith.constant 0 : i32
      %dma_start3A_433 = tpu.memref_slice %arg6[%add3A, %dma_start3A_432] : memref<32x16xf32, #tpu.memory_space<hbm>> -> memref<1x16xf32, #tpu.memory_space<hbm>>
      %dma_start3A_434 = tpu.memref_squeeze %dma_start3A_433 : memref<1x16xf32, #tpu.memory_space<hbm>> -> memref<16xf32, #tpu.memory_space<hbm>>
      tpu.enqueue_dma source(%arg25 : memref<16xf32, #tpu.memory_space<vmem>>) target(%dma_start3A_434 : memref<16xf32, #tpu.memory_space<hbm>>) target_semaphore(%run_scoped3A_428 : memref<!tpu.dma_semaphore, #tpu.memory_space<semaphore_mem>>)
      %dma_wait3A = arith.constant 0 : i32
      %dma_wait3A_435 = tpu.memref_slice %arg6[%add3A, %dma_wait3A] : memref<32x16xf32, #tpu.memory_space<hbm>> -> memref<1x16xf32, #tpu.memory_space<hbm>>
      %dma_wait3A_436 = tpu.memref_squeeze %dma_wait3A_435 : memref<1x16xf32, #tpu.memory_space<hbm>> -> memref<16xf32, #tpu.memory_space<hbm>>
      %dma_wait3A_437 = arith.constant 0 : i32
      %dma_wait3A_438 = tpu.memref_slice %arg6[%add3A, %dma_wait3A_437] : memref<32x16xf32, #tpu.memory_space<hbm>> -> memref<1x16xf32, #tpu.memory_space<hbm>>
      %dma_wait3A_439 = tpu.memref_squeeze %dma_wait3A_438 : memref<1x16xf32, #tpu.memory_space<hbm>> -> memref<16xf32, #tpu.memory_space<hbm>>
      tpu.wait_dma2 semaphore(%run_scoped3A_428 : memref<!tpu.dma_semaphore, #tpu.memory_space<semaphore_mem>>) src(%arg25 : memref<16xf32, #tpu.memory_space<vmem>>) dst(%dma_wait3A_439 : memref<16xf32, #tpu.memory_space<hbm>>)
      tpu.yield
    }) : () -> ()
    return
  }
}

module attributes {stable_mosaic.version = 14 : i64} {
  func.func @body(%arg0: memref<192x16x16xf32, #tpu.memory_space<vmem>>, %arg1: memref<192x16x16xf32, #tpu.memory_space<vmem>>, %arg2: memref<32x16xf32, #tpu.memory_space<vmem>>, %arg3: memref<1x1xf32, #tpu.memory_space<vmem>>, %arg4: memref<1x1xf32, #tpu.memory_space<vmem>>) attributes {dimension_semantics = [], scalar_prefetch = 0 : i64, scratch_operands = 0 : i64, tpu.core_type = #tpu.core_type<tc>} {
    %get3A = arith.constant 0 : index
    %get3A_0 = arith.constant 0 : index
    %get3A_1 = arith.constant 0 : index
    %get3A_2 = vector.load %arg0[%get3A, %get3A_0, %get3A_1] : memref<192x16x16xf32, #tpu.memory_space<vmem>>, vector<192x16x16xf32>
    %reduce_sum3A = arith.constant dense<0.000000e+00> : vector<192x16xf32>
    %reduce_sum3A_3 = vector.multi_reduction <add>, %get3A_2, %reduce_sum3A [2] : vector<192x16x16xf32> to vector<192x16xf32>
    %reduce_sum3A_4 = arith.constant dense<0.000000e+00> : vector<16xf32>
    %reduce_sum3A_5 = vector.multi_reduction <add>, %reduce_sum3A_3, %reduce_sum3A_4 [0] : vector<192x16xf32> to vector<16xf32>
    %broadcast_in_dim3A = vector.shape_cast %reduce_sum3A_5 : vector<16xf32> to vector<1x16xf32>
    %get3A_6 = arith.constant 0 : index
    %get3A_7 = arith.constant 0 : index
    %get3A_8 = arith.constant 0 : index
    %get3A_9 = vector.load %arg1[%get3A_6, %get3A_7, %get3A_8] : memref<192x16x16xf32, #tpu.memory_space<vmem>>, vector<192x16x16xf32>
    %reduce_sum3A_10 = arith.constant dense<0.000000e+00> : vector<192x16xf32>
    %reduce_sum3A_11 = vector.multi_reduction <add>, %get3A_9, %reduce_sum3A_10 [2] : vector<192x16x16xf32> to vector<192x16xf32>
    %reduce_sum3A_12 = arith.constant dense<0.000000e+00> : vector<16xf32>
    %reduce_sum3A_13 = vector.multi_reduction <add>, %reduce_sum3A_11, %reduce_sum3A_12 [0] : vector<192x16xf32> to vector<16xf32>
    %broadcast_in_dim3A_14 = vector.shape_cast %reduce_sum3A_13 : vector<16xf32> to vector<1x16xf32>
    %get3A_15 = arith.constant 0 : index
    %get3A_16 = arith.constant 0 : index
    %get3A_17 = vector.load %arg2[%get3A_15, %get3A_16] : memref<32x16xf32, #tpu.memory_space<vmem>>, vector<32x16xf32>
    %reduce_max3A = vector.shape_cast %get3A_17 : vector<32x16xf32> to vector<1x32x16xf32>
    %reduce_max3A_18 = arith.constant dense<0xFF800000> : vector<1xf32>
    %reduce_max3A_19 = vector.multi_reduction <maximumf>, %reduce_max3A, %reduce_max3A_18 [1, 2] : vector<1x32x16xf32> to vector<1xf32>
    %reduce_max3A_20 = vector.shape_cast %reduce_max3A_19 : vector<1xf32> to vector<1x1x1xf32>
    %reduce_max3A_21 = vector.extract %reduce_max3A_20[0, 0, 0] : f32 from vector<1x1x1xf32>
    %ceil3A = math.ceil %reduce_max3A_21 : f32
    %convert_element_type3A = arith.fptosi %ceil3A : f32 to i32
    %iota3A = tpu.iota {dimensions = array<i32: 1>} : vector<1x16xi32>
    %sub3A = arith.constant 1 : i32
    %sub3A_22 = arith.subi %convert_element_type3A, %sub3A : i32
    %ge3A = vector.broadcast %sub3A_22 : i32 to vector<1x16xi32>
    %ge3A_23 = arith.cmpi sge, %iota3A, %ge3A : vector<1x16xi32>
    %jit3A = arith.constant 0.000000e+00 : f32
    %broadcast_in_dim3A_24 = vector.broadcast %jit3A : f32 to vector<1x16xf32>
    %select_n3A = arith.select %ge3A_23, %broadcast_in_dim3A_14, %broadcast_in_dim3A_24 : vector<1x16xi1>, vector<1x16xf32>
    %reduce_sum3A_25 = vector.shape_cast %select_n3A : vector<1x16xf32> to vector<1x1x16xf32>
    %reduce_sum3A_26 = arith.constant dense<0.000000e+00> : vector<1xf32>
    %reduce_sum3A_27 = vector.multi_reduction <add>, %reduce_sum3A_25, %reduce_sum3A_26 [1, 2] : vector<1x1x16xf32> to vector<1xf32>
    %reduce_sum3A_28 = vector.shape_cast %reduce_sum3A_27 : vector<1xf32> to vector<1x1x1xf32>
    %reduce_sum3A_29 = vector.extract %reduce_sum3A_28[0, 0, 0] : f32 from vector<1x1x1xf32>
    %ge3A_30 = vector.broadcast %sub3A_22 : i32 to vector<1x16xi32>
    %ge3A_31 = arith.cmpi sge, %iota3A, %ge3A_30 : vector<1x16xi32>
    %jit3A_32 = arith.constant 0.000000e+00 : f32
    %broadcast_in_dim3A_33 = vector.broadcast %jit3A_32 : f32 to vector<1x16xf32>
    %select_n3A_34 = arith.select %ge3A_31, %broadcast_in_dim3A, %broadcast_in_dim3A_33 : vector<1x16xi1>, vector<1x16xf32>
    %reduce_sum3A_35 = vector.shape_cast %select_n3A_34 : vector<1x16xf32> to vector<1x1x16xf32>
    %reduce_sum3A_36 = arith.constant dense<0.000000e+00> : vector<1xf32>
    %reduce_sum3A_37 = vector.multi_reduction <add>, %reduce_sum3A_35, %reduce_sum3A_36 [1, 2] : vector<1x1x16xf32> to vector<1xf32>
    %reduce_sum3A_38 = vector.shape_cast %reduce_sum3A_37 : vector<1xf32> to vector<1x1x1xf32>
    %reduce_sum3A_39 = vector.extract %reduce_sum3A_38[0, 0, 0] : f32 from vector<1x1x1xf32>
    %eq3A = vector.broadcast %sub3A_22 : i32 to vector<1x16xi32>
    %eq3A_40 = arith.cmpi eq, %iota3A, %eq3A : vector<1x16xi32>
    %lt3A = vector.broadcast %sub3A_22 : i32 to vector<1x16xi32>
    %lt3A_41 = arith.cmpi slt, %iota3A, %lt3A : vector<1x16xi32>
    %jit3A_42 = arith.constant 0.000000e+00 : f32
    %broadcast_in_dim3A_43 = vector.broadcast %jit3A_42 : f32 to vector<1x16xf32>
    %select_n3A_44 = arith.select %lt3A_41, %broadcast_in_dim3A_14, %broadcast_in_dim3A_43 : vector<1x16xi1>, vector<1x16xf32>
    %broadcast_in_dim3A_45 = vector.broadcast %reduce_sum3A_29 : f32 to vector<1x16xf32>
    %select_n3A_46 = arith.select %eq3A_40, %broadcast_in_dim3A_45, %select_n3A_44 : vector<1x16xi1>, vector<1x16xf32>
    %eq3A_47 = vector.broadcast %sub3A_22 : i32 to vector<1x16xi32>
    %eq3A_48 = arith.cmpi eq, %iota3A, %eq3A_47 : vector<1x16xi32>
    %lt3A_49 = vector.broadcast %sub3A_22 : i32 to vector<1x16xi32>
    %lt3A_50 = arith.cmpi slt, %iota3A, %lt3A_49 : vector<1x16xi32>
    %jit3A_51 = arith.constant 0.000000e+00 : f32
    %broadcast_in_dim3A_52 = vector.broadcast %jit3A_51 : f32 to vector<1x16xf32>
    %select_n3A_53 = arith.select %lt3A_50, %broadcast_in_dim3A, %broadcast_in_dim3A_52 : vector<1x16xi1>, vector<1x16xf32>
    %broadcast_in_dim3A_54 = vector.broadcast %reduce_sum3A_39 : f32 to vector<1x16xf32>
    %select_n3A_55 = arith.select %eq3A_48, %broadcast_in_dim3A_54, %select_n3A_53 : vector<1x16xi1>, vector<1x16xf32>
    %div3A = arith.constant 0x4B7C0000 : f32
    %div3A_56 = vector.broadcast %div3A : f32 to vector<1x16xf32>
    %div3A_57 = arith.divf %select_n3A_46, %div3A_56 : vector<1x16xf32>
    %get3A_58 = arith.constant 0 : index
    %get3A_59 = arith.constant 0 : index
    %get3A_60 = vector.load %arg3[%get3A_58, %get3A_59] : memref<1x1xf32, #tpu.memory_space<vmem>>, vector<1x1xf32>
    %get3A_61 = vector.extract %get3A_60[0, 0] : f32 from vector<1x1xf32>
    %add3A = arith.constant 0.00999999977 : f32
    %add3A_62 = vector.broadcast %add3A : f32 to vector<1x16xf32>
    %add3A_63 = arith.addf %div3A_57, %add3A_62 : vector<1x16xf32>
    %div3A_64 = vector.broadcast %get3A_61 : f32 to vector<1x16xf32>
    %div3A_65 = arith.divf %div3A_64, %add3A_63 : vector<1x16xf32>
    %lt3A_66 = vector.broadcast %convert_element_type3A : i32 to vector<1x16xi32>
    %lt3A_67 = arith.cmpi slt, %iota3A, %lt3A_66 : vector<1x16xi32>
    %jit3A_68 = arith.constant 0.000000e+00 : f32
    %broadcast_in_dim3A_69 = vector.broadcast %jit3A_68 : f32 to vector<1x16xf32>
    %select_n3A_70 = arith.select %lt3A_67, %div3A_65, %broadcast_in_dim3A_69 : vector<1x16xi1>, vector<1x16xf32>
    %reduce_sum3A_71 = vector.shape_cast %select_n3A_70 : vector<1x16xf32> to vector<1x1x16xf32>
    %reduce_sum3A_72 = arith.constant dense<0.000000e+00> : vector<1xf32>
    %reduce_sum3A_73 = vector.multi_reduction <add>, %reduce_sum3A_71, %reduce_sum3A_72 [1, 2] : vector<1x1x16xf32> to vector<1xf32>
    %reduce_sum3A_74 = vector.shape_cast %reduce_sum3A_73 : vector<1xf32> to vector<1x1x1xf32>
    %reduce_sum3A_75 = vector.extract %reduce_sum3A_74[0, 0, 0] : f32 from vector<1x1x1xf32>
    %div3A_76 = vector.broadcast %reduce_sum3A_75 : f32 to vector<1x16xf32>
    %div3A_77 = arith.divf %select_n3A_70, %div3A_76 : vector<1x16xf32>
    %mul3A = arith.mulf %div3A_77, %select_n3A_55 : vector<1x16xf32>
    %reduce_sum3A_78 = arith.constant dense<0.000000e+00> : vector<1xf32>
    %reduce_sum3A_79 = vector.multi_reduction <add>, %mul3A, %reduce_sum3A_78 [1] : vector<1x16xf32> to vector<1xf32>
    %broadcast_in_dim3A_80 = vector.shape_cast %reduce_sum3A_79 : vector<1xf32> to vector<1x1xf32>
    %div3A_81 = arith.constant 0x4B7C0000 : f32
    %div3A_82 = vector.broadcast %div3A_81 : f32 to vector<1x1xf32>
    %div3A_83 = arith.divf %broadcast_in_dim3A_80, %div3A_82 : vector<1x1xf32>
    %swap3A = arith.constant 0 : index
    %swap3A_84 = arith.constant 0 : index
    %swap3A_85 = vector.load %arg4[%swap3A, %swap3A_84] : memref<1x1xf32, #tpu.memory_space<vmem>>, vector<1x1xf32>
    tpu.vector_store %arg4[%swap3A, %swap3A_84], %div3A_83 {strides = array<i32>} : memref<1x1xf32, #tpu.memory_space<vmem>>, vector<1x1xf32>,
    return
  }
}

</mosaic_0001>

<sc_bundles>
// kernel: kernel.4.cloned.1.call-start
scs
__scs_entry_jumppad:
0x0: {  	(pc) =	sbr.rel $0x88, $3  }
0x1: {  	(tag) =	ssettag $0x0;
	lr =	simm.s32 $0x1  }
0x2: {  	[smem:$0x3F9E] =	sst lr;
	_ =	strace $0xD0000000  }
0x3: {  	_ = 	snop  }
0x4: {  	_ = 	snop  }
0x5: {  	_ = 	snop  }
0x6: {  	_ = 	snop  }
0x7: {  	_ = 	snop  }
__scs_overlays_trampoline_lowered:
0x8: {  	[smem:$0x3FAD] =	sst s0  }
0x9: {  	[smem:$0x3FAE] =	sst s1  }
0xa: {  	[smem:$0x3FAF] =	sst s2  }
0xb: {  	[smem:$0x3FB0] =	sst s3  }
0xc: {  	[smem:$0x3FB1] =	sst s4  }
0xd: {  	[smem:$0x3FB2] =	sst s5  }
0xe: {  	[smem:$0x3FB3] =	sst s6  }
0xf: {  	[smem:$0x3FB4] =	sst s7  }
0x10: {  	[smem:$0x3FB5] =	sst s8  }
0x11: {  	[smem:$0x3FB6] =	sst s9;
	s0 =	simm.s32 @!p0 $0x0  }
0x12: {  	s1 =	sld [smem:$0x3F9C];
	s0 =	simm.s32 @p0 $0x1  }
0x13: {  	[smem:$0x3FB7] =	sst s0;
	s0 =	simm.s32 @!p1 $0x0  }
0x14: {  	s2 =	sld [smem:$0x3F9B];
	s0 =	simm.s32 @p1 $0x1  }
0x15: {  	[smem:$0x3FB8] =	sst s0;
	s0 =	simm.s32 @!p2 $0x0  }
0x16: {  	s3 =	sld [smem:$0x3FDB];
	s0 =	simm.s32 @p2 $0x1  }
0x17: {  	s4 =	simm.s32 $0x1BF5;
	[smem:$0x3FBA] =	sst s0  }
0x18: {  	s0 =	sld [smem:$0x3F9D];
	_ =	swait.ge [sflag:s4], $0x0  }
0x19: {  	s7 =	sld [smem:$0x3F9E]  }
0x1a: {  	s8 =	sadd.s32 $0xFFFFE003, lr  }
0x1b: {  	s9 =	sadd.s32 $0xFFFFFEF7, lr;
	s5 =	simm.s32 $0xFFFFFFFF;
	p2 =	slt.u32 s8, $0xFFFFF086  }
0x1c: {  	p1 =	slt.u32 s9, $0xF7A;
	s5 =	simm.s32 @!p2 $0x0  }
0x1d: {  	s5 =	simm.s32 @p1 $0x1;
	p0 =	seq.s32 s7, s2  }
0x1e: {  	s7 =	smul.u32 @!p0 $0xF7A, s2;
	p2 =	seq.s32 @!p0 s5, $0x0  }
0x1f: {  	s9 =	smul.u32 $0xF7A, s1;
	s8 =	simm.s32 @!p0 $0x1BF5;
	p2 =	por !p2, p0  }
0x20: {  	[sflag:s8] =	ssyncset.s32 @!p0 $0xFFFFF086;
	s6 =	sadd.s32 @!p0 s3, s7;
	s7 =	simm.s32 @!p0 $0x108  }
0x21: {  	s3 =	sadd.s32 s3, s9;
	s6 =	sadd.s32 @!p0 $0x88, s6;
	s7 =	simm.s32 @p2 $0x1082  }
0x22: {  	[simem:s7], [sflag:s8] =	dma.local @!p0 [hbm:s6], $0xF7A  }
0x23: {  	s9 =	sor.u32 $0xD0000000, s2;
	s6 =	simm.s32 $0x108;
	_ =	swait.ge @!p0 [sflag:s8], $0x0  }
0x24: {  	s3 =	sadd.s32 $0x88, s3;
	s6 =	simm.s32 @!p1 $0x1082;
	[sflag:s4] =	ssyncset.s32 $0xFFFFF086  }
0x25: {  	[simem:s6], [sflag:s4] =	dma.local [hbm:s3], $0xF7A  }
0x26: {  	[smem:$0x3F9E] =	sst s1;
	(tag) =	ssettag s2;
	_ =	strace s9  }
0x27: {  	s1 =	sld [smem:$0x3FAE]  }
0x28: {  	s2 =	sld [smem:$0x3FAF]  }
0x29: {  	s4 =	sld [smem:$0x3FB1]  }
0x2a: {  	p0 =	seq.s32 s5, $0x0;
	s5 =	sld [smem:$0x3FB2]  }
0x2b: {  	s6 =	sld [smem:$0x3FB3]  }
0x2c: {  	s7 =	sld [smem:$0x3FB4]  }
0x2d: {  	s3 =	simm.s32 $0x108;
	s8 =	sld [smem:$0x3FB5]  }
0x2e: {  	s3 =	simm.s32 @!p0 $0x1082;
	s9 =	sld [smem:$0x3FB6]  }
0x2f: {  	lr =	sadd.s32 s0, s3;
	s0 =	sld [smem:$0x3FAD]  }
0x30: {  	s3 =	sld [smem:$0x3FB0]  }
0x31: {  	[smem:$0x3FB9] =	sst s10  }
0x32: {  	s10 =	sld [smem:$0x3FB7];
	_ =	sdelay $0x3  }
0x33: {  	p0 =	seq.s32 s10, $0x1;
	s10 =	sld [smem:$0x3FB9];
	_ =	sdelay $0x3  }
0x34: {  	[smem:$0x3FB9] =	sst s10  }
0x35: {  	s10 =	sld [smem:$0x3FB8];
	_ =	sdelay $0x3  }
0x36: {  	p1 =	seq.s32 s10, $0x1;
	s10 =	sld [smem:$0x3FB9];
	_ =	sdelay $0x3  }
0x37: {  	[smem:$0x3FB9] =	sst s10  }
0x38: {  	s10 =	sld [smem:$0x3FBA]  }
0x39: {  	_ = 	snop;
	(pc) =	sbr.ind lr, $3  }
0x3a: {  	_ = 	snop  }
0x3b: {  	_ = 	snop  }
0x3c: {  	p2 =	seq.s32 s10, $0x1;
	s10 =	sld [smem:$0x3FB9]  }
0x3d: {  	_ =	shalt  }
0x3e: {  	_ =	shalt  }
0x3f: {  	_ =	shalt  }
0x40: {  	_ =	shalt  }
0x41: {  	_ =	shalt  }
0x42: {  	_ =	shalt  }
0x43: {  	_ =	shalt  }
0x44: {  	_ =	shalt  }
0x45: {  	_ =	shalt  }
0x46: {  	_ =	shalt  }
0x47: {  	_ =	shalt  }
0x48: {  	_ =	shalt  }
0x49: {  	_ =	shalt  }
0x4a: {  	_ =	shalt  }
0x4b: {  	_ =	shalt  }
0x4c: {  	_ =	shalt  }
0x4d: {  	_ =	shalt  }
0x4e: {  	_ =	shalt  }
0x4f: {  	_ =	shalt  }
0x50: {  	_ =	shalt  }
0x51: {  	_ =	shalt  }
0x52: {  	_ =	shalt  }
0x53: {  	_ =	shalt  }
0x54: {  	_ =	shalt  }
0x55: {  	_ =	shalt  }
0x56: {  	_ =	shalt  }
0x57: {  	_ =	shalt  }
0x58: {  	_ =	shalt  }
0x59: {  	_ =	shalt  }
0x5a: {  	_ =	shalt  }
0x5b: {  	_ =	shalt  }
0x5c: {  	_ =	shalt  }
0x5d: {  	_ =	shalt  }
0x5e: {  	_ =	shalt  }
0x5f: {  	_ =	shalt  }
0x60: {  	_ =	shalt  }
0x61: {  	_ =	shalt  }
0x62: {  	_ =	shalt  }
0x63: {  	_ =	shalt  }
0x64: {  	_ =	shalt  }
0x65: {  	_ =	shalt  }
0x66: {  	_ =	shalt  }
0x67: {  	_ =	shalt  }
0x68: {  	_ =	shalt  }
0x69: {  	_ =	shalt  }
0x6a: {  	_ =	shalt  }
0x6b: {  	_ =	shalt  }
0x6c: {  	_ =	shalt  }
0x6d: {  	_ =	shalt  }
0x6e: {  	_ =	shalt  }
0x6f: {  	_ =	shalt  }
0x70: {  	_ =	shalt  }
0x71: {  	_ =	shalt  }
0x72: {  	_ =	shalt  }
0x73: {  	_ =	shalt  }
0x74: {  	_ =	shalt  }
0x75: {  	_ =	shalt  }
0x76: {  	_ =	shalt  }
0x77: {  	_ =	shalt  }
0x78: {  	_ =	shalt  }
0x79: {  	_ =	shalt  }
0x7a: {  	_ =	shalt  }
0x7b: {  	_ =	shalt  }
0x7c: {  	_ =	shalt  }
0x7d: {  	_ =	shalt  }
0x7e: {  	_ =	shalt  }
0x7f: {  	_ =	shalt  }
0x80: {  	_ =	shalt  }
0x81: {  	_ =	shalt  }
0x82: {  	_ =	shalt  }
0x83: {  	_ =	shalt  }
0x84: {  	_ =	shalt  }
0x85: {  	_ =	shalt  }
0x86: {  	_ =	shalt  }
0x87: {  	_ =	shalt  }
.Lfunc_end0:
.L_simem_size_0:
called_computation_lowered:
.L_overlay_start_0:
0x88: {  	s2 =	sld [smem:$0x3FD9]  }
0x89: {  	s3 =	sld [smem:$0x3FFE];
	_ =	sdelay $0x1  }
0x8a: {  	s1 =	srdreg.scid  }
0x8b: {  	s0 =	sand.u32 $0x1, s1  }
0x8c: {  	s16 =	sshll.u32 s0, $0xA;
	s2 =	sadd.s32 s3, s2  }
0x8d: {  	s2 =	sadd.s32 s2, s16  }
0x8e: {  	[smem:$0x3FC5] =	sst s2  }
0x8f: {  	_ = 	snop  }
0x90: {  	(tm) =	ssettm $0x1  }
0x91: {  	s17 =	sld [smem:$0x3FFB];
	_ =	sdelay $0x3  }
0x92: {  	_ =	strace s17  }
0x93: {  	s2 =	sld [smem:$0x3FFC];
	_ =	sdelay $0x3  }
0x94: {  	_ =	strace s2  }
0x95: {  	s2 =	sld [smem:$0x3FFD];
	_ =	sdelay $0x3  }
0x96: {  	_ =	strace s2  }
0x97: {  	_ =	strace $0x8FFFFFFF  }
0x98: {  	s18 =	sld [smem:$0x3FDB];
	_ =	sdelay $0x1  }
0x99: {  	s19 =	simm.s32 $_scs_section_size  }
0x9a: {  	s4 =	simm.s32 $_size__tile_overlayer_lowered;
	s5 =	simm.s32 $_tile_overlayer_lowered  }
0x9b: {  	s22 =	simm.s32 $0x1BFF;
	s21 =	sshll.u32 s5, $0x1;
	s2 =	sadd.s32 s19, s18  }
0x9c: {  	s6 =	simm.s32 $0x0;
	s20 =	sshll.u32 s4, $0x1;
	s4 =	sadd.s32 s21, s2  }
0x9d: {  	[timem:s6], [sflag:s22] =	dma.local [hbm:s4], s20  }
0x9e: {  	_ =	swait.ge [sflag:s22], s20  }
0x9f: {  	s3 =	ssub.s32 $0x0, s20;
	[sflag:s22] =	ssyncset.done $0x0  }
0xa0: {  	[sflag:s22] =	ssyncadd.s32 s3;
	_ =	sdelay $0x1  }
0xa1: {  	s23 =	simm.s32 $0x1B8B  }
0xa2: {  	_ =	swait.ge [sflag:s23], $0x1  }
0xa3: {  	[sflag:s23] =	ssyncset.done $0x0  }
0xa4: {  	s25 =	simm.s32 $0x1B8E;
	s24 =	sld [smem:$0x3FFE];
	[sflag:s23] =	ssyncadd.s32 $0xFFFFFFFF  }
0xa5: {  	s26 =	simm.s32 $execute0_lowered;
	[smem:$0x3FD2] =	sst s25  }
0xa6: {  	s4 =	sshll.u32 s26, $0x1;
	_ =	strace $0x80000046;
	[dreg:$0x1] =	wrdreg $0xFFFFFFFF  }
0xa7: {  	s28 =	simm.s32 $_size_execute0_lowered;
	s2 =	sadd.s32 s2, s4;
	[dreg:$0x0] =	wrdreg $0x0  }
0xa8: {  	s4 =	sshll.u32 s28, $0x1;
	[dreg:$0x2] =	wrdreg s2  }
0xa9: {  	[dreg:$0x3] =	wrdreg s4  }
0xaa: {  	[dreg:$0x4] =	wrdreg $0xC0  }
0xab: {  	_ =	task [dreg:s6], $0x5FFFF  }
0xac: {  	[dreg:$0x1] =	wrdreg $0xFFFFFFFF  }
0xad: {  	[dreg:$0x0] =	wrdreg $0x60  }
0xae: {  	[dreg:$0x2] =	wrdreg s24  }
0xaf: {  	[dreg:$0x3] =	wrdreg $0x9  }
0xb0: {  	_ =	task.clear_ibuf [dreg:s6], $0x4FFFF;
	_ =	strace $0x90000046  }
0xb1: {  	s29 =	simm.s32 $0x9;
	_ =	strace $0x80000048  }
0xb2: {  	_ =	swait.ge [sflag:s29], $0x1  }
0xb3: {  	[sflag:s29] =	ssyncadd.s32 $0xFFFFFFFF  }
0xb4: {  	_ =	strace $0x90000048  }
0xb5: {  	_ =	sfence  }
0xb6: {  	s30 =	sld [smem:$0x0];
	_ =	sdelay $0x2  }
0xb7: {  	s31 =	sshll.u32 s1, $0xD;
	s1 =	sshrl.u32 s1, $0x2  }
0xb8: {  	s3 =	sand.u32 $0x4000, s31;
	s1 =	sadd.s32 s1, s30  }
0xb9: {  	s0 =	sor.u32 s3, s0;
	s1 =	sshll.u32 s1, $0x11  }
0xba: {  	s0 =	sor.u32 s1, s0  }
0xbb: {  	s0 =	sadd.s32 $0x8F2B, s0  }
0xbc: {  	[sflag:s0] =	ssyncadd.remote.s32 $0x1  }
0xbd: {  	_ =	sfence.sel $0xFFFF  }
0xbe: {  	[dreg:$0x0] =	wrdreg $0xFFFFFFFF;
	(pc) =	sbr.abs _section_cstart, $3  }
0xbf: {  	[dreg:$0x1] =	wrdreg $0xFFFFFFFF  }
0xc0: {  	_ =	task.clear_ibuf [dreg:s6], $0x2FFFF;
	_ =	strace $0x9FFFFFFF  }
0xc1: {  	(tm) =	ssettm $0x7FFFFFFF  }
tec
execute0_lowered:
.L_overlay_start_1:
0x0: {  	(tag) =	ssettag $0x1  }
0x1: {  	s0 =	rddreg [dreg:$0x0];
	s1 =	simm.s32 $0x0;
	s2 =	srdreg.scid  }
0x2: {  	s5 =	stileid.u32;
	s30 =	simm.s32 $0x10000;
	s31 =	simm.s32 $0x14000  }
0x3: {  	s28 =	simm.s32 $0x18100;
	s29 =	simm.s32 $0x18700;
	[smem:$0x7FF] =	sst s1  }
0x4: {  	s3 =	sadd.s32 $0xA00, s0;
	s4 =	sadd.s32 $0x300A00, s0;
	s2 =	sand.u32 $0x1, s2  }
0x5: {  	s5 =	sshll.u32 s5, $0x1;
	s6 =	sadd.s32 $0x600A00, s0;
	s10 =	sadd.s32 $0x602A00, s0  }
0x6: {  	_ =	strace $0x80000047;
	s5 =	sor.u32 s2, s5;
	s2 =	ssub.s32 $0x2, s2  }
0x7: {  	s7 =	sshll.u32 s5, $0x4;
	s8 =	sshrl.u32 s2, $0x1;
	s9 =	smul.u32 $0x18000, s5  }
0x8: {  	s15 =	smul.u32 $0xC0000, s5;
	s5 =	sshll.u32 s5, $0x8;
	s0 =	sadd.s32 s7, s0  }
0x9: {  	s2 =	ssub.s32 s2, s8;
	s17 =	sor.u32 $0x10, s5;
	s11 =	sadd.s32 s6, s5  }
0xa: {  	s18 =	sadd.s32 s10, s5;
	s20 =	sor.u32 $0x20, s5;
	[dreg:$0x6] =	wrdreg s11  }
0xb: {  	s21 =	sor.u32 $0x30, s5;
	s13 =	sadd.s32 s3, s9;
	[dreg:$0x7] =	wrdreg s18  }
0xc: {  	s14 =	sor.u32 $0x800, s9;
	s9 =	sadd.s32 s4, s9;
	[dreg:$0x2] =	wrdreg s13  }
0xd: {  	s24 =	sor.u32 $0x40, s5;
	s19 =	sadd.s32 s6, s17;
	[dreg:$0x3] =	wrdreg s9  }
0xe: {  	s5 =	sor.u32 $0x50, s5;
	s12 =	sadd.s32 s6, s20;
	[dreg:$0x8] =	wrdreg s19  }
0xf: {  	s8 =	simm.s32 $0x18900;
	s22 =	sadd.s32 s6, s21;
	[dreg:$0xa] =	wrdreg s12  }
0x10: {  	s23 =	sadd.s32 s10, s21;
	s25 =	sadd.s32 s6, s24;
	[dreg:$0xc] =	wrdreg s22  }
0x11: {  	s6 =	sadd.s32 s6, s5;
	s5 =	sadd.s32 s10, s5;
	[dreg:$0xd] =	wrdreg s23  }
0x12: {  	s0 =	sadd.s32 $0x604A00, s0;
	s26 =	smax.u32 s2, $0x1;
	[dreg:$0xe] =	wrdreg s25  }
0x13: {  	s2 =	simm.s32 $0x18000;
	s11 =	simm.s32 $0x18A00;
	[dreg:$0x10] =	wrdreg s6  }
0x14: {  	s18 =	simm.s32 $0x4;
	s16 =	sadd.s32 s3, s14;
	[dreg:$0x11] =	wrdreg s5  }
0x15: {  	s7 =	sadd.s32 s4, s14;
	s9 =	sor.u32 $0x8000, s15;
	[dreg:$0x12] =	wrdreg s0  }
0x16: {  	s22 =	sor.u32 $0xC000, s15;
	s23 =	sor.u32 $0x10000, s15;
	[dreg:$0x13] =	wrdreg s26  }
0x17: {  	s0 =	simm.s32 $0x1;
	s26 =	simm.s32 $0x18600;
	s5 =	simm.s32 $0x18200  }
0x18: {  	s6 =	simm.s32 $0x18800;
	s12 =	simm.s32 $0x18500;
	s13 =	simm.s32 $0x18B00  }
0x19: {  	vm1 =	vcmask $0x3F30;
	s14 =	simm.s32 $0x2;
	s15 =	simm.s32 $0x3;
	[dreg:$0x4] =	wrdreg s16  }
0x1a: {  	s19 =	simm.s32 $0x0;
	[dreg:$0x5] =	wrdreg s7;
	s7 =	sadd.s32 s10, s17  }
0x1b: {  	s16 =	simm.s32 $0x80;
	[dreg:$0x9] =	wrdreg s7;
	s7 =	sadd.s32 s10, s20  }
0x1c: {  	v0 =	vimm.f32 $0.0e+00;
	s17 =	simm.s32 $0x400;
	[dreg:$0xb] =	wrdreg s7;
	s7 =	sadd.s32 s10, s24  }
0x1d: {  	vm0 =	vmmov $0xfff;
	v1 =	vlaneseq.u32;
	v2 =	vimm.f32 $1.000000000e+00;
	s10 =	simm.s32 $0x18400;
	[dreg:$0xf] =	wrdreg s7;
	s7 =	simm.s32 $0x18300  }
.LBB2_1:
0x1e: {  	[tilespmem:$0x18000] =	vst v0  }
0x1f: {  	[tilespmem:$0x18010] =	vst v0  }
0x20: {  	[tilespmem:$0x18020] =	vst v0  }
0x21: {  	[tilespmem:$0x18030] =	vst v0  }
0x22: {  	[tilespmem:$0x18040] =	vst v0  }
0x23: {  	[tilespmem:$0x18050] =	vst v0  }
0x24: {  	[tilespmem:$0x18060] =	vst v0  }
0x25: {  	[tilespmem:$0x18070] =	vst v0  }
0x26: {  	[tilespmem:$0x18080] =	vst v0  }
0x27: {  	[tilespmem:$0x18090] =	vst v0  }
0x28: {  	[tilespmem:$0x180A0] =	vst v0  }
0x29: {  	[tilespmem:$0x180B0] =	vst v0  }
0x2a: {  	[tilespmem:$0x180C0] =	vst v0  }
0x2b: {  	[tilespmem:$0x180D0] =	vst v0  }
0x2c: {  	[tilespmem:$0x180E0] =	vst v0  }
0x2d: {  	[tilespmem:$0x180F0] =	vst v0  }
0x2e: {  	[tilespmem:$0x18100] =	vst v0  }
0x2f: {  	[tilespmem:$0x18110] =	vst v0  }
0x30: {  	[tilespmem:$0x18120] =	vst v0  }
0x31: {  	[tilespmem:$0x18130] =	vst v0  }
0x32: {  	[tilespmem:$0x18140] =	vst v0  }
0x33: {  	[tilespmem:$0x18150] =	vst v0  }
0x34: {  	[tilespmem:$0x18160] =	vst v0  }
0x35: {  	[tilespmem:$0x18170] =	vst v0  }
0x36: {  	[tilespmem:$0x18180] =	vst v0  }
0x37: {  	[tilespmem:$0x18190] =	vst v0  }
0x38: {  	[tilespmem:$0x181A0] =	vst v0  }
0x39: {  	[tilespmem:$0x181B0] =	vst v0  }
0x3a: {  	[tilespmem:$0x181C0] =	vst v0  }
0x3b: {  	[tilespmem:$0x181D0] =	vst v0  }
0x3c: {  	[tilespmem:$0x181E0] =	vst v0  }
0x3d: {  	[tilespmem:$0x181F0] =	vst v0  }
0x3e: {  	[tilespmem:$0x18200] =	vst v0  }
0x3f: {  	[tilespmem:$0x18210] =	vst v0  }
0x40: {  	[tilespmem:$0x18220] =	vst v0  }
0x41: {  	[tilespmem:$0x18230] =	vst v0  }
0x42: {  	[tilespmem:$0x18240] =	vst v0  }
0x43: {  	[tilespmem:$0x18250] =	vst v0  }
0x44: {  	[tilespmem:$0x18260] =	vst v0  }
0x45: {  	[tilespmem:$0x18270] =	vst v0  }
0x46: {  	[tilespmem:$0x18280] =	vst v0  }
0x47: {  	[tilespmem:$0x18290] =	vst v0  }
0x48: {  	[tilespmem:$0x182A0] =	vst v0  }
0x49: {  	[tilespmem:$0x182B0] =	vst v0  }
0x4a: {  	[tilespmem:$0x182C0] =	vst v0  }
0x4b: {  	[tilespmem:$0x182D0] =	vst v0  }
0x4c: {  	[tilespmem:$0x182E0] =	vst v0  }
0x4d: {  	[tilespmem:$0x182F0] =	vst v0  }
0x4e: {  	[tilespmem:$0x18300] =	vst v0  }
0x4f: {  	[tilespmem:$0x18310] =	vst v0  }
0x50: {  	[tilespmem:$0x18320] =	vst v0  }
0x51: {  	[tilespmem:$0x18330] =	vst v0  }
0x52: {  	[tilespmem:$0x18340] =	vst v0  }
0x53: {  	[tilespmem:$0x18350] =	vst v0  }
0x54: {  	[tilespmem:$0x18360] =	vst v0  }
0x55: {  	[tilespmem:$0x18370] =	vst v0  }
0x56: {  	[tilespmem:$0x18380] =	vst v0  }
0x57: {  	[tilespmem:$0x18390] =	vst v0  }
0x58: {  	[tilespmem:$0x183A0] =	vst v0  }
0x59: {  	[tilespmem:$0x183B0] =	vst v0  }
0x5a: {  	[tilespmem:$0x183C0] =	vst v0  }
0x5b: {  	[tilespmem:$0x183D0] =	vst v0  }
0x5c: {  	[tilespmem:$0x183E0] =	vst v0  }
0x5d: {  	[tilespmem:$0x183F0] =	vst v0  }
0x5e: {  	[tilespmem:$0x18400] =	vst v0  }
0x5f: {  	[tilespmem:$0x18410] =	vst v0  }
0x60: {  	[tilespmem:$0x18420] =	vst v0  }
0x61: {  	[tilespmem:$0x18430] =	vst v0  }
0x62: {  	[tilespmem:$0x18440] =	vst v0  }
0x63: {  	[tilespmem:$0x18450] =	vst v0  }
0x64: {  	[tilespmem:$0x18460] =	vst v0  }
0x65: {  	[tilespmem:$0x18470] =	vst v0  }
0x66: {  	[tilespmem:$0x18480] =	vst v0  }
0x67: {  	[tilespmem:$0x18490] =	vst v0  }
0x68: {  	[tilespmem:$0x184A0] =	vst v0  }
0x69: {  	[tilespmem:$0x184B0] =	vst v0  }
0x6a: {  	[tilespmem:$0x184C0] =	vst v0  }
0x6b: {  	[tilespmem:$0x184D0] =	vst v0  }
0x6c: {  	[tilespmem:$0x184E0] =	vst v0  }
0x6d: {  	[tilespmem:$0x184F0] =	vst v0  }
0x6e: {  	[tilespmem:$0x18500] =	vst v0  }
0x6f: {  	[tilespmem:$0x18510] =	vst v0  }
0x70: {  	[tilespmem:$0x18520] =	vst v0  }
0x71: {  	[tilespmem:$0x18530] =	vst v0  }
0x72: {  	[tilespmem:$0x18540] =	vst v0  }
0x73: {  	[tilespmem:$0x18550] =	vst v0  }
0x74: {  	[tilespmem:$0x18560] =	vst v0  }
0x75: {  	[tilespmem:$0x18570] =	vst v0  }
0x76: {  	[tilespmem:$0x18580] =	vst v0  }
0x77: {  	[tilespmem:$0x18590] =	vst v0  }
0x78: {  	[tilespmem:$0x185A0] =	vst v0  }
0x79: {  	[tilespmem:$0x185B0] =	vst v0  }
0x7a: {  	[tilespmem:$0x185C0] =	vst v0  }
0x7b: {  	[tilespmem:$0x185D0] =	vst v0  }
0x7c: {  	[tilespmem:$0x185E0] =	vst v0  }
0x7d: {  	[tilespmem:$0x185F0] =	vst v0  }
0x7e: {  	[tilespmem:$0x18600] =	vst v0  }
0x7f: {  	[tilespmem:$0x18610] =	vst v0  }
0x80: {  	[tilespmem:$0x18620] =	vst v0  }
0x81: {  	[tilespmem:$0x18630] =	vst v0  }
0x82: {  	[tilespmem:$0x18640] =	vst v0  }
0x83: {  	[tilespmem:$0x18650] =	vst v0  }
0x84: {  	[tilespmem:$0x18660] =	vst v0  }
0x85: {  	[tilespmem:$0x18670] =	vst v0  }
0x86: {  	[tilespmem:$0x18680] =	vst v0  }
0x87: {  	[tilespmem:$0x18690] =	vst v0  }
0x88: {  	[tilespmem:$0x186A0] =	vst v0  }
0x89: {  	[tilespmem:$0x186B0] =	vst v0  }
0x8a: {  	[tilespmem:$0x186C0] =	vst v0  }
0x8b: {  	[tilespmem:$0x186D0] =	vst v0  }
0x8c: {  	[tilespmem:$0x186E0] =	vst v0  }
0x8d: {  	[tilespmem:$0x186F0] =	vst v0  }
0x8e: {  	[tilespmem:$0x18700] =	vst v0  }
0x8f: {  	[tilespmem:$0x18710] =	vst v0  }
0x90: {  	[tilespmem:$0x18720] =	vst v0  }
0x91: {  	[tilespmem:$0x18730] =	vst v0  }
0x92: {  	[tilespmem:$0x18740] =	vst v0  }
0x93: {  	[tilespmem:$0x18750] =	vst v0  }
0x94: {  	[tilespmem:$0x18760] =	vst v0  }
0x95: {  	[tilespmem:$0x18770] =	vst v0  }
0x96: {  	[tilespmem:$0x18780] =	vst v0  }
0x97: {  	[tilespmem:$0x18790] =	vst v0  }
0x98: {  	[tilespmem:$0x187A0] =	vst v0  }
0x99: {  	[tilespmem:$0x187B0] =	vst v0  }
0x9a: {  	[tilespmem:$0x187C0] =	vst v0  }
0x9b: {  	[tilespmem:$0x187D0] =	vst v0  }
0x9c: {  	[tilespmem:$0x187E0] =	vst v0  }
0x9d: {  	[tilespmem:$0x187F0] =	vst v0  }
0x9e: {  	[tilespmem:$0x18800] =	vst v0  }
0x9f: {  	[tilespmem:$0x18810] =	vst v0  }
0xa0: {  	[tilespmem:$0x18820] =	vst v0  }
0xa1: {  	[tilespmem:$0x18830] =	vst v0  }
0xa2: {  	[tilespmem:$0x18840] =	vst v0  }
0xa3: {  	[tilespmem:$0x18850] =	vst v0  }
0xa4: {  	[tilespmem:$0x18860] =	vst v0  }
0xa5: {  	[tilespmem:$0x18870] =	vst v0  }
0xa6: {  	[tilespmem:$0x18880] =	vst v0  }
0xa7: {  	[tilespmem:$0x18890] =	vst v0  }
0xa8: {  	[tilespmem:$0x188A0] =	vst v0  }
0xa9: {  	[tilespmem:$0x188B0] =	vst v0  }
0xaa: {  	[tilespmem:$0x188C0] =	vst v0  }
0xab: {  	[tilespmem:$0x188D0] =	vst v0  }
0xac: {  	[tilespmem:$0x188E0] =	vst v0  }
0xad: {  	[tilespmem:$0x188F0] =	vst v0  }
0xae: {  	[tilespmem:$0x18900] =	vst v0  }
0xaf: {  	[tilespmem:$0x18910] =	vst v0  }
0xb0: {  	[tilespmem:$0x18920] =	vst v0  }
0xb1: {  	[tilespmem:$0x18930] =	vst v0  }
0xb2: {  	[tilespmem:$0x18940] =	vst v0  }
0xb3: {  	[tilespmem:$0x18950] =	vst v0  }
0xb4: {  	[tilespmem:$0x18960] =	vst v0  }
0xb5: {  	[tilespmem:$0x18970] =	vst v0  }
0xb6: {  	[tilespmem:$0x18980] =	vst v0  }
0xb7: {  	[tilespmem:$0x18990] =	vst v0  }
0xb8: {  	[tilespmem:$0x189A0] =	vst v0  }
0xb9: {  	[tilespmem:$0x189B0] =	vst v0  }
0xba: {  	[tilespmem:$0x189C0] =	vst v0  }
0xbb: {  	[tilespmem:$0x189D0] =	vst v0  }
0xbc: {  	[tilespmem:$0x189E0] =	vst v0  }
0xbd: {  	[tilespmem:$0x189F0] =	vst v0  }
0xbe: {  	[tilespmem:$0x18A00] =	vst v0  }
0xbf: {  	[tilespmem:$0x18A10] =	vst v0  }
0xc0: {  	[tilespmem:$0x18A20] =	vst v0  }
0xc1: {  	[tilespmem:$0x18A30] =	vst v0  }
0xc2: {  	[tilespmem:$0x18A40] =	vst v0  }
0xc3: {  	[tilespmem:$0x18A50] =	vst v0  }
0xc4: {  	[tilespmem:$0x18A60] =	vst v0  }
0xc5: {  	[tilespmem:$0x18A70] =	vst v0  }
0xc6: {  	[tilespmem:$0x18A80] =	vst v0  }
0xc7: {  	[tilespmem:$0x18A90] =	vst v0  }
0xc8: {  	[tilespmem:$0x18AA0] =	vst v0  }
0xc9: {  	[tilespmem:$0x18AB0] =	vst v0  }
0xca: {  	[tilespmem:$0x18AC0] =	vst v0  }
0xcb: {  	[tilespmem:$0x18AD0] =	vst v0  }
0xcc: {  	[tilespmem:$0x18AE0] =	vst v0  }
0xcd: {  	[tilespmem:$0x18AF0] =	vst v0  }
0xce: {  	[tilespmem:$0x18B00] =	vst v0  }
0xcf: {  	[tilespmem:$0x18B10] =	vst v0  }
0xd0: {  	[tilespmem:$0x18B20] =	vst v0  }
0xd1: {  	[tilespmem:$0x18B30] =	vst v0  }
0xd2: {  	[tilespmem:$0x18B40] =	vst v0  }
0xd3: {  	[tilespmem:$0x18B50] =	vst v0  }
0xd4: {  	[tilespmem:$0x18B60] =	vst v0  }
0xd5: {  	[tilespmem:$0x18B70] =	vst v0  }
0xd6: {  	[tilespmem:$0x18B80] =	vst v0  }
0xd7: {  	[tilespmem:$0x18B90] =	vst v0  }
0xd8: {  	[tilespmem:$0x18BA0] =	vst v0  }
0xd9: {  	[tilespmem:$0x18BB0] =	vst v0  }
0xda: {  	[tilespmem:$0x18BC0] =	vst v0  }
0xdb: {  	[tilespmem:$0x18BD0] =	vst v0  }
0xdc: {  	[tilespmem:$0x18BE0] =	vst v0  }
0xdd: {  	[tilespmem:$0x18BF0] =	vst v0  }
0xde: {  	[tilespmem:$0x18C00] =	vst v0;
	s20 =	rddreg [dreg:$0x2]  }
0xdf: {  	[tilespmem:s1], [sflag:$0x1] =	stream.linear.gather [hbm4b:s20+s1], $0x4000, $0x38;
	[tilespmem:$0x18C80] =	vst v63  }
0xe0: {  	s25 =	rddreg [dreg:$0x3];
	s21 =	simm.s32 $0x4000  }
0xe1: {  	[tilespmem:s21], [sflag:$0x1] =	stream.linear.gather [hbm4b:s25+s1], $0x4000, $0x38;
	[tilespmem:$0x18C80] =	vst v63  }
0xe2: {  	s24 =	rddreg [dreg:$0x4];
	s25 =	simm.s32 $0x8000  }
0xe3: {  	[tilespmem:s25], [sflag:$0x2] =	stream.linear.gather [hbm4b:s24+s1], $0x4000, $0x38;
	[tilespmem:$0x18C80] =	vst v63  }
0xe4: {  	s20 =	simm.s32 $0x0;
	s24 =	rddreg [dreg:$0x5];
	s25 =	simm.s32 $0xC000  }
0xe5: {  	[tilespmem:s25], [sflag:$0x2] =	stream.linear.gather [hbm4b:s24+s1], $0x4000, $0x38;
	[tilespmem:$0x18C80] =	vst v63  }
.LBB2_2:
0xe6: {  	s21 =	smul.u32 $0xC000, s20;
	_ =	sdelay $0x1  }
0xe7: {  	s24 =	sadd.s32 s9, s21  }
0xe8: {  	s24 =	sshrl.u32 s24, $0x3  }
0xe9: {  	s1 =	simm.s32 $0x0;
	s25 =	sadd.s32 s3, s24  }
0xea: {  	[tilespmem:s30], [sflag:$0x3] =	stream.linear.gather [hbm4b:s25+s1], $0x4000, $0x38;
	[tilespmem:$0x18C80] =	vst v63  }
0xeb: {  	s24 =	sadd.s32 s4, s24  }
0xec: {  	[tilespmem:s31], [sflag:$0x3] =	stream.linear.gather [hbm4b:s24+s1], $0x4000, $0x38;
	[tilespmem:$0x18C80] =	vst v63  }
0xed: {  	_ =	swait.ge [sflag:s0], $0x4000  }
0xee: {  	[sflag:s0] =	ssyncset.done $0x0  }
0xef: {  	[sflag:s0] =	ssyncadd.s32 $0xFFFFC000  }
0xf0: {  	_ =	swait.ge [sflag:s0], $0x4000  }
0xf1: {  	[sflag:s0] =	ssyncset.done $0x0  }
0xf2: {  	[sflag:s0] =	ssyncadd.s32 $0xFFFFC000  }
0xf3: {  	v4 =	vld [tilespmem:$0x4000]  }
0xf4: {  	v5 =	vld [tilespmem:$0x4010]  }
0xf5: {  	v6 =	vld [tilespmem:$0x4020]  }
0xf6: {  	v7 =	vld [tilespmem:$0x4030]  }
0xf7: {  	v8 =	vld [tilespmem:$0x4040]  }
0xf8: {  	v9 =	vld [tilespmem:$0x4044]  }
0xf9: {  	v3 =	vld [tilespmem:$0x0]  }
0xfa: {  	v10 =	vld [tilespmem:$0x10]  }
0xfb: {  	v12 =	vld [tilespmem:$0x30]  }
0xfc: {  	v11 =	vld [tilespmem:$0x20]  }
0xfd: {  	v13 =	vld [tilespmem:$0x40]  }
0xfe: {  	s25 =	simm.s32 $0x0;
	v14 =	vld [tilespmem:$0x44]  }
0xff: {  	v24 =	vld [tilespmem:s25+$0x40B0];
	v3 =	vsub.f32 v3, v4  }
0x100: {  	v26 =	vld [tilespmem:s25+$0x40A0];
	v10 =	vsub.f32 v10, v5;
	v12 =	vsub.f32 v12, v7;
	v18 =	vmax.f32 v4, v5  }
0x101: {  	v20 =	vmax.f32 v6, v7;
	v4 =	vtrunc.f32 v4;
	v7 =	vtrunc.f32 v7  }
0x102: {  	v11 =	vsub.f32 v11, v6;
	v5 =	vtrunc.f32 v5;
	v6 =	vtrunc.f32 v6  }
0x103: {  	v19 =	vld [tilespmem:s25+$0xC0];
	v13 =	vsub.f32 v13, v8;
	v4 =	vcvt.f32.s32 v4;
	v5 =	vcvt.f32.s32 v5  }
0x104: {  	v21 =	vld [tilespmem:s25+$0xB0];
	v14 =	vsub.f32 v14, v9;
	v7 =	vcvt.f32.s32 v7;
	v6 =	vcvt.f32.s32 v6  }
0x105: {  	v32 =	vmax.f32 v26, v24;
	v15 =	vmul.f32 v3, v3;
	v16 =	vmul.f32 v11, v11;
	v11 =	vld [tilespmem:$0x18C00]  }
0x106: {  	v23 =	vld [tilespmem:s25+$0x80];
	v18 =	vmax.f32 v18, v20;
	v10 =	vmul.f32 v10, v10;
	v12 =	vmul.f32 v12, v12  }
0x107: {  	v27 =	vld [tilespmem:s25+$0x4090];
	v17 =	vmul.f32 v13, v13;
	v3 =	vmul.f32 v14, v14;
	v14 =	vsel vm0, $0x0, v9  }
0x108: {  	v20 =	vld [tilespmem:s25+$0x90];
	v9 =	vtrunc.f32 v9;
	v14 =	vmax.f32 v8, v14;
	v4 =	vshll.u32 v4, $0x4  }
0x109: {  	v13 =	vld [tilespmem:s25+$0xC4];
	v9 =	vcvt.f32.s32 v9;
	v14 =	vmax.f32 v18, v14;
	v4 =	vor.u32 v1, v4  }
0x10a: {  	v8 =	vtrunc.f32 v8;
	v5 =	vshll.u32 v5, $0x4;
	v22 =	vmax.f32 v11, v14;
	v11 =	vld [tilespmem:s25+$0x40C0]  }
0x10b: {  	v6 =	vshll.u32 v6, $0x4;
	v8 =	vcvt.f32.s32 v8;
	v25 =	vor.u32 v1, v5;
	v14 =	vld [tilespmem:s25+$0x40C4]  }
0x10c: {  	v7 =	vshll.u32 v7, $0x4;
	v18 =	vld [tilespmem:s25+$0xA0];
	v28 =	vor.u32 v1, v6;
	v9 =	vshll.u32 v9, $0x4  }
0x10d: {  	v29 =	vor.u32 v1, v7;
	v8 =	vshll.u32 v8, $0x4;
	v6 =	vor.u32 v1, v9;
	v9 =	vld [tilespmem:s25+$0x4080]  }
0x10e: {  	v20 =	vsub.f32 v20, v27;
	v8 =	vor.u32 v1, v8;
	[tilespmem:v4+s2+$0x0] =	vst.idx.add.f32.msk $0xffff, v15  }
0x10f: {  	v15 =	vtrunc.f32 v26;
	[tilespmem:v4+s26+$0x0] =	vst.idx.add.f32.msk $0xffff, v2;
	v4 =	vtrunc.f32 v24;
	v19 =	vsub.f32 v19, v11  }
0x110: {  	[tilespmem:v25+s28+$0x0] =	vst.idx.add.f32.msk $0xffff, v10;
	v30 =	vtrunc.f32 v11;
	v5 =	vsub.f32 v13, v14;
	v13 =	vsel vm0, $0x0, v14  }
0x111: {  	v31 =	vtrunc.f32 v14;
	[tilespmem:v25+s29+$0x0] =	vst.idx.add.f32.msk $0xffff, v2;
	v14 =	vsub.f32 v18, v26;
	v18 =	vtrunc.f32 v27  }
0x112: {  	[tilespmem:v28+s5+$0x0] =	vst.idx.add.f32.msk $0xffff, v16;
	v16 =	vcvt.f32.s32 v15;
	v15 =	vsub.f32 v23, v9;
	v7 =	vmul.f32 v19, v19  }
0x113: {  	v19 =	vmax.f32 v11, v13;
	v13 =	vcvt.f32.s32 v4;
	v4 =	vmax.f32 v9, v27  }
0x114: {  	v10 =	vcvt.f32.s32 v30;
	v11 =	vsub.f32 v21, v24;
	[tilespmem:v28+s6+$0x0] =	vst.idx.add.f32.msk $0xffff, v2;
	v4 =	vmax.f32 v4, v32  }
0x115: {  	[tilespmem:v29+s7+$0x0] =	vst.idx.add.f32.msk $0xffff, v12;
	v4 =	vmax.f32 v4, v19;
	v19 =	vcvt.f32.s32 v18;
	v18 =	vtrunc.f32 v9  }
0x116: {  	v12 =	vshll.u32 v16, $0x4;
	v16 =	vcvt.f32.s32 v31;
	[tilespmem:v29+s8+$0x0] =	vst.idx.add.f32.msk $0xffff, v2;
	v18 =	vcvt.f32.s32 v18  }
0x117: {  	s24 =	simm.s32 $0x200;
	v9 =	vmul.f32 v20, v20;
	[tilespmem:v8+s10+$0x0] =	vst.idx.add.f32.msk $0xffff, v17;
	v4 =	vmax.f32 v22, v4;
	v17 =	vshll.u32 v19, $0x4  }
.LBB2_3:
0x118: {  	p0 =	sne.s32 s24, $0xFC00;
	v19 =	vmul.f32 v14, v14;
	[tilespmem:v8+s11+$0x0] =	vst.idx.add.f32.msk $0xffff, v2;
	v13 =	vshll.u32 v13, $0x4;
	v8 =	vshll.u32 v18, $0x4;
	v20 =	vmovc v7;
	s1 =	smov.u32 s24;
	s24 =	sadd.s32 $0x200, s24  }
0x119: {  	v7 =	vmul.f32 v15, v15;
	v18 =	vmul.f32 v11, v11;
	[tilespmem:v6+s12+$0x0] =	vst.idx.add.f32.msk vm1, v3;
	v11 =	vshll.u32 v16, $0x4  }
0x11a: {  	v14 =	vor.u32 v1, v17;
	s1 =	sshra.s32 s1, $0x2;
	v3 =	vmul.f32 v5, v5;
	v5 =	vshll.u32 v10, $0x4;
	[tilespmem:v6+s13+$0x0] =	vst.idx.add.f32.msk vm1, v2  }
0x11b: {  	v10 =	vld [tilespmem:s1+$0xC4]  }
0x11c: {  	v15 =	vld [tilespmem:s1+$0xC0]  }
0x11d: {  	v16 =	vld [tilespmem:s1+$0xB0]  }
0x11e: {  	v17 =	vld [tilespmem:s1+$0x90]  }
0x11f: {  	v21 =	vld [tilespmem:s1+$0xA0]  }
0x120: {  	v22 =	vld [tilespmem:s1+$0x80]  }
0x121: {  	v23 =	vld [tilespmem:s1+$0x40C0]  }
0x122: {  	v25 =	vor.u32 v1, v8;
	v24 =	vld [tilespmem:s1+$0x40C4]  }
0x123: {  	v26 =	vld [tilespmem:s1+$0x40B0]  }
0x124: {  	v27 =	vld [tilespmem:s1+$0x40A0]  }
0x125: {  	v12 =	vor.u32 v1, v12;
	v8 =	vor.u32 v1, v5;
	v6 =	vor.u32 v1, v11;
	v28 =	vld [tilespmem:s1+$0x4090]  }
0x126: {  	v30 =	vor.u32 v1, v13;
	v29 =	vld [tilespmem:s1+$0x4080];
	v11 =	vsub.f32 v15, v23;
	v13 =	vtrunc.f32 v23  }
0x127: {  	v5 =	vsub.f32 v10, v24;
	v10 =	vsel vm0, $0x0, v24;
	[tilespmem:v25+s2+$0x0] =	vst.idx.add.f32.msk $0xffff, v7;
	v24 =	vtrunc.f32 v24  }
0x128: {  	v7 =	vmul.f32 v11, v11;
	v23 =	vmax.f32 v23, v10;
	[tilespmem:v25+s26+$0x0] =	vst.idx.add.f32.msk $0xffff, v2;
	v15 =	vtrunc.f32 v26  }
0x129: {  	v10 =	vcvt.f32.s32 v13;
	v25 =	vmax.f32 v27, v26;
	[tilespmem:v14+s28+$0x0] =	vst.idx.add.f32.msk $0xffff, v9;
	v9 =	vtrunc.f32 v27  }
0x12a: {  	v11 =	vsub.f32 v16, v26;
	v13 =	vcvt.f32.s32 v15;
	v17 =	vsub.f32 v17, v28;
	[tilespmem:v14+s29+$0x0] =	vst.idx.add.f32.msk $0xffff, v2  }
.Ltmp0:
0x12b: {  	v14 =	vsub.f32 v21, v27;
	v16 =	vmax.f32 v29, v28;
	[tilespmem:v12+s5+$0x0] =	vst.idx.add.f32.msk $0xffff, v19;
	v19 =	vcvt.f32.s32 v9;
	(pc) =	sbr.rel @p0 .LBB2_3-.Ltmp0, $4  }
0x12c: {  	v15 =	vsub.f32 v22, v29;
	v9 =	vmax.f32 v16, v25;
	[tilespmem:v12+s6+$0x0] =	vst.idx.add.f32.msk $0xffff, v2;
	v12 =	vtrunc.f32 v28  }
0x12d: {  	v16 =	vmax.f32 v9, v23;
	[tilespmem:v30+s7+$0x0] =	vst.idx.add.f32.msk $0xffff, v18;
	v21 =	vcvt.f32.s32 v12;
	v18 =	vtrunc.f32 v29  }
0x12e: {  	v9 =	vmul.f32 v17, v17;
	v12 =	vshll.u32 v19, $0x4;
	[tilespmem:v30+s8+$0x0] =	vst.idx.add.f32.msk $0xffff, v2;
	v18 =	vcvt.f32.s32 v18  }
0x12f: {  	v4 =	vmax.f32 v4, v16;
	v16 =	vcvt.f32.s32 v24;
	[tilespmem:v8+s10+$0x0] =	vst.idx.add.f32.msk $0xffff, v20;
	v17 =	vshll.u32 v21, $0x4  }
0x130: {  	_ = 	snop  }
0x131: {  	v18 =	vshll.u32 v18, $0x4  }
0x132: {  	v18 =	vor.u32 v1, v18;
	_ =	sdelay $0x1  }
0x133: {  	[tilespmem:v8+s11+$0x0] =	vst.idx.add.f32.msk $0xffff, v2;
	v8 =	vor.u32 v1, v17  }
0x134: {  	v15 =	vmul.f32 v15, v15;
	[tilespmem:v6+s12+$0x0] =	vst.idx.add.f32.msk vm1, v3  }
0x135: {  	v3 =	vor.u32 v1, v12;
	[tilespmem:v6+s13+$0x0] =	vst.idx.add.f32.msk vm1, v2  }
0x136: {  	v6 =	vshll.u32 v13, $0x4;
	[tilespmem:v18+s2+$0x0] =	vst.idx.add.f32.msk $0xffff, v15  }
0x137: {  	v6 =	vor.u32 v1, v6;
	[tilespmem:v18+s26+$0x0] =	vst.idx.add.f32.msk $0xffff, v2  }
0x138: {  	v10 =	vshll.u32 v10, $0x4;
	v12 =	vmul.f32 v14, v14;
	[tilespmem:v8+s28+$0x0] =	vst.idx.add.f32.msk $0xffff, v9  }
0x139: {  	[tilespmem:v8+s29+$0x0] =	vst.idx.add.f32.msk $0xffff, v2;
	v8 =	vor.u32 v1, v10  }
0x13a: {  	v9 =	vmul.f32 v11, v11;
	v10 =	vshll.u32 v16, $0x4;
	[tilespmem:v3+s5+$0x0] =	vst.idx.add.f32.msk $0xffff, v12  }
0x13b: {  	[tilespmem:v3+s6+$0x0] =	vst.idx.add.f32.msk $0xffff, v2;
	v3 =	vor.u32 v1, v10  }
0x13c: {  	[tilespmem:v6+s7+$0x0] =	vst.idx.add.f32.msk $0xffff, v9  }
0x13d: {  	[tilespmem:v6+s8+$0x0] =	vst.idx.add.f32.msk $0xffff, v2  }
0x13e: {  	v5 =	vmul.f32 v5, v5;
	[tilespmem:v8+s10+$0x0] =	vst.idx.add.f32.msk $0xffff, v7  }
0x13f: {  	p0 =	seq.s32 s20, $0xF;
	[tilespmem:v8+s11+$0x0] =	vst.idx.add.f32.msk $0xffff, v2  }
0x140: {  	s1 =	sadd.s32 @!p0 s22, s21;
	[tilespmem:v3+s12+$0x0] =	vst.idx.add.f32.msk vm1, v5  }
0x141: {  	s1 =	sshrl.u32 @!p0 s1, $0x3;
	[tilespmem:v3+s13+$0x0] =	vst.idx.add.f32.msk vm1, v2  }
0x142: {  	s25 =	simm.s32 @!p0 $0x0;
	s24 =	sadd.s32 @!p0 s3, s1;
	[tilespmem:$0x18C00] =	vst v4  }
0x143: {  	[tilespmem:s25], [sflag:$0x1] =	stream.linear.gather @!p0 [hbm4b:s24+s25], $0x4000, $0x38;
	[tilespmem:$0x18C80] =	vst v63  }
0x144: {  	s1 =	sadd.s32 @!p0 s4, s1;
	s24 =	simm.s32 @!p0 $0x4000  }
0x145: {  	[tilespmem:s24], [sflag:$0x1] =	stream.linear.gather @!p0 [hbm4b:s1+s25], $0x4000, $0x38;
	[tilespmem:$0x18C80] =	vst v63  }
0x146: {  	_ =	swait.ge [sflag:s14], $0x4000  }
0x147: {  	[sflag:s14] =	ssyncset.done $0x0  }
0x148: {  	[sflag:s14] =	ssyncadd.s32 $0xFFFFC000  }
0x149: {  	_ =	swait.ge [sflag:s14], $0x4000  }
0x14a: {  	[sflag:s14] =	ssyncset.done $0x0  }
0x14b: {  	[sflag:s14] =	ssyncadd.s32 $0xFFFFC000  }
0x14c: {  	v4 =	vld [tilespmem:$0xC000]  }
0x14d: {  	v5 =	vld [tilespmem:$0xC010]  }
0x14e: {  	v6 =	vld [tilespmem:$0xC020]  }
0x14f: {  	v7 =	vld [tilespmem:$0xC030]  }
0x150: {  	v8 =	vld [tilespmem:$0xC040]  }
0x151: {  	v9 =	vld [tilespmem:$0xC044]  }
0x152: {  	v3 =	vld [tilespmem:$0x8000]  }
0x153: {  	v10 =	vld [tilespmem:$0x8010]  }
0x154: {  	v12 =	vld [tilespmem:$0x8030]  }
0x155: {  	v11 =	vld [tilespmem:$0x8020]  }
0x156: {  	v13 =	vld [tilespmem:$0x8040]  }
0x157: {  	s25 =	simm.s32 $0x0;
	v14 =	vld [tilespmem:$0x8044]  }
0x158: {  	v24 =	vld [tilespmem:s25+$0xC0B0];
	v3 =	vsub.f32 v3, v4  }
0x159: {  	v26 =	vld [tilespmem:s25+$0xC0A0];
	v10 =	vsub.f32 v10, v5;
	v12 =	vsub.f32 v12, v7;
	v18 =	vmax.f32 v4, v5  }
0x15a: {  	v20 =	vmax.f32 v6, v7;
	v4 =	vtrunc.f32 v4;
	v7 =	vtrunc.f32 v7  }
0x15b: {  	v11 =	vsub.f32 v11, v6;
	v5 =	vtrunc.f32 v5;
	v6 =	vtrunc.f32 v6  }
0x15c: {  	v19 =	vld [tilespmem:s25+$0x80C0];
	v13 =	vsub.f32 v13, v8;
	v4 =	vcvt.f32.s32 v4;
	v5 =	vcvt.f32.s32 v5  }
0x15d: {  	v21 =	vld [tilespmem:s25+$0x80B0];
	v14 =	vsub.f32 v14, v9;
	v7 =	vcvt.f32.s32 v7;
	v6 =	vcvt.f32.s32 v6  }
0x15e: {  	v32 =	vmax.f32 v26, v24;
	v15 =	vmul.f32 v3, v3;
	v16 =	vmul.f32 v11, v11;
	v11 =	vld [tilespmem:$0x18C00]  }
0x15f: {  	v23 =	vld [tilespmem:s25+$0x8080];
	v18 =	vmax.f32 v18, v20;
	v10 =	vmul.f32 v10, v10;
	v12 =	vmul.f32 v12, v12  }
0x160: {  	v27 =	vld [tilespmem:s25+$0xC090];
	v17 =	vmul.f32 v13, v13;
	v3 =	vmul.f32 v14, v14;
	v14 =	vsel vm0, $0x0, v9  }
0x161: {  	v20 =	vld [tilespmem:s25+$0x8090];
	v9 =	vtrunc.f32 v9;
	v14 =	vmax.f32 v8, v14;
	v4 =	vshll.u32 v4, $0x4  }
0x162: {  	v13 =	vld [tilespmem:s25+$0x80C4];
	v9 =	vcvt.f32.s32 v9;
	v14 =	vmax.f32 v18, v14;
	v4 =	vor.u32 v1, v4  }
0x163: {  	v8 =	vtrunc.f32 v8;
	v5 =	vshll.u32 v5, $0x4;
	v22 =	vmax.f32 v11, v14;
	v11 =	vld [tilespmem:s25+$0xC0C0]  }
0x164: {  	v6 =	vshll.u32 v6, $0x4;
	v8 =	vcvt.f32.s32 v8;
	v25 =	vor.u32 v1, v5;
	v14 =	vld [tilespmem:s25+$0xC0C4]  }
0x165: {  	v7 =	vshll.u32 v7, $0x4;
	v18 =	vld [tilespmem:s25+$0x80A0];
	v28 =	vor.u32 v1, v6;
	v9 =	vshll.u32 v9, $0x4  }
0x166: {  	v29 =	vor.u32 v1, v7;
	v8 =	vshll.u32 v8, $0x4;
	v6 =	vor.u32 v1, v9;
	v9 =	vld [tilespmem:s25+$0xC080]  }
0x167: {  	v20 =	vsub.f32 v20, v27;
	v8 =	vor.u32 v1, v8;
	[tilespmem:v4+s2+$0x0] =	vst.idx.add.f32.msk $0xffff, v15  }
0x168: {  	v15 =	vtrunc.f32 v26;
	[tilespmem:v4+s26+$0x0] =	vst.idx.add.f32.msk $0xffff, v2;
	v4 =	vtrunc.f32 v24;
	v19 =	vsub.f32 v19, v11  }
0x169: {  	[tilespmem:v25+s28+$0x0] =	vst.idx.add.f32.msk $0xffff, v10;
	v30 =	vtrunc.f32 v11;
	v5 =	vsub.f32 v13, v14;
	v13 =	vsel vm0, $0x0, v14  }
0x16a: {  	v31 =	vtrunc.f32 v14;
	[tilespmem:v25+s29+$0x0] =	vst.idx.add.f32.msk $0xffff, v2;
	v14 =	vsub.f32 v18, v26;
	v18 =	vtrunc.f32 v27  }
0x16b: {  	[tilespmem:v28+s5+$0x0] =	vst.idx.add.f32.msk $0xffff, v16;
	v16 =	vcvt.f32.s32 v15;
	v15 =	vsub.f32 v23, v9;
	v7 =	vmul.f32 v19, v19  }
0x16c: {  	v19 =	vmax.f32 v11, v13;
	v13 =	vcvt.f32.s32 v4;
	v4 =	vmax.f32 v9, v27  }
0x16d: {  	v10 =	vcvt.f32.s32 v30;
	v11 =	vsub.f32 v21, v24;
	[tilespmem:v28+s6+$0x0] =	vst.idx.add.f32.msk $0xffff, v2;
	v4 =	vmax.f32 v4, v32  }
0x16e: {  	[tilespmem:v29+s7+$0x0] =	vst.idx.add.f32.msk $0xffff, v12;
	v4 =	vmax.f32 v4, v19;
	v19 =	vcvt.f32.s32 v18;
	v18 =	vtrunc.f32 v9  }
0x16f: {  	v12 =	vshll.u32 v16, $0x4;
	v16 =	vcvt.f32.s32 v31;
	[tilespmem:v29+s8+$0x0] =	vst.idx.add.f32.msk $0xffff, v2;
	v18 =	vcvt.f32.s32 v18  }
0x170: {  	s24 =	simm.s32 $0x200;
	v9 =	vmul.f32 v20, v20;
	[tilespmem:v8+s10+$0x0] =	vst.idx.add.f32.msk $0xffff, v17;
	v4 =	vmax.f32 v22, v4;
	v17 =	vshll.u32 v19, $0x4  }
.LBB2_5:
0x171: {  	p1 =	sne.s32 s24, $0xFC00;
	v19 =	vmul.f32 v14, v14;
	[tilespmem:v8+s11+$0x0] =	vst.idx.add.f32.msk $0xffff, v2;
	v13 =	vshll.u32 v13, $0x4;
	v8 =	vshll.u32 v18, $0x4;
	v20 =	vmovc v7;
	s1 =	smov.u32 s24;
	s24 =	sadd.s32 $0x200, s24  }
0x172: {  	v7 =	vmul.f32 v15, v15;
	v18 =	vmul.f32 v11, v11;
	[tilespmem:v6+s12+$0x0] =	vst.idx.add.f32.msk vm1, v3;
	v11 =	vshll.u32 v16, $0x4  }
0x173: {  	v14 =	vor.u32 v1, v17;
	s1 =	sshra.s32 s1, $0x2;
	v3 =	vmul.f32 v5, v5;
	v5 =	vshll.u32 v10, $0x4;
	[tilespmem:v6+s13+$0x0] =	vst.idx.add.f32.msk vm1, v2  }
0x174: {  	v10 =	vld [tilespmem:s1+$0x80C4]  }
0x175: {  	v15 =	vld [tilespmem:s1+$0x80C0]  }
0x176: {  	v16 =	vld [tilespmem:s1+$0x80B0]  }
0x177: {  	v17 =	vld [tilespmem:s1+$0x8090]  }
0x178: {  	v21 =	vld [tilespmem:s1+$0x80A0]  }
0x179: {  	v22 =	vld [tilespmem:s1+$0x8080]  }
0x17a: {  	v23 =	vld [tilespmem:s1+$0xC0C0]  }
0x17b: {  	v25 =	vor.u32 v1, v8;
	v24 =	vld [tilespmem:s1+$0xC0C4]  }
0x17c: {  	v26 =	vld [tilespmem:s1+$0xC0B0]  }
0x17d: {  	v27 =	vld [tilespmem:s1+$0xC0A0]  }
0x17e: {  	v12 =	vor.u32 v1, v12;
	v8 =	vor.u32 v1, v5;
	v6 =	vor.u32 v1, v11;
	v28 =	vld [tilespmem:s1+$0xC090]  }
0x17f: {  	v30 =	vor.u32 v1, v13;
	v29 =	vld [tilespmem:s1+$0xC080];
	v11 =	vsub.f32 v15, v23;
	v13 =	vtrunc.f32 v23  }
0x180: {  	v5 =	vsub.f32 v10, v24;
	v10 =	vsel vm0, $0x0, v24;
	[tilespmem:v25+s2+$0x0] =	vst.idx.add.f32.msk $0xffff, v7;
	v24 =	vtrunc.f32 v24  }
0x181: {  	v7 =	vmul.f32 v11, v11;
	v23 =	vmax.f32 v23, v10;
	[tilespmem:v25+s26+$0x0] =	vst.idx.add.f32.msk $0xffff, v2;
	v15 =	vtrunc.f32 v26  }
0x182: {  	v10 =	vcvt.f32.s32 v13;
	v25 =	vmax.f32 v27, v26;
	[tilespmem:v14+s28+$0x0] =	vst.idx.add.f32.msk $0xffff, v9;
	v9 =	vtrunc.f32 v27  }
0x183: {  	v11 =	vsub.f32 v16, v26;
	v13 =	vcvt.f32.s32 v15;
	v17 =	vsub.f32 v17, v28;
	[tilespmem:v14+s29+$0x0] =	vst.idx.add.f32.msk $0xffff, v2  }
.Ltmp1:
0x184: {  	v14 =	vsub.f32 v21, v27;
	v16 =	vmax.f32 v29, v28;
	[tilespmem:v12+s5+$0x0] =	vst.idx.add.f32.msk $0xffff, v19;
	v19 =	vcvt.f32.s32 v9;
	(pc) =	sbr.rel @p1 .LBB2_5-.Ltmp1, $4  }
0x185: {  	v15 =	vsub.f32 v22, v29;
	v9 =	vmax.f32 v16, v25;
	[tilespmem:v12+s6+$0x0] =	vst.idx.add.f32.msk $0xffff, v2;
	v12 =	vtrunc.f32 v28  }
0x186: {  	v16 =	vmax.f32 v9, v23;
	[tilespmem:v30+s7+$0x0] =	vst.idx.add.f32.msk $0xffff, v18;
	v21 =	vcvt.f32.s32 v12;
	v18 =	vtrunc.f32 v29  }
0x187: {  	v9 =	vmul.f32 v17, v17;
	v12 =	vshll.u32 v19, $0x4;
	[tilespmem:v30+s8+$0x0] =	vst.idx.add.f32.msk $0xffff, v2;
	v18 =	vcvt.f32.s32 v18  }
0x188: {  	v4 =	vmax.f32 v4, v16;
	v16 =	vcvt.f32.s32 v24;
	[tilespmem:v8+s10+$0x0] =	vst.idx.add.f32.msk $0xffff, v20;
	v17 =	vshll.u32 v21, $0x4  }
0x189: {  	_ = 	snop  }
0x18a: {  	v18 =	vshll.u32 v18, $0x4  }
0x18b: {  	v18 =	vor.u32 v1, v18;
	_ =	sdelay $0x1  }
0x18c: {  	[tilespmem:v8+s11+$0x0] =	vst.idx.add.f32.msk $0xffff, v2;
	v8 =	vor.u32 v1, v17  }
0x18d: {  	v15 =	vmul.f32 v15, v15;
	[tilespmem:v6+s12+$0x0] =	vst.idx.add.f32.msk vm1, v3  }
0x18e: {  	v3 =	vor.u32 v1, v12;
	[tilespmem:v6+s13+$0x0] =	vst.idx.add.f32.msk vm1, v2  }
0x18f: {  	v6 =	vshll.u32 v13, $0x4;
	[tilespmem:v18+s2+$0x0] =	vst.idx.add.f32.msk $0xffff, v15  }
0x190: {  	v6 =	vor.u32 v1, v6;
	[tilespmem:v18+s26+$0x0] =	vst.idx.add.f32.msk $0xffff, v2  }
0x191: {  	v10 =	vshll.u32 v10, $0x4;
	v12 =	vmul.f32 v14, v14;
	[tilespmem:v8+s28+$0x0] =	vst.idx.add.f32.msk $0xffff, v9  }
0x192: {  	[tilespmem:v8+s29+$0x0] =	vst.idx.add.f32.msk $0xffff, v2;
	v8 =	vor.u32 v1, v10  }
0x193: {  	v9 =	vmul.f32 v11, v11;
	v10 =	vshll.u32 v16, $0x4;
	[tilespmem:v3+s5+$0x0] =	vst.idx.add.f32.msk $0xffff, v12  }
0x194: {  	[tilespmem:v3+s6+$0x0] =	vst.idx.add.f32.msk $0xffff, v2;
	v3 =	vor.u32 v1, v10  }
0x195: {  	[tilespmem:v6+s7+$0x0] =	vst.idx.add.f32.msk $0xffff, v9  }
0x196: {  	[tilespmem:v6+s8+$0x0] =	vst.idx.add.f32.msk $0xffff, v2  }
0x197: {  	v5 =	vmul.f32 v5, v5;
	[tilespmem:v8+s10+$0x0] =	vst.idx.add.f32.msk $0xffff, v7  }
0x198: {  	[tilespmem:v8+s11+$0x0] =	vst.idx.add.f32.msk $0xffff, v2  }
0x199: {  	s1 =	sadd.s32 @!p0 s23, s21;
	[tilespmem:v3+s12+$0x0] =	vst.idx.add.f32.msk vm1, v5  }
0x19a: {  	s1 =	sshrl.u32 @!p0 s1, $0x3;
	[tilespmem:v3+s13+$0x0] =	vst.idx.add.f32.msk vm1, v2  }
0x19b: {  	s24 =	simm.s32 @!p0 $0x0;
	s25 =	simm.s32 @!p0 $0x8000;
	s21 =	sadd.s32 @!p0 s3, s1;
	[tilespmem:$0x18C00] =	vst v4  }
0x19c: {  	[tilespmem:s25], [sflag:$0x2] =	stream.linear.gather @!p0 [hbm4b:s21+s24], $0x4000, $0x38;
	[tilespmem:$0x18C80] =	vst v63  }
0x19d: {  	s1 =	sadd.s32 @!p0 s4, s1;
	s21 =	simm.s32 @!p0 $0xC000  }
0x19e: {  	[tilespmem:s21], [sflag:$0x2] =	stream.linear.gather @!p0 [hbm4b:s1+s24], $0x4000, $0x38;
	[tilespmem:$0x18C80] =	vst v63  }
0x19f: {  	_ =	swait.ge [sflag:s15], $0x4000  }
0x1a0: {  	[sflag:s15] =	ssyncset.done $0x0  }
0x1a1: {  	[sflag:s15] =	ssyncadd.s32 $0xFFFFC000  }
0x1a2: {  	_ =	swait.ge [sflag:s15], $0x4000  }
0x1a3: {  	[sflag:s15] =	ssyncset.done $0x0  }
0x1a4: {  	[sflag:s15] =	ssyncadd.s32 $0xFFFFC000  }
0x1a5: {  	v4 =	vld [tilespmem:$0x14000]  }
0x1a6: {  	v5 =	vld [tilespmem:$0x14010]  }
0x1a7: {  	v6 =	vld [tilespmem:$0x14020]  }
0x1a8: {  	v7 =	vld [tilespmem:$0x14030]  }
0x1a9: {  	v8 =	vld [tilespmem:$0x14040]  }
0x1aa: {  	v9 =	vld [tilespmem:$0x14044]  }
0x1ab: {  	v3 =	vld [tilespmem:$0x10000]  }
0x1ac: {  	v10 =	vld [tilespmem:$0x10010]  }
0x1ad: {  	v12 =	vld [tilespmem:$0x10030]  }
0x1ae: {  	v11 =	vld [tilespmem:$0x10020]  }
0x1af: {  	v13 =	vld [tilespmem:$0x10040]  }
0x1b0: {  	s25 =	simm.s32 $0x0;
	v14 =	vld [tilespmem:$0x10044]  }
0x1b1: {  	v24 =	vld [tilespmem:s25+$0x140B0];
	v3 =	vsub.f32 v3, v4  }
0x1b2: {  	v26 =	vld [tilespmem:s25+$0x140A0];
	v10 =	vsub.f32 v10, v5;
	v12 =	vsub.f32 v12, v7;
	v18 =	vmax.f32 v4, v5  }
0x1b3: {  	v20 =	vmax.f32 v6, v7;
	v4 =	vtrunc.f32 v4;
	v7 =	vtrunc.f32 v7  }
0x1b4: {  	v11 =	vsub.f32 v11, v6;
	v5 =	vtrunc.f32 v5;
	v6 =	vtrunc.f32 v6  }
0x1b5: {  	v19 =	vld [tilespmem:s25+$0x100C0];
	v13 =	vsub.f32 v13, v8;
	v4 =	vcvt.f32.s32 v4;
	v5 =	vcvt.f32.s32 v5  }
0x1b6: {  	v21 =	vld [tilespmem:s25+$0x100B0];
	v14 =	vsub.f32 v14, v9;
	v7 =	vcvt.f32.s32 v7;
	v6 =	vcvt.f32.s32 v6  }
0x1b7: {  	v32 =	vmax.f32 v26, v24;
	v15 =	vmul.f32 v3, v3;
	v16 =	vmul.f32 v11, v11;
	v11 =	vld [tilespmem:$0x18C00]  }
0x1b8: {  	v23 =	vld [tilespmem:s25+$0x10080];
	v18 =	vmax.f32 v18, v20;
	v10 =	vmul.f32 v10, v10;
	v12 =	vmul.f32 v12, v12  }
0x1b9: {  	v27 =	vld [tilespmem:s25+$0x14090];
	v17 =	vmul.f32 v13, v13;
	v3 =	vmul.f32 v14, v14;
	v14 =	vsel vm0, $0x0, v9  }
0x1ba: {  	v20 =	vld [tilespmem:s25+$0x10090];
	v9 =	vtrunc.f32 v9;
	v14 =	vmax.f32 v8, v14;
	v4 =	vshll.u32 v4, $0x4  }
0x1bb: {  	v13 =	vld [tilespmem:s25+$0x100C4];
	v9 =	vcvt.f32.s32 v9;
	v14 =	vmax.f32 v18, v14;
	v4 =	vor.u32 v1, v4  }
0x1bc: {  	v8 =	vtrunc.f32 v8;
	v5 =	vshll.u32 v5, $0x4;
	v22 =	vmax.f32 v11, v14;
	v11 =	vld [tilespmem:s25+$0x140C0]  }
0x1bd: {  	v6 =	vshll.u32 v6, $0x4;
	v8 =	vcvt.f32.s32 v8;
	v25 =	vor.u32 v1, v5;
	v14 =	vld [tilespmem:s25+$0x140C4]  }
0x1be: {  	v7 =	vshll.u32 v7, $0x4;
	v18 =	vld [tilespmem:s25+$0x100A0];
	v28 =	vor.u32 v1, v6;
	v9 =	vshll.u32 v9, $0x4  }
0x1bf: {  	v29 =	vor.u32 v1, v7;
	v8 =	vshll.u32 v8, $0x4;
	v6 =	vor.u32 v1, v9;
	v9 =	vld [tilespmem:s25+$0x14080]  }
0x1c0: {  	v20 =	vsub.f32 v20, v27;
	v8 =	vor.u32 v1, v8;
	[tilespmem:v4+s2+$0x0] =	vst.idx.add.f32.msk $0xffff, v15  }
0x1c1: {  	v15 =	vtrunc.f32 v26;
	[tilespmem:v4+s26+$0x0] =	vst.idx.add.f32.msk $0xffff, v2;
	v4 =	vtrunc.f32 v24;
	v19 =	vsub.f32 v19, v11  }
0x1c2: {  	[tilespmem:v25+s28+$0x0] =	vst.idx.add.f32.msk $0xffff, v10;
	v30 =	vtrunc.f32 v11;
	v5 =	vsub.f32 v13, v14;
	v13 =	vsel vm0, $0x0, v14  }
0x1c3: {  	v31 =	vtrunc.f32 v14;
	[tilespmem:v25+s29+$0x0] =	vst.idx.add.f32.msk $0xffff, v2;
	v14 =	vsub.f32 v18, v26;
	v18 =	vtrunc.f32 v27  }
0x1c4: {  	[tilespmem:v28+s5+$0x0] =	vst.idx.add.f32.msk $0xffff, v16;
	v16 =	vcvt.f32.s32 v15;
	v15 =	vsub.f32 v23, v9;
	v7 =	vmul.f32 v19, v19  }
0x1c5: {  	v19 =	vmax.f32 v11, v13;
	v13 =	vcvt.f32.s32 v4;
	v4 =	vmax.f32 v9, v27  }
0x1c6: {  	v10 =	vcvt.f32.s32 v30;
	v11 =	vsub.f32 v21, v24;
	[tilespmem:v28+s6+$0x0] =	vst.idx.add.f32.msk $0xffff, v2;
	v4 =	vmax.f32 v4, v32  }
0x1c7: {  	[tilespmem:v29+s7+$0x0] =	vst.idx.add.f32.msk $0xffff, v12;
	v4 =	vmax.f32 v4, v19;
	v19 =	vcvt.f32.s32 v18;
	v18 =	vtrunc.f32 v9  }
0x1c8: {  	v12 =	vshll.u32 v16, $0x4;
	v16 =	vcvt.f32.s32 v31;
	[tilespmem:v29+s8+$0x0] =	vst.idx.add.f32.msk $0xffff, v2;
	v18 =	vcvt.f32.s32 v18  }
0x1c9: {  	s21 =	simm.s32 $0x200;
	v9 =	vmul.f32 v20, v20;
	[tilespmem:v8+s10+$0x0] =	vst.idx.add.f32.msk $0xffff, v17;
	v4 =	vmax.f32 v22, v4;
	v17 =	vshll.u32 v19, $0x4  }
.LBB2_7:
0x1ca: {  	p0 =	sne.s32 s21, $0xFC00;
	v19 =	vmul.f32 v14, v14;
	[tilespmem:v8+s11+$0x0] =	vst.idx.add.f32.msk $0xffff, v2;
	v13 =	vshll.u32 v13, $0x4;
	v8 =	vshll.u32 v18, $0x4;
	v20 =	vmovc v7;
	s1 =	smov.u32 s21;
	s21 =	sadd.s32 $0x200, s21  }
0x1cb: {  	v7 =	vmul.f32 v15, v15;
	v18 =	vmul.f32 v11, v11;
	[tilespmem:v6+s12+$0x0] =	vst.idx.add.f32.msk vm1, v3;
	v11 =	vshll.u32 v16, $0x4  }
0x1cc: {  	v14 =	vor.u32 v1, v17;
	s1 =	sshra.s32 s1, $0x2;
	v3 =	vmul.f32 v5, v5;
	v5 =	vshll.u32 v10, $0x4;
	[tilespmem:v6+s13+$0x0] =	vst.idx.add.f32.msk vm1, v2  }
0x1cd: {  	v10 =	vld [tilespmem:s1+$0x100C4]  }
0x1ce: {  	v15 =	vld [tilespmem:s1+$0x100C0]  }
0x1cf: {  	v16 =	vld [tilespmem:s1+$0x100B0]  }
0x1d0: {  	v17 =	vld [tilespmem:s1+$0x10090]  }
0x1d1: {  	v21 =	vld [tilespmem:s1+$0x100A0]  }
0x1d2: {  	v22 =	vld [tilespmem:s1+$0x10080]  }
0x1d3: {  	v23 =	vld [tilespmem:s1+$0x140C0]  }
0x1d4: {  	v25 =	vor.u32 v1, v8;
	v24 =	vld [tilespmem:s1+$0x140C4]  }
0x1d5: {  	v26 =	vld [tilespmem:s1+$0x140B0]  }
0x1d6: {  	v27 =	vld [tilespmem:s1+$0x140A0]  }
0x1d7: {  	v12 =	vor.u32 v1, v12;
	v8 =	vor.u32 v1, v5;
	v6 =	vor.u32 v1, v11;
	v28 =	vld [tilespmem:s1+$0x14090]  }
0x1d8: {  	v30 =	vor.u32 v1, v13;
	v29 =	vld [tilespmem:s1+$0x14080];
	v11 =	vsub.f32 v15, v23;
	v13 =	vtrunc.f32 v23  }
0x1d9: {  	v5 =	vsub.f32 v10, v24;
	v10 =	vsel vm0, $0x0, v24;
	[tilespmem:v25+s2+$0x0] =	vst.idx.add.f32.msk $0xffff, v7;
	v24 =	vtrunc.f32 v24  }
0x1da: {  	v7 =	vmul.f32 v11, v11;
	v23 =	vmax.f32 v23, v10;
	[tilespmem:v25+s26+$0x0] =	vst.idx.add.f32.msk $0xffff, v2;
	v15 =	vtrunc.f32 v26  }
0x1db: {  	v10 =	vcvt.f32.s32 v13;
	v25 =	vmax.f32 v27, v26;
	[tilespmem:v14+s28+$0x0] =	vst.idx.add.f32.msk $0xffff, v9;
	v9 =	vtrunc.f32 v27  }
0x1dc: {  	v11 =	vsub.f32 v16, v26;
	v13 =	vcvt.f32.s32 v15;
	v17 =	vsub.f32 v17, v28;
	[tilespmem:v14+s29+$0x0] =	vst.idx.add.f32.msk $0xffff, v2  }
.Ltmp2:
0x1dd: {  	v14 =	vsub.f32 v21, v27;
	v16 =	vmax.f32 v29, v28;
	[tilespmem:v12+s5+$0x0] =	vst.idx.add.f32.msk $0xffff, v19;
	v19 =	vcvt.f32.s32 v9;
	(pc) =	sbr.rel @p0 .LBB2_7-.Ltmp2, $4  }
0x1de: {  	v15 =	vsub.f32 v22, v29;
	v9 =	vmax.f32 v16, v25;
	[tilespmem:v12+s6+$0x0] =	vst.idx.add.f32.msk $0xffff, v2;
	v12 =	vtrunc.f32 v28  }
0x1df: {  	v16 =	vmax.f32 v9, v23;
	[tilespmem:v30+s7+$0x0] =	vst.idx.add.f32.msk $0xffff, v18;
	v21 =	vcvt.f32.s32 v12;
	v18 =	vtrunc.f32 v29  }
0x1e0: {  	v9 =	vmul.f32 v17, v17;
	v12 =	vshll.u32 v19, $0x4;
	[tilespmem:v30+s8+$0x0] =	vst.idx.add.f32.msk $0xffff, v2;
	v18 =	vcvt.f32.s32 v18  }
0x1e1: {  	v4 =	vmax.f32 v4, v16;
	v16 =	vcvt.f32.s32 v24;
	[tilespmem:v8+s10+$0x0] =	vst.idx.add.f32.msk $0xffff, v20;
	v17 =	vshll.u32 v21, $0x4  }
0x1e2: {  	_ = 	snop  }
0x1e3: {  	v18 =	vshll.u32 v18, $0x4  }
0x1e4: {  	v18 =	vor.u32 v1, v18;
	_ =	sdelay $0x1  }
0x1e5: {  	[tilespmem:v8+s11+$0x0] =	vst.idx.add.f32.msk $0xffff, v2;
	v58 =	vor.u32 v1, v17  }
0x1e6: {  	v15 =	vmul.f32 v15, v15;
	[tilespmem:v6+s12+$0x0] =	vst.idx.add.f32.msk vm1, v3  }
0x1e7: {  	v3 =	vor.u32 v1, v12;
	[tilespmem:v6+s13+$0x0] =	vst.idx.add.f32.msk vm1, v2  }
0x1e8: {  	v59 =	vshll.u32 v13, $0x4;
	[tilespmem:v18+s2+$0x0] =	vst.idx.add.f32.msk $0xffff, v15  }
0x1e9: {  	v6 =	vor.u32 v1, v59;
	[tilespmem:v18+s26+$0x0] =	vst.idx.add.f32.msk $0xffff, v2  }
0x1ea: {  	v60 =	vmul.f32 v14, v14;
	v10 =	vshll.u32 v10, $0x4;
	[tilespmem:v58+s28+$0x0] =	vst.idx.add.f32.msk $0xffff, v9  }
0x1eb: {  	v61 =	vor.u32 v1, v10;
	[tilespmem:v58+s29+$0x0] =	vst.idx.add.f32.msk $0xffff, v2  }
0x1ec: {  	v62 =	vmul.f32 v11, v11;
	v63 =	vshll.u32 v16, $0x4;
	[tilespmem:v3+s5+$0x0] =	vst.idx.add.f32.msk $0xffff, v60  }
0x1ed: {  	[tilespmem:v3+s6+$0x0] =	vst.idx.add.f32.msk $0xffff, v2;
	v3 =	vor.u32 v1, v63  }
0x1ee: {  	s20 =	sadd.s32 $0x1, s20;
	[tilespmem:v6+s7+$0x0] =	vst.idx.add.f32.msk $0xffff, v62  }
0x1ef: {  	p0 =	sne.s32 s20, $0x10;
	[tilespmem:v6+s8+$0x0] =	vst.idx.add.f32.msk $0xffff, v2  }
.Ltmp3:
0x1f0: {  	v5 =	vmul.f32 v5, v5;
	[tilespmem:v61+s10+$0x0] =	vst.idx.add.f32.msk $0xffff, v7;
	(pc) =	sbr.rel @p0 .LBB2_2-.Ltmp3, $4  }
0x1f1: {  	[tilespmem:v61+s11+$0x0] =	vst.idx.add.f32.msk $0xffff, v2  }
0x1f2: {  	[tilespmem:v3+s12+$0x0] =	vst.idx.add.f32.msk vm1, v5  }
0x1f3: {  	[tilespmem:v3+s13+$0x0] =	vst.idx.add.f32.msk vm1, v2  }
0x1f4: {  	[tilespmem:$0x18C00] =	vst v4  }
0x1f5: {  	s1 =	rddreg [dreg:$0x6]  }
0x1f6: {  	[hbm4b:s1+s16] =	stream.strided.scatter [tilespmem:s2], [sflag:$0x4], $0x100, s17, s16, $0x38;
	[tilespmem:$0x18C80] =	vst v63  }
0x1f7: {  	_ =	swait.ge [sflag:s18], $0x100  }
0x1f8: {  	[sflag:s18] =	ssyncset.done $0x0  }
0x1f9: {  	s20 =	rddreg [dreg:$0x7];
	[sflag:s18] =	ssyncadd.s32 $0xFFFFFF00  }
0x1fa: {  	[hbm4b:s20+s16] =	stream.strided.scatter [tilespmem:s26], [sflag:$0x4], $0x100, s17, s16, $0x38;
	[tilespmem:$0x18C80] =	vst v63  }
0x1fb: {  	_ =	swait.ge [sflag:s18], $0x100  }
0x1fc: {  	[sflag:s18] =	ssyncset.done $0x0  }
0x1fd: {  	s21 =	rddreg [dreg:$0x8];
	[sflag:s18] =	ssyncadd.s32 $0xFFFFFF00  }
0x1fe: {  	[hbm4b:s21+s16] =	stream.strided.scatter [tilespmem:s28], [sflag:$0x4], $0x100, s17, s16, $0x38;
	[tilespmem:$0x18C80] =	vst v63  }
0x1ff: {  	_ =	swait.ge [sflag:s18], $0x100  }
0x200: {  	[sflag:s18] =	ssyncset.done $0x0  }
0x201: {  	s24 =	rddreg [dreg:$0x9];
	[sflag:s18] =	ssyncadd.s32 $0xFFFFFF00  }
0x202: {  	[hbm4b:s24+s16] =	stream.strided.scatter [tilespmem:s29], [sflag:$0x4], $0x100, s17, s16, $0x38;
	[tilespmem:$0x18C80] =	vst v63  }
0x203: {  	_ =	swait.ge [sflag:s18], $0x100  }
0x204: {  	[sflag:s18] =	ssyncset.done $0x0  }
0x205: {  	s25 =	rddreg [dreg:$0xa];
	[sflag:s18] =	ssyncadd.s32 $0xFFFFFF00  }
0x206: {  	[hbm4b:s25+s16] =	stream.strided.scatter [tilespmem:s5], [sflag:$0x4], $0x100, s17, s16, $0x38;
	[tilespmem:$0x18C80] =	vst v63  }
0x207: {  	_ =	swait.ge [sflag:s18], $0x100  }
0x208: {  	[sflag:s18] =	ssyncset.done $0x0  }
0x209: {  	s20 =	rddreg [dreg:$0xb];
	[sflag:s18] =	ssyncadd.s32 $0xFFFFFF00  }
0x20a: {  	[hbm4b:s20+s16] =	stream.strided.scatter [tilespmem:s6], [sflag:$0x4], $0x100, s17, s16, $0x38;
	[tilespmem:$0x18C80] =	vst v63  }
0x20b: {  	_ =	swait.ge [sflag:s18], $0x100  }
0x20c: {  	[sflag:s18] =	ssyncset.done $0x0  }
0x20d: {  	s21 =	rddreg [dreg:$0xc];
	[sflag:s18] =	ssyncadd.s32 $0xFFFFFF00  }
0x20e: {  	[hbm4b:s21+s16] =	stream.strided.scatter [tilespmem:s7], [sflag:$0x4], $0x100, s17, s16, $0x38;
	[tilespmem:$0x18C80] =	vst v63  }
0x20f: {  	_ =	swait.ge [sflag:s18], $0x100  }
0x210: {  	[sflag:s18] =	ssyncset.done $0x0  }
0x211: {  	s24 =	rddreg [dreg:$0xd];
	[sflag:s18] =	ssyncadd.s32 $0xFFFFFF00  }
0x212: {  	[hbm4b:s24+s16] =	stream.strided.scatter [tilespmem:s8], [sflag:$0x4], $0x100, s17, s16, $0x38;
	[tilespmem:$0x18C80] =	vst v63  }
0x213: {  	_ =	swait.ge [sflag:s18], $0x100  }
0x214: {  	[sflag:s18] =	ssyncset.done $0x0  }
0x215: {  	s25 =	rddreg [dreg:$0xe];
	[sflag:s18] =	ssyncadd.s32 $0xFFFFFF00  }
0x216: {  	[hbm4b:s25+s16] =	stream.strided.scatter [tilespmem:s10], [sflag:$0x4], $0x100, s17, s16, $0x38;
	[tilespmem:$0x18C80] =	vst v63  }
0x217: {  	_ =	swait.ge [sflag:s18], $0x100  }
0x218: {  	[sflag:s18] =	ssyncset.done $0x0  }
0x219: {  	s20 =	rddreg [dreg:$0xf];
	[sflag:s18] =	ssyncadd.s32 $0xFFFFFF00  }
0x21a: {  	[hbm4b:s20+s16] =	stream.strided.scatter [tilespmem:s11], [sflag:$0x4], $0x100, s17, s16, $0x38;
	[tilespmem:$0x18C80] =	vst v63  }
0x21b: {  	_ =	swait.ge [sflag:s18], $0x100  }
0x21c: {  	[sflag:s18] =	ssyncset.done $0x0  }
0x21d: {  	s21 =	rddreg [dreg:$0x10];
	[sflag:s18] =	ssyncadd.s32 $0xFFFFFF00  }
0x21e: {  	[hbm4b:s21+s16] =	stream.strided.scatter [tilespmem:s12], [sflag:$0x4], $0x100, s17, s16, $0x38;
	[tilespmem:$0x18C80] =	vst v63  }
0x21f: {  	_ =	swait.ge [sflag:s18], $0x100  }
0x220: {  	[sflag:s18] =	ssyncset.done $0x0  }
0x221: {  	s24 =	rddreg [dreg:$0x11];
	[sflag:s18] =	ssyncadd.s32 $0xFFFFFF00  }
0x222: {  	[hbm4b:s24+s16] =	stream.strided.scatter [tilespmem:s13], [sflag:$0x4], $0x100, s17, s16, $0x38;
	[tilespmem:$0x18C80] =	vst v63  }
0x223: {  	_ =	swait.ge [sflag:s18], $0x100  }
0x224: {  	s1 =	simm.s32 $0x0;
	[sflag:s18] =	ssyncset.done $0x0  }
0x225: {  	s21 =	simm.s32 $0x18C00;
	s20 =	rddreg [dreg:$0x12];
	[sflag:s18] =	ssyncadd.s32 $0xFFFFFF00  }
0x226: {  	[hbm4b:s20+s1] =	stream.linear.scatter [tilespmem:s21], [sflag:$0x4], $0x80, $0x38;
	[tilespmem:$0x18C80] =	vst v63  }
0x227: {  	_ =	swait.ge [sflag:s18], $0x80  }
0x228: {  	s19 =	sadd.s32 $0x1, s19;
	s25 =	rddreg [dreg:$0x13]  }
0x229: {  	p0 =	sne.s32 s19, s25  }
.Ltmp4:
0x22a: {  	_ = 	snop;
	(pc) =	sbr.rel @p0 .LBB2_1-.Ltmp4, $3  }
0x22b: {  	_ =	sdelay $0x1  }
0x22c: {  	[sflag:s18] =	ssyncset.done $0x0  }
0x22d: {  	[sflag:s18] =	ssyncadd.s32 $0xFFFFFF80  }
0x22e: {  	_ =	sfence.sel $0x180000  }
0x22f: {  	[bflag:$0x0] =	sbarrier.arrive $0xFFFF  }
0x230: {  	_ =	strace $0x90000047  }
0x231: {  	s0 =	stileid.u32;
	[bflag:$0x2] =	sbarrier.arrive $0xFFFF  }
0x232: {  	p0 =	sne.s32 s0, $0x0;
	s0 =	rddreg [dreg:$0x1]  }
0x233: {  	s0 =	sadd.s32 @!p0 $0x100000, s0  }
0x234: {  	[sflag:s0] =	ssyncadd.tile.s32 @!p0 $0x1;
	_ =	shalt  }
.Lfunc_end2:
_tile_overlayer_lowered:
.L_overlay_start_2:
0x235: {  	(tag) =	ssettag $0x2  }
0x236: {  	s0 =	rddreg [dreg:$0x0];
	s2 =	stileid.u32  }
0x237: {  	s1 =	rddreg [dreg:$0x1];
	p0 =	sne.s32 s2, $0x0  }
0x238: {  	s3 =	rddreg [dreg:$0x2];
	[bflag:$0x3] =	sbarrier.arrive $0xFFFF;
	s2 =	simm.s32 @!p0 $0x1C04  }
0x239: {  	[timem:s3], [sflag:s2] =	dma.local @!p0 [hbm:s0], s1  }
0x23a: {  	s0 =	simm.s32 @!p0 $0x4  }
0x23b: {  	_ =	swait.ge @!p0 [sflag:s0], s1  }
0x23c: {  	s1 =	ssub.s32 @!p0 $0x0, s1;
	[sflag:s0] =	ssyncset.done @!p0 $0x0  }
0x23d: {  	[sflag:s0] =	ssyncadd.s32 @!p0 s1  }
0x23e: {  	[bflag:$0x3] =	sbarrier.arrive $0xFFFF  }
0x23f: {  	_ =	shalt  }

</sc_bundles>
